<compile_context>
chip_gen: v7x
topology: tpu7x:2x2x1
jax: 0.10.2.dev20260603
libtpu: 0.0.44.dev20260713+nightly
codegen_flags: <defaults>
</compile_context>

<pallas_src>
import functools

import jax
import jax.numpy as jnp
from jax import lax
from jax.experimental import pallas as pl
from jax.experimental.pallas import tpu as pltpu
from jax.experimental.pallas import tpu_sc as plsc

N_NODES = 10000
N_EDGES = 320000
D = 128

NC = 2
NS = 16
NW = NC * NS
E_PER_TILE = 10240
E_PAD = NW * E_PER_TILE
CHUNK = 128
N_CHUNKS = E_PER_TILE // CHUNK
ACC_ROWS = 10240
ROWS_PER_TILE = ACC_ROWS // NS

NB = 1024
GRID = (N_NODES + NB - 1) // NB

_mesh = lambda: plsc.VectorSubcoreMesh(core_axis_name="c", subcore_axis_name="s")


NBUF = 2
CNBUF = 4
CN_GROUPS = N_CHUNKS // CNBUF

A_CH = 120
B_CH = 2 * N_CHUNKS - A_CH


@functools.partial(
    pl.kernel,
    out_type=jax.ShapeDtypeStruct((NW, ROWS_PER_TILE, D), jnp.float32),
    mesh=_mesh(),
    scratch_types=[
        [pltpu.VMEM((CHUNK,), jnp.int32)] * NBUF,
        [pltpu.VMEM((CHUNK,), jnp.int32)] * NBUF,
        [pltpu.VMEM((CHUNK, D), jnp.float32)] * NBUF,
        pltpu.VMEM_SHARED((ACC_ROWS, D), jnp.float32),
        [pltpu.SemaphoreType.DMA] * NBUF,
        [pltpu.SemaphoreType.DMA] * NBUF,
        [pltpu.SemaphoreType.DMA] * NBUF,
    ])
def _seg_sum(table, src, dst, zrows, psum_out, src_v, dst_v, rows_v, acc,
             sem_i, sem_g, sem_s):
  c = lax.axis_index("c")
  s = lax.axis_index("s")
  wid = c * NS + s
  arow = pl.multiple_of(s * ROWS_PER_TILE, ROWS_PER_TILE)
  pltpu.sync_copy(zrows, acc.at[pl.ds(arow, ROWS_PER_TILE)])
  plsc.subcore_barrier()

  ebase = jnp.where(c == 0, s * (A_CH * CHUNK),
                    NS * (A_CH * CHUNK) + s * (B_CH * CHUNK))
  n_groups = jnp.where(c == 0, A_CH // NBUF, B_CH // NBUF)

  def idx_start(k, b):
    off = pl.multiple_of(ebase + k * CHUNK, CHUNK)
    pltpu.async_copy(src.at[pl.ds(off, CHUNK)], src_v[b], sem_i[b])
    pltpu.async_copy(dst.at[pl.ds(off, CHUNK)], dst_v[b], sem_i[b])

  def idx_wait(b):
    pltpu.make_async_copy(src.at[pl.ds(0, CHUNK)], src_v[b], sem_i[b]).wait()
    pltpu.make_async_copy(dst.at[pl.ds(0, CHUNK)], dst_v[b], sem_i[b]).wait()

  def gather_start(b):
    pltpu.async_copy(table.at[src_v[b]], rows_v[b], sem_g[b])

  def gather_wait(b):
    pltpu.make_async_copy(table.at[src_v[b]], rows_v[b], sem_g[b]).wait()

  def scatter_start(b):
    pltpu.async_copy(rows_v[b], acc.at[dst_v[b]], sem_s[b], add=True)

  def scatter_wait(b):
    pltpu.make_async_copy(rows_v[b], acc.at[dst_v[b]], sem_s[b]).wait()

  for b in range(NBUF):
    idx_start(b, b)
  for b in range(NBUF):
    idx_wait(b)
    gather_start(b)

  def group(g, carry):
    k0 = g * NBUF
    for b in range(NBUF):
      gather_wait(b)
      scatter_start(b)
    for b in range(NBUF):
      scatter_wait(b)
      idx_start(k0 + NBUF + b, b)
      idx_wait(b)
      gather_start(b)
    return carry

  lax.fori_loop(0, n_groups - 1, group, 0)
  for b in range(NBUF):
    gather_wait(b)
    scatter_start(b)
  for b in range(NBUF):
    scatter_wait(b)

  plsc.subcore_barrier()
  pltpu.sync_copy(acc.at[pl.ds(arow, ROWS_PER_TILE)], psum_out.at[wid])


@functools.partial(
    pl.kernel,
    out_type=jax.ShapeDtypeStruct((NW, ROWS_PER_TILE, D), jnp.float32),
    mesh=_mesh(),
    scratch_types=[
        [pltpu.VMEM((CHUNK,), jnp.int32)] * CNBUF,
        pltpu.VMEM((CHUNK, D), jnp.float32),
        pltpu.VMEM_SHARED((ACC_ROWS, D), jnp.float32),
        [pltpu.SemaphoreType.DMA] * CNBUF,
        [pltpu.SemaphoreType.DMA] * CNBUF,
    ])
def _count_kernel(dstids, zrows, ones_rows, cnt_out, dst_v, obuf, acc2,
                  sem_i, sem_s):
  c = lax.axis_index("c")
  s = lax.axis_index("s")
  wid = c * NS + s
  arow = pl.multiple_of(s * ROWS_PER_TILE, ROWS_PER_TILE)
  pltpu.sync_copy(ones_rows, obuf)
  pltpu.sync_copy(zrows, acc2.at[pl.ds(arow, ROWS_PER_TILE)])
  plsc.subcore_barrier()
  ebase = wid * E_PER_TILE

  def idx_start(k, b):
    off = pl.multiple_of(ebase + k * CHUNK, CHUNK)
    pltpu.async_copy(dstids.at[pl.ds(off, CHUNK)], dst_v[b], sem_i[b])

  def idx_wait(b):
    pltpu.make_async_copy(dstids.at[pl.ds(0, CHUNK)], dst_v[b],
                          sem_i[b]).wait()

  def scatter_start(b):
    pltpu.async_copy(obuf, acc2.at[dst_v[b]], sem_s[b], add=True)

  def scatter_wait(b):
    pltpu.make_async_copy(obuf, acc2.at[dst_v[b]], sem_s[b]).wait()

  for b in range(CNBUF):
    idx_start(b, b)

  def group(g, carry):
    k0 = g * CNBUF
    for b in range(CNBUF):
      idx_wait(b)
      scatter_start(b)
    for b in range(CNBUF):
      scatter_wait(b)
      idx_start(k0 + CNBUF + b, b)
    return carry

  lax.fori_loop(0, CN_GROUPS - 1, group, 0)
  for b in range(CNBUF):
    idx_wait(b)
    scatter_start(b)
  for b in range(CNBUF):
    scatter_wait(b)
  plsc.subcore_barrier()
  pltpu.sync_copy(acc2.at[pl.ds(arow, ROWS_PER_TILE)], cnt_out.at[wid])


def _mm_body(x_ref, wl_ref, wr_ref, b_ref, t_ref, r_ref):
  xb = x_ref[...]
  t_ref[...] = jnp.dot(xb, wl_ref[...], preferred_element_type=jnp.float32)
  r_ref[...] = (jnp.dot(xb, wr_ref[...], preferred_element_type=jnp.float32)
                + b_ref[...])


def _rcp_cnt(c0_ref, c1_ref):
  cnt = c0_ref[...][:, 0:1] + c1_ref[...][:, 0:1]
  return 1.0 / jnp.maximum(cnt, 1.0)


def _combine_mm_body(p0_ref, p1_ref, c0_ref, c1_ref, r_ref, wl_ref, wr_ref,
                     b_ref, t_ref, rr_ref):
  mean = (p0_ref[...] + p1_ref[...]) * _rcp_cnt(c0_ref, c1_ref)
  h = jnp.maximum(mean + r_ref[...], 0.0)
  t_ref[...] = jnp.dot(h, wl_ref[...], preferred_element_type=jnp.float32)
  rr_ref[...] = (jnp.dot(h, wr_ref[...], preferred_element_type=jnp.float32)
                 + b_ref[...])


def _final_body(p0_ref, p1_ref, c0_ref, c1_ref, r_ref, o_ref):
  o_ref[...] = ((p0_ref[...] + p1_ref[...]) * _rcp_cnt(c0_ref, c1_ref)
                + r_ref[...])


_blk = lambda i: (i, 0)
_rep2 = lambda i: (0, 0)
_w_spec = pl.BlockSpec((D, D), _rep2)
_b_spec = pl.BlockSpec((1, D), _rep2)
_row_spec = pl.BlockSpec((NB, D), _blk)

_mm = pl.pallas_call(
    _mm_body,
    grid=(GRID,),
    in_specs=[_row_spec, _w_spec, _w_spec, _b_spec],
    out_specs=[_row_spec, _row_spec],
    out_shape=[jax.ShapeDtypeStruct((N_NODES, D), jnp.float32)] * 2,
)

_combine_mm = pl.pallas_call(
    _combine_mm_body,
    grid=(GRID,),
    in_specs=[_row_spec, _row_spec, _row_spec, _row_spec, _row_spec, _w_spec,
              _w_spec, _b_spec],
    out_specs=[_row_spec, _row_spec],
    out_shape=[jax.ShapeDtypeStruct((N_NODES, D), jnp.float32)] * 2,
)

_final = pl.pallas_call(
    _final_body,
    grid=(GRID,),
    in_specs=[_row_spec, _row_spec, _row_spec, _row_spec, _row_spec],
    out_specs=_row_spec,
    out_shape=jax.ShapeDtypeStruct((N_NODES, D), jnp.float32),
)


def kernel(x, edge_index, Wl1, Wr1, b1, Wl2, Wr2, b2, Wl3, Wr3, b3):
  src = edge_index[0].astype(jnp.int32)
  dst = edge_index[1].astype(jnp.int32)
  pad = E_PAD - N_EDGES
  src = jnp.concatenate([src, jnp.zeros((pad,), jnp.int32)])
  dst = jnp.concatenate([dst, jnp.full((pad,), N_NODES, jnp.int32)])
  zrows = jnp.zeros((ROWS_PER_TILE, D), jnp.float32)
  ones_rows = jnp.ones((CHUNK, D), jnp.float32)
  b1r, b2r, b3r = (b.reshape(1, D) for b in (b1, b2, b3))

  t1, r1 = _mm(x, Wl1, Wr1, b1r)
  cnt = _count_kernel(dst, zrows, ones_rows).reshape(NC, ACC_ROWS, D)
  c0, c1 = cnt[0], cnt[1]
  P1 = _seg_sum(t1, src, dst, zrows).reshape(NC, ACC_ROWS, D)
  t2, r2 = _combine_mm(P1[0], P1[1], c0, c1, r1, Wl2, Wr2, b2r)
  P2 = _seg_sum(t2, src, dst, zrows).reshape(NC, ACC_ROWS, D)
  t3, r3 = _combine_mm(P2[0], P2[1], c0, c1, r2, Wl3, Wr3, b3r)
  P3 = _seg_sum(t3, src, dst, zrows).reshape(NC, ACC_ROWS, D)
  return _final(P3[0], P3[1], c0, c1, r3)

# --- scband reference (transcript-rebuilt; emitter-appended) ---
"""Pipeline reference for scband-sage-82386062671991 (READ-ONLY COPY).

The authoritative reference and input builder live on the scoring server;
editing this copy changes nothing except your own understanding.
"""

import jax, jax.numpy as jnp
import numpy as np

N_NODES = 10000
N_EDGES = 320000
D_IN = 128
D_HID = 128
D_OUT = 128


def setup_inputs(seed: int = 0) -> dict:
    key = jax.random.key(seed)
    ks = jax.random.split(key, 12)
    x = jax.random.normal(ks[0], (N_NODES, D_IN), dtype=jnp.float32)
    edge_index = jax.random.randint(ks[1], (2, N_EDGES), 0, N_NODES, dtype=jnp.int64)
    def lin(k, din, dout):
        s = 1.0 / np.sqrt(din)
        return jax.random.uniform(k, (din, dout), jnp.float32, -s, s)
    inp = {
        'x': x,
        'edge_index': edge_index,
        'Wl1': lin(ks[2], D_IN, D_HID), 'Wr1': lin(ks[3], D_IN, D_HID), 'b1': jnp.zeros((D_HID,), jnp.float32),
        'Wl2': lin(ks[4], D_HID, D_HID), 'Wr2': lin(ks[5], D_HID, D_HID), 'b2': jnp.zeros((D_HID,), jnp.float32),
        'Wl3': lin(ks[6], D_HID, D_OUT), 'Wr3': lin(ks[7], D_HID, D_OUT), 'b3': jnp.zeros((D_OUT,), jnp.float32),
    }
    return inp


def _sage_conv(x, edge_index, Wl, Wr, b):
    # PyG SAGEConv with mean aggregation:
    # out_i = lin_l(mean_{j in N(i)} x_j) + lin_r(x_i)
    src = edge_index[0]
    dst = edge_index[1]
    msgs = jnp.take(x, src, axis=0)
    summed = jax.ops.segment_sum(msgs, dst, num_segments=N_NODES)
    cnt = jax.ops.segment_sum(jnp.ones((msgs.shape[0],), dtype=x.dtype), dst, num_segments=N_NODES)
    mean = summed / jnp.clip(cnt, 1.0, None)[:, None]
    return mean @ Wl + x @ Wr + b


def reference(x, edge_index, Wl1, Wr1, b1, Wl2, Wr2, b2, Wl3, Wr3, b3):
    # eval mode: dropout is identity
    h = jax.nn.relu(_sage_conv(x, edge_index, Wl1, Wr1, b1))
    h = jax.nn.relu(_sage_conv(h, edge_index, Wl2, Wr2, b2))
    out = _sage_conv(h, edge_index, Wl3, Wr3, b3)
    return out

if __name__ == "__main__":
    import jax
    _d = setup_inputs()
    print(jax.jit(kernel)(*tuple(_d.values())))

</pallas_src>

<mosaic_0001>
#map = affine_map<(d0, d1) -> (0, 0)>
#map1 = affine_map<(d0, d1) -> (0)>
#map2 = affine_map<(d0, d1) -> (0, 0, 0)>
module attributes {stable_mosaic.version = 14 : i64} {
  func.func @_seg_sum(%arg0: i32, %arg1: i32, %arg2: memref<10000x128xf32, #tpu.memory_space<hbm>>, %arg3: memref<327680xi32, #tpu.memory_space<hbm>>, %arg4: memref<327680xi32, #tpu.memory_space<hbm>>, %arg5: memref<640x128xf32, #tpu.memory_space<hbm>>, %arg6: memref<32x640x128xf32, #tpu.memory_space<hbm>>, %arg7: memref<128xi32, #tpu.memory_space<vmem>>, %arg8: memref<128xi32, #tpu.memory_space<vmem>>, %arg9: memref<128xi32, #tpu.memory_space<vmem>>, %arg10: memref<128xi32, #tpu.memory_space<vmem>>, %arg11: memref<128x128xf32, #tpu.memory_space<vmem>>, %arg12: memref<128x128xf32, #tpu.memory_space<vmem>>, %arg13: memref<10240x128xf32, #tpu.memory_space<vmem_shared>>, %arg14: memref<!tpu.dma_semaphore, #tpu.memory_space<semaphore_mem>>, %arg15: memref<!tpu.dma_semaphore, #tpu.memory_space<semaphore_mem>>, %arg16: memref<!tpu.dma_semaphore, #tpu.memory_space<semaphore_mem>>, %arg17: memref<!tpu.dma_semaphore, #tpu.memory_space<semaphore_mem>>, %arg18: memref<!tpu.dma_semaphore, #tpu.memory_space<semaphore_mem>>, %arg19: memref<!tpu.dma_semaphore, #tpu.memory_space<semaphore_mem>>) attributes {dimension_semantics = [#tpu.dimension_semantics<core_parallel>, #tpu.dimension_semantics<subcore_parallel>], iteration_bounds = array<i64: 2, 16>, scalar_prefetch = 0 : i64, scratch_operands = 13 : i64, tpu.core_type = #tpu.core_type<sc_vector_subcore>, window_params = [{transform_indices = #map}, {transform_indices = #map1}, {transform_indices = #map1}, {transform_indices = #map}, {transform_indices = #map2}]} {
    %mul3A = arith.constant 16 : i32
    %mul3A_0 = arith.muli %arg0, %mul3A : i32
    %add3A = arith.addi %mul3A_0, %arg1 : i32
    %mul3A_1 = arith.constant 640 : i32
    %mul3A_2 = arith.muli %arg1, %mul3A_1 : i32
    %multiple_of3A = tpu.assume_multiple %mul3A_2, 640 : i32
    "tpu.region"() ({
      %run_scoped3A = tpu.sem_alloc : memref<!tpu.dma_semaphore, #tpu.memory_space<semaphore_mem>>
      %dma_start3A_77 = arith.constant 0 : i32
      %dma_start3A_78 = tpu.memref_slice %arg13[%multiple_of3A, %dma_start3A_77] : memref<10240x128xf32, #tpu.memory_space<vmem_shared>> -> memref<640x128xf32, #tpu.memory_space<vmem_shared>>
      tpu.enqueue_dma source(%arg5 : memref<640x128xf32, #tpu.memory_space<hbm>>) target(%dma_start3A_78 : memref<640x128xf32, #tpu.memory_space<vmem_shared>>) target_semaphore(%run_scoped3A : memref<!tpu.dma_semaphore, #tpu.memory_space<semaphore_mem>>)
      %dma_wait3A_79 = arith.constant 0 : i32
      %dma_wait3A_80 = tpu.memref_slice %arg13[%multiple_of3A, %dma_wait3A_79] : memref<10240x128xf32, #tpu.memory_space<vmem_shared>> -> memref<640x128xf32, #tpu.memory_space<vmem_shared>>
      tpu.wait_dma2 semaphore(%run_scoped3A : memref<!tpu.dma_semaphore, #tpu.memory_space<semaphore_mem>>) src(%arg5 : memref<640x128xf32, #tpu.memory_space<hbm>>) dst(%dma_wait3A_80 : memref<640x128xf32, #tpu.memory_space<vmem_shared>>)
      tpu.yield
    }) : () -> ()
    %barrier3A = arith.constant 0 : index
    tpu.barrier barrier_id(%barrier3A)
    %eq3A = arith.constant 0 : i32
    %eq3A_3 = arith.cmpi eq, %arg0, %eq3A : i32
    %mul3A_4 = arith.constant 15360 : i32
    %mul3A_5 = arith.muli %arg1, %mul3A_4 : i32
    %mul3A_6 = arith.constant 5120 : i32
    %mul3A_7 = arith.muli %arg1, %mul3A_6 : i32
    %add3A_8 = arith.constant 245760 : i32
    %add3A_9 = arith.addi %add3A_8, %mul3A_7 : i32
    %select_n3A = arith.select %eq3A_3, %mul3A_5, %add3A_9 : i32
    %eq3A_10 = arith.constant 0 : i32
    %eq3A_11 = arith.cmpi eq, %arg0, %eq3A_10 : i32
    %jit3A = arith.constant 60 : i32
    %jit3A_12 = arith.constant 20 : i32
    %select_n3A_13 = arith.select %eq3A_11, %jit3A, %jit3A_12 : i32
    %add3A_14 = arith.constant 0 : i32
    %add3A_15 = arith.addi %select_n3A, %add3A_14 : i32
    %multiple_of3A_16 = tpu.assume_multiple %add3A_15, 128 : i32
    %dma_start3A = tpu.memref_slice %arg3[%multiple_of3A_16] : memref<327680xi32, #tpu.memory_space<hbm>> -> memref<128xi32, #tpu.memory_space<hbm>>
    %dma_start3A_17 = tpu.memref_slice %arg3[%multiple_of3A_16] : memref<327680xi32, #tpu.memory_space<hbm>> -> memref<128xi32, #tpu.memory_space<hbm>>
    tpu.enqueue_dma source(%dma_start3A_17 : memref<128xi32, #tpu.memory_space<hbm>>) target(%arg7 : memref<128xi32, #tpu.memory_space<vmem>>) target_semaphore(%arg14 : memref<!tpu.dma_semaphore, #tpu.memory_space<semaphore_mem>>)
    %dma_start3A_18 = tpu.memref_slice %arg4[%multiple_of3A_16] : memref<327680xi32, #tpu.memory_space<hbm>> -> memref<128xi32, #tpu.memory_space<hbm>>
    %dma_start3A_19 = tpu.memref_slice %arg4[%multiple_of3A_16] : memref<327680xi32, #tpu.memory_space<hbm>> -> memref<128xi32, #tpu.memory_space<hbm>>
    tpu.enqueue_dma source(%dma_start3A_19 : memref<128xi32, #tpu.memory_space<hbm>>) target(%arg9 : memref<128xi32, #tpu.memory_space<vmem>>) target_semaphore(%arg14 : memref<!tpu.dma_semaphore, #tpu.memory_space<semaphore_mem>>)
    %add3A_20 = arith.constant 128 : i32
    %add3A_21 = arith.addi %select_n3A, %add3A_20 : i32
    %multiple_of3A_22 = tpu.assume_multiple %add3A_21, 128 : i32
    %dma_start3A_23 = tpu.memref_slice %arg3[%multiple_of3A_22] : memref<327680xi32, #tpu.memory_space<hbm>> -> memref<128xi32, #tpu.memory_space<hbm>>
    %dma_start3A_24 = tpu.memref_slice %arg3[%multiple_of3A_22] : memref<327680xi32, #tpu.memory_space<hbm>> -> memref<128xi32, #tpu.memory_space<hbm>>
    tpu.enqueue_dma source(%dma_start3A_24 : memref<128xi32, #tpu.memory_space<hbm>>) target(%arg8 : memref<128xi32, #tpu.memory_space<vmem>>) target_semaphore(%arg15 : memref<!tpu.dma_semaphore, #tpu.memory_space<semaphore_mem>>)
    %dma_start3A_25 = tpu.memref_slice %arg4[%multiple_of3A_22] : memref<327680xi32, #tpu.memory_space<hbm>> -> memref<128xi32, #tpu.memory_space<hbm>>
    %dma_start3A_26 = tpu.memref_slice %arg4[%multiple_of3A_22] : memref<327680xi32, #tpu.memory_space<hbm>> -> memref<128xi32, #tpu.memory_space<hbm>>
    tpu.enqueue_dma source(%dma_start3A_26 : memref<128xi32, #tpu.memory_space<hbm>>) target(%arg10 : memref<128xi32, #tpu.memory_space<vmem>>) target_semaphore(%arg15 : memref<!tpu.dma_semaphore, #tpu.memory_space<semaphore_mem>>)
    %dma_wait3A = arith.constant 0 : i32
    %dma_wait3A_27 = tpu.memref_slice %arg3[%dma_wait3A] : memref<327680xi32, #tpu.memory_space<hbm>> -> memref<128xi32, #tpu.memory_space<hbm>>
    %dma_wait3A_28 = arith.constant 0 : i32
    %dma_wait3A_29 = tpu.memref_slice %arg3[%dma_wait3A_28] : memref<327680xi32, #tpu.memory_space<hbm>> -> memref<128xi32, #tpu.memory_space<hbm>>
    tpu.wait_dma2 semaphore(%arg14 : memref<!tpu.dma_semaphore, #tpu.memory_space<semaphore_mem>>) src(%dma_wait3A_29 : memref<128xi32, #tpu.memory_space<hbm>>) dst(%arg7 : memref<128xi32, #tpu.memory_space<vmem>>)
    %dma_wait3A_30 = arith.constant 0 : i32
    %dma_wait3A_31 = tpu.memref_slice %arg4[%dma_wait3A_30] : memref<327680xi32, #tpu.memory_space<hbm>> -> memref<128xi32, #tpu.memory_space<hbm>>
    %dma_wait3A_32 = arith.constant 0 : i32
    %dma_wait3A_33 = tpu.memref_slice %arg4[%dma_wait3A_32] : memref<327680xi32, #tpu.memory_space<hbm>> -> memref<128xi32, #tpu.memory_space<hbm>>
    tpu.wait_dma2 semaphore(%arg14 : memref<!tpu.dma_semaphore, #tpu.memory_space<semaphore_mem>>) src(%dma_wait3A_33 : memref<128xi32, #tpu.memory_space<hbm>>) dst(%arg9 : memref<128xi32, #tpu.memory_space<vmem>>)
    %dma_start3A_34 = arith.constant 0 : i32
    %dma_start3A_35 = arith.constant 0 : i32
    %dma_start3A_36 = tpu.memref_slice %arg2[%dma_start3A_34, %dma_start3A_35] : memref<10000x128xf32, #tpu.memory_space<hbm>> -> memref<10000x128xf32, #tpu.memory_space<hbm>>
    tpu.enqueue_indirect_dma source(%dma_start3A_36 : memref<10000x128xf32, #tpu.memory_space<hbm>>) target(%arg11 : memref<128x128xf32, #tpu.memory_space<vmem>>) offsets(%arg7 : memref<128xi32, #tpu.memory_space<vmem>>) semaphore(%arg16 : memref<!tpu.dma_semaphore, #tpu.memory_space<semaphore_mem>>)
    %dma_wait3A_37 = arith.constant 0 : i32
    %dma_wait3A_38 = tpu.memref_slice %arg3[%dma_wait3A_37] : memref<327680xi32, #tpu.memory_space<hbm>> -> memref<128xi32, #tpu.memory_space<hbm>>
    %dma_wait3A_39 = arith.constant 0 : i32
    %dma_wait3A_40 = tpu.memref_slice %arg3[%dma_wait3A_39] : memref<327680xi32, #tpu.memory_space<hbm>> -> memref<128xi32, #tpu.memory_space<hbm>>
    tpu.wait_dma2 semaphore(%arg15 : memref<!tpu.dma_semaphore, #tpu.memory_space<semaphore_mem>>) src(%dma_wait3A_40 : memref<128xi32, #tpu.memory_space<hbm>>) dst(%arg8 : memref<128xi32, #tpu.memory_space<vmem>>)
    %dma_wait3A_41 = arith.constant 0 : i32
    %dma_wait3A_42 = tpu.memref_slice %arg4[%dma_wait3A_41] : memref<327680xi32, #tpu.memory_space<hbm>> -> memref<128xi32, #tpu.memory_space<hbm>>
    %dma_wait3A_43 = arith.constant 0 : i32
    %dma_wait3A_44 = tpu.memref_slice %arg4[%dma_wait3A_43] : memref<327680xi32, #tpu.memory_space<hbm>> -> memref<128xi32, #tpu.memory_space<hbm>>
    tpu.wait_dma2 semaphore(%arg15 : memref<!tpu.dma_semaphore, #tpu.memory_space<semaphore_mem>>) src(%dma_wait3A_44 : memref<128xi32, #tpu.memory_space<hbm>>) dst(%arg10 : memref<128xi32, #tpu.memory_space<vmem>>)
    %dma_start3A_45 = arith.constant 0 : i32
    %dma_start3A_46 = arith.constant 0 : i32
    %dma_start3A_47 = tpu.memref_slice %arg2[%dma_start3A_45, %dma_start3A_46] : memref<10000x128xf32, #tpu.memory_space<hbm>> -> memref<10000x128xf32, #tpu.memory_space<hbm>>
    tpu.enqueue_indirect_dma source(%dma_start3A_47 : memref<10000x128xf32, #tpu.memory_space<hbm>>) target(%arg12 : memref<128x128xf32, #tpu.memory_space<vmem>>) offsets(%arg8 : memref<128xi32, #tpu.memory_space<vmem>>) semaphore(%arg17 : memref<!tpu.dma_semaphore, #tpu.memory_space<semaphore_mem>>)
    %sub3A = arith.constant 1 : i32
    %sub3A_48 = arith.subi %select_n3A_13, %sub3A : i32
    %while3A = arith.constant 0 : i32
    %while3A_49 = arith.constant 0 : i32
    %while3A_50 = arith.subi %sub3A_48, %while3A_49 : i32
    %while3A_51 = arith.addi %while3A_49, %while3A_50 : i32
    %while3A_52 = arith.constant 1 : i32
    %while3A_53 = arith.divsi %while3A_50, %while3A_52 : i32
    %while3A_54 = arith.muli %while3A_53, %while3A_52 : i32
    %while3A_55 = arith.addi %while3A_49, %while3A_54 : i32
    %while3A_56 = arith.constant 1 : i32
    scf.for %while3A_77 = %while3A_49 to %while3A_55 step %while3A_56  : i32 {
      %mul3A_78 = arith.constant 2 : i32
      %mul3A_79 = arith.muli %while3A_77, %mul3A_78 : i32
      %dma_wait3A_80 = arith.constant 0 : i32
      %dma_wait3A_81 = arith.constant 0 : i32
      %dma_wait3A_82 = tpu.memref_slice %arg2[%dma_wait3A_80, %dma_wait3A_81] : memref<10000x128xf32, #tpu.memory_space<hbm>> -> memref<10000x128xf32, #tpu.memory_space<hbm>>
      tpu.wait_indirect_dma semaphore(%arg16 : memref<!tpu.dma_semaphore, #tpu.memory_space<semaphore_mem>>) src(%dma_wait3A_82 : memref<10000x128xf32, #tpu.memory_space<hbm>>) dst(%arg11 : memref<128x128xf32, #tpu.memory_space<vmem>>)
      %dma_start3A_83 = arith.constant 0 : i32
      %dma_start3A_84 = arith.constant 0 : i32
      %dma_start3A_85 = tpu.memref_slice %arg13[%dma_start3A_83, %dma_start3A_84] : memref<10240x128xf32, #tpu.memory_space<vmem_shared>> -> memref<10240x128xf32, #tpu.memory_space<vmem_shared>>
      tpu.enqueue_indirect_dma source(%arg11 : memref<128x128xf32, #tpu.memory_space<vmem>>) target(%dma_start3A_85 : memref<10240x128xf32, #tpu.memory_space<vmem_shared>>) offsets(%arg9 : memref<128xi32, #tpu.memory_space<vmem>>) semaphore(%arg18 : memref<!tpu.dma_semaphore, #tpu.memory_space<semaphore_mem>>) {add = true}
      %dma_wait3A_86 = arith.constant 0 : i32
      %dma_wait3A_87 = arith.constant 0 : i32
      %dma_wait3A_88 = tpu.memref_slice %arg2[%dma_wait3A_86, %dma_wait3A_87] : memref<10000x128xf32, #tpu.memory_space<hbm>> -> memref<10000x128xf32, #tpu.memory_space<hbm>>
      tpu.wait_indirect_dma semaphore(%arg17 : memref<!tpu.dma_semaphore, #tpu.memory_space<semaphore_mem>>) src(%dma_wait3A_88 : memref<10000x128xf32, #tpu.memory_space<hbm>>) dst(%arg12 : memref<128x128xf32, #tpu.memory_space<vmem>>)
      %dma_start3A_89 = arith.constant 0 : i32
      %dma_start3A_90 = arith.constant 0 : i32
      %dma_start3A_91 = tpu.memref_slice %arg13[%dma_start3A_89, %dma_start3A_90] : memref<10240x128xf32, #tpu.memory_space<vmem_shared>> -> memref<10240x128xf32, #tpu.memory_space<vmem_shared>>
      tpu.enqueue_indirect_dma source(%arg12 : memref<128x128xf32, #tpu.memory_space<vmem>>) target(%dma_start3A_91 : memref<10240x128xf32, #tpu.memory_space<vmem_shared>>) offsets(%arg10 : memref<128xi32, #tpu.memory_space<vmem>>) semaphore(%arg19 : memref<!tpu.dma_semaphore, #tpu.memory_space<semaphore_mem>>) {add = true}
      %dma_wait3A_92 = arith.constant 0 : i32
      %dma_wait3A_93 = arith.constant 0 : i32
      %dma_wait3A_94 = tpu.memref_slice %arg13[%dma_wait3A_92, %dma_wait3A_93] : memref<10240x128xf32, #tpu.memory_space<vmem_shared>> -> memref<10240x128xf32, #tpu.memory_space<vmem_shared>>
      tpu.wait_indirect_dma semaphore(%arg18 : memref<!tpu.dma_semaphore, #tpu.memory_space<semaphore_mem>>) src(%arg11 : memref<128x128xf32, #tpu.memory_space<vmem>>) dst(%dma_wait3A_94 : memref<10240x128xf32, #tpu.memory_space<vmem_shared>>)
      %add3A_95 = arith.constant 2 : i32
      %add3A_96 = arith.addi %mul3A_79, %add3A_95 : i32
      %add3A_97 = arith.constant 0 : i32
      %add3A_98 = arith.addi %add3A_96, %add3A_97 : i32
      %mul3A_99 = arith.constant 128 : i32
      %mul3A_100 = arith.muli %add3A_98, %mul3A_99 : i32
      %add3A_101 = arith.addi %select_n3A, %mul3A_100 : i32
      %multiple_of3A_102 = tpu.assume_multiple %add3A_101, 128 : i32
      %dma_start3A_103 = tpu.memref_slice %arg3[%multiple_of3A_102] : memref<327680xi32, #tpu.memory_space<hbm>> -> memref<128xi32, #tpu.memory_space<hbm>>
      %dma_start3A_104 = tpu.memref_slice %arg3[%multiple_of3A_102] : memref<327680xi32, #tpu.memory_space<hbm>> -> memref<128xi32, #tpu.memory_space<hbm>>
      tpu.enqueue_dma source(%dma_start3A_104 : memref<128xi32, #tpu.memory_space<hbm>>) target(%arg7 : memref<128xi32, #tpu.memory_space<vmem>>) target_semaphore(%arg14 : memref<!tpu.dma_semaphore, #tpu.memory_space<semaphore_mem>>)
      %dma_start3A_105 = tpu.memref_slice %arg4[%multiple_of3A_102] : memref<327680xi32, #tpu.memory_space<hbm>> -> memref<128xi32, #tpu.memory_space<hbm>>
      %dma_start3A_106 = tpu.memref_slice %arg4[%multiple_of3A_102] : memref<327680xi32, #tpu.memory_space<hbm>> -> memref<128xi32, #tpu.memory_space<hbm>>
      tpu.enqueue_dma source(%dma_start3A_106 : memref<128xi32, #tpu.memory_space<hbm>>) target(%arg9 : memref<128xi32, #tpu.memory_space<vmem>>) target_semaphore(%arg14 : memref<!tpu.dma_semaphore, #tpu.memory_space<semaphore_mem>>)
      %dma_wait3A_107 = arith.constant 0 : i32
      %dma_wait3A_108 = tpu.memref_slice %arg3[%dma_wait3A_107] : memref<327680xi32, #tpu.memory_space<hbm>> -> memref<128xi32, #tpu.memory_space<hbm>>
      %dma_wait3A_109 = arith.constant 0 : i32
      %dma_wait3A_110 = tpu.memref_slice %arg3[%dma_wait3A_109] : memref<327680xi32, #tpu.memory_space<hbm>> -> memref<128xi32, #tpu.memory_space<hbm>>
      tpu.wait_dma2 semaphore(%arg14 : memref<!tpu.dma_semaphore, #tpu.memory_space<semaphore_mem>>) src(%dma_wait3A_110 : memref<128xi32, #tpu.memory_space<hbm>>) dst(%arg7 : memref<128xi32, #tpu.memory_space<vmem>>)
      %dma_wait3A_111 = arith.constant 0 : i32
      %dma_wait3A_112 = tpu.memref_slice %arg4[%dma_wait3A_111] : memref<327680xi32, #tpu.memory_space<hbm>> -> memref<128xi32, #tpu.memory_space<hbm>>
      %dma_wait3A_113 = arith.constant 0 : i32
      %dma_wait3A_114 = tpu.memref_slice %arg4[%dma_wait3A_113] : memref<327680xi32, #tpu.memory_space<hbm>> -> memref<128xi32, #tpu.memory_space<hbm>>
      tpu.wait_dma2 semaphore(%arg14 : memref<!tpu.dma_semaphore, #tpu.memory_space<semaphore_mem>>) src(%dma_wait3A_114 : memref<128xi32, #tpu.memory_space<hbm>>) dst(%arg9 : memref<128xi32, #tpu.memory_space<vmem>>)
      %dma_start3A_115 = arith.constant 0 : i32
      %dma_start3A_116 = arith.constant 0 : i32
      %dma_start3A_117 = tpu.memref_slice %arg2[%dma_start3A_115, %dma_start3A_116] : memref<10000x128xf32, #tpu.memory_space<hbm>> -> memref<10000x128xf32, #tpu.memory_space<hbm>>
      tpu.enqueue_indirect_dma source(%dma_start3A_117 : memref<10000x128xf32, #tpu.memory_space<hbm>>) target(%arg11 : memref<128x128xf32, #tpu.memory_space<vmem>>) offsets(%arg7 : memref<128xi32, #tpu.memory_space<vmem>>) semaphore(%arg16 : memref<!tpu.dma_semaphore, #tpu.memory_space<semaphore_mem>>)
      %dma_wait3A_118 = arith.constant 0 : i32
      %dma_wait3A_119 = arith.constant 0 : i32
      %dma_wait3A_120 = tpu.memref_slice %arg13[%dma_wait3A_118, %dma_wait3A_119] : memref<10240x128xf32, #tpu.memory_space<vmem_shared>> -> memref<10240x128xf32, #tpu.memory_space<vmem_shared>>
      tpu.wait_indirect_dma semaphore(%arg19 : memref<!tpu.dma_semaphore, #tpu.memory_space<semaphore_mem>>) src(%arg12 : memref<128x128xf32, #tpu.memory_space<vmem>>) dst(%dma_wait3A_120 : memref<10240x128xf32, #tpu.memory_space<vmem_shared>>)
      %add3A_121 = arith.constant 2 : i32
      %add3A_122 = arith.addi %mul3A_79, %add3A_121 : i32
      %add3A_123 = arith.constant 1 : i32
      %add3A_124 = arith.addi %add3A_122, %add3A_123 : i32
      %mul3A_125 = arith.constant 128 : i32
      %mul3A_126 = arith.muli %add3A_124, %mul3A_125 : i32
      %add3A_127 = arith.addi %select_n3A, %mul3A_126 : i32
      %multiple_of3A_128 = tpu.assume_multiple %add3A_127, 128 : i32
      %dma_start3A_129 = tpu.memref_slice %arg3[%multiple_of3A_128] : memref<327680xi32, #tpu.memory_space<hbm>> -> memref<128xi32, #tpu.memory_space<hbm>>
      %dma_start3A_130 = tpu.memref_slice %arg3[%multiple_of3A_128] : memref<327680xi32, #tpu.memory_space<hbm>> -> memref<128xi32, #tpu.memory_space<hbm>>
      tpu.enqueue_dma source(%dma_start3A_130 : memref<128xi32, #tpu.memory_space<hbm>>) target(%arg8 : memref<128xi32, #tpu.memory_space<vmem>>) target_semaphore(%arg15 : memref<!tpu.dma_semaphore, #tpu.memory_space<semaphore_mem>>)
      %dma_start3A_131 = tpu.memref_slice %arg4[%multiple_of3A_128] : memref<327680xi32, #tpu.memory_space<hbm>> -> memref<128xi32, #tpu.memory_space<hbm>>
      %dma_start3A_132 = tpu.memref_slice %arg4[%multiple_of3A_128] : memref<327680xi32, #tpu.memory_space<hbm>> -> memref<128xi32, #tpu.memory_space<hbm>>
      tpu.enqueue_dma source(%dma_start3A_132 : memref<128xi32, #tpu.memory_space<hbm>>) target(%arg10 : memref<128xi32, #tpu.memory_space<vmem>>) target_semaphore(%arg15 : memref<!tpu.dma_semaphore, #tpu.memory_space<semaphore_mem>>)
      %dma_wait3A_133 = arith.constant 0 : i32
      %dma_wait3A_134 = tpu.memref_slice %arg3[%dma_wait3A_133] : memref<327680xi32, #tpu.memory_space<hbm>> -> memref<128xi32, #tpu.memory_space<hbm>>
      %dma_wait3A_135 = arith.constant 0 : i32
      %dma_wait3A_136 = tpu.memref_slice %arg3[%dma_wait3A_135] : memref<327680xi32, #tpu.memory_space<hbm>> -> memref<128xi32, #tpu.memory_space<hbm>>
      tpu.wait_dma2 semaphore(%arg15 : memref<!tpu.dma_semaphore, #tpu.memory_space<semaphore_mem>>) src(%dma_wait3A_136 : memref<128xi32, #tpu.memory_space<hbm>>) dst(%arg8 : memref<128xi32, #tpu.memory_space<vmem>>)
      %dma_wait3A_137 = arith.constant 0 : i32
      %dma_wait3A_138 = tpu.memref_slice %arg4[%dma_wait3A_137] : memref<327680xi32, #tpu.memory_space<hbm>> -> memref<128xi32, #tpu.memory_space<hbm>>
      %dma_wait3A_139 = arith.constant 0 : i32
      %dma_wait3A_140 = tpu.memref_slice %arg4[%dma_wait3A_139] : memref<327680xi32, #tpu.memory_space<hbm>> -> memref<128xi32, #tpu.memory_space<hbm>>
      tpu.wait_dma2 semaphore(%arg15 : memref<!tpu.dma_semaphore, #tpu.memory_space<semaphore_mem>>) src(%dma_wait3A_140 : memref<128xi32, #tpu.memory_space<hbm>>) dst(%arg10 : memref<128xi32, #tpu.memory_space<vmem>>)
      %dma_start3A_141 = arith.constant 0 : i32
      %dma_start3A_142 = arith.constant 0 : i32
      %dma_start3A_143 = tpu.memref_slice %arg2[%dma_start3A_141, %dma_start3A_142] : memref<10000x128xf32, #tpu.memory_space<hbm>> -> memref<10000x128xf32, #tpu.memory_space<hbm>>
      tpu.enqueue_indirect_dma source(%dma_start3A_143 : memref<10000x128xf32, #tpu.memory_space<hbm>>) target(%arg12 : memref<128x128xf32, #tpu.memory_space<vmem>>) offsets(%arg8 : memref<128xi32, #tpu.memory_space<vmem>>) semaphore(%arg17 : memref<!tpu.dma_semaphore, #tpu.memory_space<semaphore_mem>>)
    }
    %while3A_57 = arith.constant 1 : i32
    scf.for %while3A_77 = %while3A_55 to %while3A_51 step %while3A_57  : i32 {
      %mul3A_78 = arith.constant 2 : i32
      %mul3A_79 = arith.muli %while3A_77, %mul3A_78 : i32
      %dma_wait3A_80 = arith.constant 0 : i32
      %dma_wait3A_81 = arith.constant 0 : i32
      %dma_wait3A_82 = tpu.memref_slice %arg2[%dma_wait3A_80, %dma_wait3A_81] : memref<10000x128xf32, #tpu.memory_space<hbm>> -> memref<10000x128xf32, #tpu.memory_space<hbm>>
      tpu.wait_indirect_dma semaphore(%arg16 : memref<!tpu.dma_semaphore, #tpu.memory_space<semaphore_mem>>) src(%dma_wait3A_82 : memref<10000x128xf32, #tpu.memory_space<hbm>>) dst(%arg11 : memref<128x128xf32, #tpu.memory_space<vmem>>)
      %dma_start3A_83 = arith.constant 0 : i32
      %dma_start3A_84 = arith.constant 0 : i32
      %dma_start3A_85 = tpu.memref_slice %arg13[%dma_start3A_83, %dma_start3A_84] : memref<10240x128xf32, #tpu.memory_space<vmem_shared>> -> memref<10240x128xf32, #tpu.memory_space<vmem_shared>>
      tpu.enqueue_indirect_dma source(%arg11 : memref<128x128xf32, #tpu.memory_space<vmem>>) target(%dma_start3A_85 : memref<10240x128xf32, #tpu.memory_space<vmem_shared>>) offsets(%arg9 : memref<128xi32, #tpu.memory_space<vmem>>) semaphore(%arg18 : memref<!tpu.dma_semaphore, #tpu.memory_space<semaphore_mem>>) {add = true}
      %dma_wait3A_86 = arith.constant 0 : i32
      %dma_wait3A_87 = arith.constant 0 : i32
      %dma_wait3A_88 = tpu.memref_slice %arg2[%dma_wait3A_86, %dma_wait3A_87] : memref<10000x128xf32, #tpu.memory_space<hbm>> -> memref<10000x128xf32, #tpu.memory_space<hbm>>
      tpu.wait_indirect_dma semaphore(%arg17 : memref<!tpu.dma_semaphore, #tpu.memory_space<semaphore_mem>>) src(%dma_wait3A_88 : memref<10000x128xf32, #tpu.memory_space<hbm>>) dst(%arg12 : memref<128x128xf32, #tpu.memory_space<vmem>>)
      %dma_start3A_89 = arith.constant 0 : i32
      %dma_start3A_90 = arith.constant 0 : i32
      %dma_start3A_91 = tpu.memref_slice %arg13[%dma_start3A_89, %dma_start3A_90] : memref<10240x128xf32, #tpu.memory_space<vmem_shared>> -> memref<10240x128xf32, #tpu.memory_space<vmem_shared>>
      tpu.enqueue_indirect_dma source(%arg12 : memref<128x128xf32, #tpu.memory_space<vmem>>) target(%dma_start3A_91 : memref<10240x128xf32, #tpu.memory_space<vmem_shared>>) offsets(%arg10 : memref<128xi32, #tpu.memory_space<vmem>>) semaphore(%arg19 : memref<!tpu.dma_semaphore, #tpu.memory_space<semaphore_mem>>) {add = true}
      %dma_wait3A_92 = arith.constant 0 : i32
      %dma_wait3A_93 = arith.constant 0 : i32
      %dma_wait3A_94 = tpu.memref_slice %arg13[%dma_wait3A_92, %dma_wait3A_93] : memref<10240x128xf32, #tpu.memory_space<vmem_shared>> -> memref<10240x128xf32, #tpu.memory_space<vmem_shared>>
      tpu.wait_indirect_dma semaphore(%arg18 : memref<!tpu.dma_semaphore, #tpu.memory_space<semaphore_mem>>) src(%arg11 : memref<128x128xf32, #tpu.memory_space<vmem>>) dst(%dma_wait3A_94 : memref<10240x128xf32, #tpu.memory_space<vmem_shared>>)
      %add3A_95 = arith.constant 2 : i32
      %add3A_96 = arith.addi %mul3A_79, %add3A_95 : i32
      %add3A_97 = arith.constant 0 : i32
      %add3A_98 = arith.addi %add3A_96, %add3A_97 : i32
      %mul3A_99 = arith.constant 128 : i32
      %mul3A_100 = arith.muli %add3A_98, %mul3A_99 : i32
      %add3A_101 = arith.addi %select_n3A, %mul3A_100 : i32
      %multiple_of3A_102 = tpu.assume_multiple %add3A_101, 128 : i32
      %dma_start3A_103 = tpu.memref_slice %arg3[%multiple_of3A_102] : memref<327680xi32, #tpu.memory_space<hbm>> -> memref<128xi32, #tpu.memory_space<hbm>>
      %dma_start3A_104 = tpu.memref_slice %arg3[%multiple_of3A_102] : memref<327680xi32, #tpu.memory_space<hbm>> -> memref<128xi32, #tpu.memory_space<hbm>>
      tpu.enqueue_dma source(%dma_start3A_104 : memref<128xi32, #tpu.memory_space<hbm>>) target(%arg7 : memref<128xi32, #tpu.memory_space<vmem>>) target_semaphore(%arg14 : memref<!tpu.dma_semaphore, #tpu.memory_space<semaphore_mem>>)
      %dma_start3A_105 = tpu.memref_slice %arg4[%multiple_of3A_102] : memref<327680xi32, #tpu.memory_space<hbm>> -> memref<128xi32, #tpu.memory_space<hbm>>
      %dma_start3A_106 = tpu.memref_slice %arg4[%multiple_of3A_102] : memref<327680xi32, #tpu.memory_space<hbm>> -> memref<128xi32, #tpu.memory_space<hbm>>
      tpu.enqueue_dma source(%dma_start3A_106 : memref<128xi32, #tpu.memory_space<hbm>>) target(%arg9 : memref<128xi32, #tpu.memory_space<vmem>>) target_semaphore(%arg14 : memref<!tpu.dma_semaphore, #tpu.memory_space<semaphore_mem>>)
      %dma_wait3A_107 = arith.constant 0 : i32
      %dma_wait3A_108 = tpu.memref_slice %arg3[%dma_wait3A_107] : memref<327680xi32, #tpu.memory_space<hbm>> -> memref<128xi32, #tpu.memory_space<hbm>>
      %dma_wait3A_109 = arith.constant 0 : i32
      %dma_wait3A_110 = tpu.memref_slice %arg3[%dma_wait3A_109] : memref<327680xi32, #tpu.memory_space<hbm>> -> memref<128xi32, #tpu.memory_space<hbm>>
      tpu.wait_dma2 semaphore(%arg14 : memref<!tpu.dma_semaphore, #tpu.memory_space<semaphore_mem>>) src(%dma_wait3A_110 : memref<128xi32, #tpu.memory_space<hbm>>) dst(%arg7 : memref<128xi32, #tpu.memory_space<vmem>>)
      %dma_wait3A_111 = arith.constant 0 : i32
      %dma_wait3A_112 = tpu.memref_slice %arg4[%dma_wait3A_111] : memref<327680xi32, #tpu.memory_space<hbm>> -> memref<128xi32, #tpu.memory_space<hbm>>
      %dma_wait3A_113 = arith.constant 0 : i32
      %dma_wait3A_114 = tpu.memref_slice %arg4[%dma_wait3A_113] : memref<327680xi32, #tpu.memory_space<hbm>> -> memref<128xi32, #tpu.memory_space<hbm>>
      tpu.wait_dma2 semaphore(%arg14 : memref<!tpu.dma_semaphore, #tpu.memory_space<semaphore_mem>>) src(%dma_wait3A_114 : memref<128xi32, #tpu.memory_space<hbm>>) dst(%arg9 : memref<128xi32, #tpu.memory_space<vmem>>)
      %dma_start3A_115 = arith.constant 0 : i32
      %dma_start3A_116 = arith.constant 0 : i32
      %dma_start3A_117 = tpu.memref_slice %arg2[%dma_start3A_115, %dma_start3A_116] : memref<10000x128xf32, #tpu.memory_space<hbm>> -> memref<10000x128xf32, #tpu.memory_space<hbm>>
      tpu.enqueue_indirect_dma source(%dma_start3A_117 : memref<10000x128xf32, #tpu.memory_space<hbm>>) target(%arg11 : memref<128x128xf32, #tpu.memory_space<vmem>>) offsets(%arg7 : memref<128xi32, #tpu.memory_space<vmem>>) semaphore(%arg16 : memref<!tpu.dma_semaphore, #tpu.memory_space<semaphore_mem>>)
      %dma_wait3A_118 = arith.constant 0 : i32
      %dma_wait3A_119 = arith.constant 0 : i32
      %dma_wait3A_120 = tpu.memref_slice %arg13[%dma_wait3A_118, %dma_wait3A_119] : memref<10240x128xf32, #tpu.memory_space<vmem_shared>> -> memref<10240x128xf32, #tpu.memory_space<vmem_shared>>
      tpu.wait_indirect_dma semaphore(%arg19 : memref<!tpu.dma_semaphore, #tpu.memory_space<semaphore_mem>>) src(%arg12 : memref<128x128xf32, #tpu.memory_space<vmem>>) dst(%dma_wait3A_120 : memref<10240x128xf32, #tpu.memory_space<vmem_shared>>)
      %add3A_121 = arith.constant 2 : i32
      %add3A_122 = arith.addi %mul3A_79, %add3A_121 : i32
      %add3A_123 = arith.constant 1 : i32
      %add3A_124 = arith.addi %add3A_122, %add3A_123 : i32
      %mul3A_125 = arith.constant 128 : i32
      %mul3A_126 = arith.muli %add3A_124, %mul3A_125 : i32
      %add3A_127 = arith.addi %select_n3A, %mul3A_126 : i32
      %multiple_of3A_128 = tpu.assume_multiple %add3A_127, 128 : i32
      %dma_start3A_129 = tpu.memref_slice %arg3[%multiple_of3A_128] : memref<327680xi32, #tpu.memory_space<hbm>> -> memref<128xi32, #tpu.memory_space<hbm>>
      %dma_start3A_130 = tpu.memref_slice %arg3[%multiple_of3A_128] : memref<327680xi32, #tpu.memory_space<hbm>> -> memref<128xi32, #tpu.memory_space<hbm>>
      tpu.enqueue_dma source(%dma_start3A_130 : memref<128xi32, #tpu.memory_space<hbm>>) target(%arg8 : memref<128xi32, #tpu.memory_space<vmem>>) target_semaphore(%arg15 : memref<!tpu.dma_semaphore, #tpu.memory_space<semaphore_mem>>)
      %dma_start3A_131 = tpu.memref_slice %arg4[%multiple_of3A_128] : memref<327680xi32, #tpu.memory_space<hbm>> -> memref<128xi32, #tpu.memory_space<hbm>>
      %dma_start3A_132 = tpu.memref_slice %arg4[%multiple_of3A_128] : memref<327680xi32, #tpu.memory_space<hbm>> -> memref<128xi32, #tpu.memory_space<hbm>>
      tpu.enqueue_dma source(%dma_start3A_132 : memref<128xi32, #tpu.memory_space<hbm>>) target(%arg10 : memref<128xi32, #tpu.memory_space<vmem>>) target_semaphore(%arg15 : memref<!tpu.dma_semaphore, #tpu.memory_space<semaphore_mem>>)
      %dma_wait3A_133 = arith.constant 0 : i32
      %dma_wait3A_134 = tpu.memref_slice %arg3[%dma_wait3A_133] : memref<327680xi32, #tpu.memory_space<hbm>> -> memref<128xi32, #tpu.memory_space<hbm>>
      %dma_wait3A_135 = arith.constant 0 : i32
      %dma_wait3A_136 = tpu.memref_slice %arg3[%dma_wait3A_135] : memref<327680xi32, #tpu.memory_space<hbm>> -> memref<128xi32, #tpu.memory_space<hbm>>
      tpu.wait_dma2 semaphore(%arg15 : memref<!tpu.dma_semaphore, #tpu.memory_space<semaphore_mem>>) src(%dma_wait3A_136 : memref<128xi32, #tpu.memory_space<hbm>>) dst(%arg8 : memref<128xi32, #tpu.memory_space<vmem>>)
      %dma_wait3A_137 = arith.constant 0 : i32
      %dma_wait3A_138 = tpu.memref_slice %arg4[%dma_wait3A_137] : memref<327680xi32, #tpu.memory_space<hbm>> -> memref<128xi32, #tpu.memory_space<hbm>>
      %dma_wait3A_139 = arith.constant 0 : i32
      %dma_wait3A_140 = tpu.memref_slice %arg4[%dma_wait3A_139] : memref<327680xi32, #tpu.memory_space<hbm>> -> memref<128xi32, #tpu.memory_space<hbm>>
      tpu.wait_dma2 semaphore(%arg15 : memref<!tpu.dma_semaphore, #tpu.memory_space<semaphore_mem>>) src(%dma_wait3A_140 : memref<128xi32, #tpu.memory_space<hbm>>) dst(%arg10 : memref<128xi32, #tpu.memory_space<vmem>>)
      %dma_start3A_141 = arith.constant 0 : i32
      %dma_start3A_142 = arith.constant 0 : i32
      %dma_start3A_143 = tpu.memref_slice %arg2[%dma_start3A_141, %dma_start3A_142] : memref<10000x128xf32, #tpu.memory_space<hbm>> -> memref<10000x128xf32, #tpu.memory_space<hbm>>
      tpu.enqueue_indirect_dma source(%dma_start3A_143 : memref<10000x128xf32, #tpu.memory_space<hbm>>) target(%arg12 : memref<128x128xf32, #tpu.memory_space<vmem>>) offsets(%arg8 : memref<128xi32, #tpu.memory_space<vmem>>) semaphore(%arg17 : memref<!tpu.dma_semaphore, #tpu.memory_space<semaphore_mem>>)
    }
    %dma_wait3A_58 = arith.constant 0 : i32
    %dma_wait3A_59 = arith.constant 0 : i32
    %dma_wait3A_60 = tpu.memref_slice %arg2[%dma_wait3A_58, %dma_wait3A_59] : memref<10000x128xf32, #tpu.memory_space<hbm>> -> memref<10000x128xf32, #tpu.memory_space<hbm>>
    tpu.wait_indirect_dma semaphore(%arg16 : memref<!tpu.dma_semaphore, #tpu.memory_space<semaphore_mem>>) src(%dma_wait3A_60 : memref<10000x128xf32, #tpu.memory_space<hbm>>) dst(%arg11 : memref<128x128xf32, #tpu.memory_space<vmem>>)
    %dma_start3A_61 = arith.constant 0 : i32
    %dma_start3A_62 = arith.constant 0 : i32
    %dma_start3A_63 = tpu.memref_slice %arg13[%dma_start3A_61, %dma_start3A_62] : memref<10240x128xf32, #tpu.memory_space<vmem_shared>> -> memref<10240x128xf32, #tpu.memory_space<vmem_shared>>
    tpu.enqueue_indirect_dma source(%arg11 : memref<128x128xf32, #tpu.memory_space<vmem>>) target(%dma_start3A_63 : memref<10240x128xf32, #tpu.memory_space<vmem_shared>>) offsets(%arg9 : memref<128xi32, #tpu.memory_space<vmem>>) semaphore(%arg18 : memref<!tpu.dma_semaphore, #tpu.memory_space<semaphore_mem>>) {add = true}
    %dma_wait3A_64 = arith.constant 0 : i32
    %dma_wait3A_65 = arith.constant 0 : i32
    %dma_wait3A_66 = tpu.memref_slice %arg2[%dma_wait3A_64, %dma_wait3A_65] : memref<10000x128xf32, #tpu.memory_space<hbm>> -> memref<10000x128xf32, #tpu.memory_space<hbm>>
    tpu.wait_indirect_dma semaphore(%arg17 : memref<!tpu.dma_semaphore, #tpu.memory_space<semaphore_mem>>) src(%dma_wait3A_66 : memref<10000x128xf32, #tpu.memory_space<hbm>>) dst(%arg12 : memref<128x128xf32, #tpu.memory_space<vmem>>)
    %dma_start3A_67 = arith.constant 0 : i32
    %dma_start3A_68 = arith.constant 0 : i32
    %dma_start3A_69 = tpu.memref_slice %arg13[%dma_start3A_67, %dma_start3A_68] : memref<10240x128xf32, #tpu.memory_space<vmem_shared>> -> memref<10240x128xf32, #tpu.memory_space<vmem_shared>>
    tpu.enqueue_indirect_dma source(%arg12 : memref<128x128xf32, #tpu.memory_space<vmem>>) target(%dma_start3A_69 : memref<10240x128xf32, #tpu.memory_space<vmem_shared>>) offsets(%arg10 : memref<128xi32, #tpu.memory_space<vmem>>) semaphore(%arg19 : memref<!tpu.dma_semaphore, #tpu.memory_space<semaphore_mem>>) {add = true}
    %dma_wait3A_70 = arith.constant 0 : i32
    %dma_wait3A_71 = arith.constant 0 : i32
    %dma_wait3A_72 = tpu.memref_slice %arg13[%dma_wait3A_70, %dma_wait3A_71] : memref<10240x128xf32, #tpu.memory_space<vmem_shared>> -> memref<10240x128xf32, #tpu.memory_space<vmem_shared>>
    tpu.wait_indirect_dma semaphore(%arg18 : memref<!tpu.dma_semaphore, #tpu.memory_space<semaphore_mem>>) src(%arg11 : memref<128x128xf32, #tpu.memory_space<vmem>>) dst(%dma_wait3A_72 : memref<10240x128xf32, #tpu.memory_space<vmem_shared>>)
    %dma_wait3A_73 = arith.constant 0 : i32
    %dma_wait3A_74 = arith.constant 0 : i32
    %dma_wait3A_75 = tpu.memref_slice %arg13[%dma_wait3A_73, %dma_wait3A_74] : memref<10240x128xf32, #tpu.memory_space<vmem_shared>> -> memref<10240x128xf32, #tpu.memory_space<vmem_shared>>
    tpu.wait_indirect_dma semaphore(%arg19 : memref<!tpu.dma_semaphore, #tpu.memory_space<semaphore_mem>>) src(%arg12 : memref<128x128xf32, #tpu.memory_space<vmem>>) dst(%dma_wait3A_75 : memref<10240x128xf32, #tpu.memory_space<vmem_shared>>)
    %barrier3A_76 = arith.constant 0 : index
    tpu.barrier barrier_id(%barrier3A_76)
    "tpu.region"() ({
      %run_scoped3A = tpu.sem_alloc : memref<!tpu.dma_semaphore, #tpu.memory_space<semaphore_mem>>
      %dma_start3A_77 = arith.constant 0 : i32
      %dma_start3A_78 = arith.constant 0 : i32
      %dma_start3A_79 = tpu.memref_slice %arg6[%add3A, %dma_start3A_77, %dma_start3A_78] : memref<32x640x128xf32, #tpu.memory_space<hbm>> -> memref<1x640x128xf32, #tpu.memory_space<hbm>>
      %dma_start3A_80 = tpu.memref_squeeze %dma_start3A_79 : memref<1x640x128xf32, #tpu.memory_space<hbm>> -> memref<640x128xf32, #tpu.memory_space<hbm>>
      %dma_start3A_81 = arith.constant 0 : i32
      %dma_start3A_82 = tpu.memref_slice %arg13[%multiple_of3A, %dma_start3A_81] : memref<10240x128xf32, #tpu.memory_space<vmem_shared>> -> memref<640x128xf32, #tpu.memory_space<vmem_shared>>
      tpu.enqueue_dma source(%dma_start3A_82 : memref<640x128xf32, #tpu.memory_space<vmem_shared>>) target(%dma_start3A_80 : memref<640x128xf32, #tpu.memory_space<hbm>>) target_semaphore(%run_scoped3A : memref<!tpu.dma_semaphore, #tpu.memory_space<semaphore_mem>>)
      %dma_wait3A_83 = arith.constant 0 : i32
      %dma_wait3A_84 = arith.constant 0 : i32
      %dma_wait3A_85 = tpu.memref_slice %arg6[%add3A, %dma_wait3A_83, %dma_wait3A_84] : memref<32x640x128xf32, #tpu.memory_space<hbm>> -> memref<1x640x128xf32, #tpu.memory_space<hbm>>
      %dma_wait3A_86 = tpu.memref_squeeze %dma_wait3A_85 : memref<1x640x128xf32, #tpu.memory_space<hbm>> -> memref<640x128xf32, #tpu.memory_space<hbm>>
      %dma_wait3A_87 = arith.constant 0 : i32
      %dma_wait3A_88 = tpu.memref_slice %arg13[%multiple_of3A, %dma_wait3A_87] : memref<10240x128xf32, #tpu.memory_space<vmem_shared>> -> memref<640x128xf32, #tpu.memory_space<vmem_shared>>
      tpu.wait_dma2 semaphore(%run_scoped3A : memref<!tpu.dma_semaphore, #tpu.memory_space<semaphore_mem>>) src(%dma_wait3A_88 : memref<640x128xf32, #tpu.memory_space<vmem_shared>>) dst(%dma_wait3A_86 : memref<640x128xf32, #tpu.memory_space<hbm>>)
      tpu.yield
    }) : () -> ()
    return
  }
}

#map = affine_map<(d0, d1) -> (0)>
#map1 = affine_map<(d0, d1) -> (0, 0)>
#map2 = affine_map<(d0, d1) -> (0, 0, 0)>
module attributes {stable_mosaic.version = 14 : i64} {
  func.func @_count_kernel(%arg0: i32, %arg1: i32, %arg2: memref<327680xi32, #tpu.memory_space<hbm>>, %arg3: memref<640x128xf32, #tpu.memory_space<hbm>>, %arg4: memref<128x128xf32, #tpu.memory_space<hbm>>, %arg5: memref<32x640x128xf32, #tpu.memory_space<hbm>>, %arg6: memref<128xi32, #tpu.memory_space<vmem>>, %arg7: memref<128xi32, #tpu.memory_space<vmem>>, %arg8: memref<128xi32, #tpu.memory_space<vmem>>, %arg9: memref<128xi32, #tpu.memory_space<vmem>>, %arg10: memref<128x128xf32, #tpu.memory_space<vmem>>, %arg11: memref<10240x128xf32, #tpu.memory_space<vmem_shared>>, %arg12: memref<!tpu.dma_semaphore, #tpu.memory_space<semaphore_mem>>, %arg13: memref<!tpu.dma_semaphore, #tpu.memory_space<semaphore_mem>>, %arg14: memref<!tpu.dma_semaphore, #tpu.memory_space<semaphore_mem>>, %arg15: memref<!tpu.dma_semaphore, #tpu.memory_space<semaphore_mem>>, %arg16: memref<!tpu.dma_semaphore, #tpu.memory_space<semaphore_mem>>, %arg17: memref<!tpu.dma_semaphore, #tpu.memory_space<semaphore_mem>>, %arg18: memref<!tpu.dma_semaphore, #tpu.memory_space<semaphore_mem>>, %arg19: memref<!tpu.dma_semaphore, #tpu.memory_space<semaphore_mem>>) attributes {dimension_semantics = [#tpu.dimension_semantics<core_parallel>, #tpu.dimension_semantics<subcore_parallel>], iteration_bounds = array<i64: 2, 16>, scalar_prefetch = 0 : i64, scratch_operands = 14 : i64, tpu.core_type = #tpu.core_type<sc_vector_subcore>, window_params = [{transform_indices = #map}, {transform_indices = #map1}, {transform_indices = #map1}, {transform_indices = #map2}]} {
    %mul3A = arith.constant 16 : i32
    %mul3A_0 = arith.muli %arg0, %mul3A : i32
    %add3A = arith.addi %mul3A_0, %arg1 : i32
    %mul3A_1 = arith.constant 640 : i32
    %mul3A_2 = arith.muli %arg1, %mul3A_1 : i32
    %multiple_of3A = tpu.assume_multiple %mul3A_2, 640 : i32
    "tpu.region"() ({
      %run_scoped3A = tpu.sem_alloc : memref<!tpu.dma_semaphore, #tpu.memory_space<semaphore_mem>>
      tpu.enqueue_dma source(%arg4 : memref<128x128xf32, #tpu.memory_space<hbm>>) target(%arg10 : memref<128x128xf32, #tpu.memory_space<vmem>>) target_semaphore(%run_scoped3A : memref<!tpu.dma_semaphore, #tpu.memory_space<semaphore_mem>>)
      tpu.wait_dma2 semaphore(%run_scoped3A : memref<!tpu.dma_semaphore, #tpu.memory_space<semaphore_mem>>) src(%arg4 : memref<128x128xf32, #tpu.memory_space<hbm>>) dst(%arg10 : memref<128x128xf32, #tpu.memory_space<vmem>>)
      tpu.yield
    }) : () -> ()
    "tpu.region"() ({
      %run_scoped3A = tpu.sem_alloc : memref<!tpu.dma_semaphore, #tpu.memory_space<semaphore_mem>>
      %dma_start3A_69 = arith.constant 0 : i32
      %dma_start3A_70 = tpu.memref_slice %arg11[%multiple_of3A, %dma_start3A_69] : memref<10240x128xf32, #tpu.memory_space<vmem_shared>> -> memref<640x128xf32, #tpu.memory_space<vmem_shared>>
      tpu.enqueue_dma source(%arg3 : memref<640x128xf32, #tpu.memory_space<hbm>>) target(%dma_start3A_70 : memref<640x128xf32, #tpu.memory_space<vmem_shared>>) target_semaphore(%run_scoped3A : memref<!tpu.dma_semaphore, #tpu.memory_space<semaphore_mem>>)
      %dma_wait3A_71 = arith.constant 0 : i32
      %dma_wait3A_72 = tpu.memref_slice %arg11[%multiple_of3A, %dma_wait3A_71] : memref<10240x128xf32, #tpu.memory_space<vmem_shared>> -> memref<640x128xf32, #tpu.memory_space<vmem_shared>>
      tpu.wait_dma2 semaphore(%run_scoped3A : memref<!tpu.dma_semaphore, #tpu.memory_space<semaphore_mem>>) src(%arg3 : memref<640x128xf32, #tpu.memory_space<hbm>>) dst(%dma_wait3A_72 : memref<640x128xf32, #tpu.memory_space<vmem_shared>>)
      tpu.yield
    }) : () -> ()
    %barrier3A = arith.constant 0 : index
    tpu.barrier barrier_id(%barrier3A)
    %mul3A_3 = arith.constant 10240 : i32
    %mul3A_4 = arith.muli %add3A, %mul3A_3 : i32
    %add3A_5 = arith.constant 0 : i32
    %add3A_6 = arith.addi %mul3A_4, %add3A_5 : i32
    %multiple_of3A_7 = tpu.assume_multiple %add3A_6, 128 : i32
    %dma_start3A = tpu.memref_slice %arg2[%multiple_of3A_7] : memref<327680xi32, #tpu.memory_space<hbm>> -> memref<128xi32, #tpu.memory_space<hbm>>
    %dma_start3A_8 = tpu.memref_slice %arg2[%multiple_of3A_7] : memref<327680xi32, #tpu.memory_space<hbm>> -> memref<128xi32, #tpu.memory_space<hbm>>
    tpu.enqueue_dma source(%dma_start3A_8 : memref<128xi32, #tpu.memory_space<hbm>>) target(%arg6 : memref<128xi32, #tpu.memory_space<vmem>>) target_semaphore(%arg12 : memref<!tpu.dma_semaphore, #tpu.memory_space<semaphore_mem>>)
    %add3A_9 = arith.constant 128 : i32
    %add3A_10 = arith.addi %mul3A_4, %add3A_9 : i32
    %multiple_of3A_11 = tpu.assume_multiple %add3A_10, 128 : i32
    %dma_start3A_12 = tpu.memref_slice %arg2[%multiple_of3A_11] : memref<327680xi32, #tpu.memory_space<hbm>> -> memref<128xi32, #tpu.memory_space<hbm>>
    %dma_start3A_13 = tpu.memref_slice %arg2[%multiple_of3A_11] : memref<327680xi32, #tpu.memory_space<hbm>> -> memref<128xi32, #tpu.memory_space<hbm>>
    tpu.enqueue_dma source(%dma_start3A_13 : memref<128xi32, #tpu.memory_space<hbm>>) target(%arg7 : memref<128xi32, #tpu.memory_space<vmem>>) target_semaphore(%arg13 : memref<!tpu.dma_semaphore, #tpu.memory_space<semaphore_mem>>)
    %add3A_14 = arith.constant 256 : i32
    %add3A_15 = arith.addi %mul3A_4, %add3A_14 : i32
    %multiple_of3A_16 = tpu.assume_multiple %add3A_15, 128 : i32
    %dma_start3A_17 = tpu.memref_slice %arg2[%multiple_of3A_16] : memref<327680xi32, #tpu.memory_space<hbm>> -> memref<128xi32, #tpu.memory_space<hbm>>
    %dma_start3A_18 = tpu.memref_slice %arg2[%multiple_of3A_16] : memref<327680xi32, #tpu.memory_space<hbm>> -> memref<128xi32, #tpu.memory_space<hbm>>
    tpu.enqueue_dma source(%dma_start3A_18 : memref<128xi32, #tpu.memory_space<hbm>>) target(%arg8 : memref<128xi32, #tpu.memory_space<vmem>>) target_semaphore(%arg14 : memref<!tpu.dma_semaphore, #tpu.memory_space<semaphore_mem>>)
    %add3A_19 = arith.constant 384 : i32
    %add3A_20 = arith.addi %mul3A_4, %add3A_19 : i32
    %multiple_of3A_21 = tpu.assume_multiple %add3A_20, 128 : i32
    %dma_start3A_22 = tpu.memref_slice %arg2[%multiple_of3A_21] : memref<327680xi32, #tpu.memory_space<hbm>> -> memref<128xi32, #tpu.memory_space<hbm>>
    %dma_start3A_23 = tpu.memref_slice %arg2[%multiple_of3A_21] : memref<327680xi32, #tpu.memory_space<hbm>> -> memref<128xi32, #tpu.memory_space<hbm>>
    tpu.enqueue_dma source(%dma_start3A_23 : memref<128xi32, #tpu.memory_space<hbm>>) target(%arg9 : memref<128xi32, #tpu.memory_space<vmem>>) target_semaphore(%arg15 : memref<!tpu.dma_semaphore, #tpu.memory_space<semaphore_mem>>)
    %scan3A = arith.constant 0 : i32
    %scan3A_24 = arith.constant 0 : i32
    %scan3A_25 = arith.constant 19 : i32
    %scan3A_26 = arith.addi %scan3A_24, %scan3A_25 : i32
    %scan3A_27 = arith.constant 1 : i32
    scf.for %scan3A_69 = %scan3A_24 to %scan3A_26 step %scan3A_27  : i32 {
      %mul3A_70 = arith.constant 4 : i32
      %mul3A_71 = arith.muli %scan3A_69, %mul3A_70 : i32
      %dma_wait3A_72 = arith.constant 0 : i32
      %dma_wait3A_73 = tpu.memref_slice %arg2[%dma_wait3A_72] : memref<327680xi32, #tpu.memory_space<hbm>> -> memref<128xi32, #tpu.memory_space<hbm>>
      %dma_wait3A_74 = arith.constant 0 : i32
      %dma_wait3A_75 = tpu.memref_slice %arg2[%dma_wait3A_74] : memref<327680xi32, #tpu.memory_space<hbm>> -> memref<128xi32, #tpu.memory_space<hbm>>
      tpu.wait_dma2 semaphore(%arg12 : memref<!tpu.dma_semaphore, #tpu.memory_space<semaphore_mem>>) src(%dma_wait3A_75 : memref<128xi32, #tpu.memory_space<hbm>>) dst(%arg6 : memref<128xi32, #tpu.memory_space<vmem>>)
      %dma_start3A_76 = arith.constant 0 : i32
      %dma_start3A_77 = arith.constant 0 : i32
      %dma_start3A_78 = tpu.memref_slice %arg11[%dma_start3A_76, %dma_start3A_77] : memref<10240x128xf32, #tpu.memory_space<vmem_shared>> -> memref<10240x128xf32, #tpu.memory_space<vmem_shared>>
      tpu.enqueue_indirect_dma source(%arg10 : memref<128x128xf32, #tpu.memory_space<vmem>>) target(%dma_start3A_78 : memref<10240x128xf32, #tpu.memory_space<vmem_shared>>) offsets(%arg6 : memref<128xi32, #tpu.memory_space<vmem>>) semaphore(%arg16 : memref<!tpu.dma_semaphore, #tpu.memory_space<semaphore_mem>>) {add = true}
      %dma_wait3A_79 = arith.constant 0 : i32
      %dma_wait3A_80 = tpu.memref_slice %arg2[%dma_wait3A_79] : memref<327680xi32, #tpu.memory_space<hbm>> -> memref<128xi32, #tpu.memory_space<hbm>>
      %dma_wait3A_81 = arith.constant 0 : i32
      %dma_wait3A_82 = tpu.memref_slice %arg2[%dma_wait3A_81] : memref<327680xi32, #tpu.memory_space<hbm>> -> memref<128xi32, #tpu.memory_space<hbm>>
      tpu.wait_dma2 semaphore(%arg13 : memref<!tpu.dma_semaphore, #tpu.memory_space<semaphore_mem>>) src(%dma_wait3A_82 : memref<128xi32, #tpu.memory_space<hbm>>) dst(%arg7 : memref<128xi32, #tpu.memory_space<vmem>>)
      %dma_start3A_83 = arith.constant 0 : i32
      %dma_start3A_84 = arith.constant 0 : i32
      %dma_start3A_85 = tpu.memref_slice %arg11[%dma_start3A_83, %dma_start3A_84] : memref<10240x128xf32, #tpu.memory_space<vmem_shared>> -> memref<10240x128xf32, #tpu.memory_space<vmem_shared>>
      tpu.enqueue_indirect_dma source(%arg10 : memref<128x128xf32, #tpu.memory_space<vmem>>) target(%dma_start3A_85 : memref<10240x128xf32, #tpu.memory_space<vmem_shared>>) offsets(%arg7 : memref<128xi32, #tpu.memory_space<vmem>>) semaphore(%arg17 : memref<!tpu.dma_semaphore, #tpu.memory_space<semaphore_mem>>) {add = true}
      %dma_wait3A_86 = arith.constant 0 : i32
      %dma_wait3A_87 = tpu.memref_slice %arg2[%dma_wait3A_86] : memref<327680xi32, #tpu.memory_space<hbm>> -> memref<128xi32, #tpu.memory_space<hbm>>
      %dma_wait3A_88 = arith.constant 0 : i32
      %dma_wait3A_89 = tpu.memref_slice %arg2[%dma_wait3A_88] : memref<327680xi32, #tpu.memory_space<hbm>> -> memref<128xi32, #tpu.memory_space<hbm>>
      tpu.wait_dma2 semaphore(%arg14 : memref<!tpu.dma_semaphore, #tpu.memory_space<semaphore_mem>>) src(%dma_wait3A_89 : memref<128xi32, #tpu.memory_space<hbm>>) dst(%arg8 : memref<128xi32, #tpu.memory_space<vmem>>)
      %dma_start3A_90 = arith.constant 0 : i32
      %dma_start3A_91 = arith.constant 0 : i32
      %dma_start3A_92 = tpu.memref_slice %arg11[%dma_start3A_90, %dma_start3A_91] : memref<10240x128xf32, #tpu.memory_space<vmem_shared>> -> memref<10240x128xf32, #tpu.memory_space<vmem_shared>>
      tpu.enqueue_indirect_dma source(%arg10 : memref<128x128xf32, #tpu.memory_space<vmem>>) target(%dma_start3A_92 : memref<10240x128xf32, #tpu.memory_space<vmem_shared>>) offsets(%arg8 : memref<128xi32, #tpu.memory_space<vmem>>) semaphore(%arg18 : memref<!tpu.dma_semaphore, #tpu.memory_space<semaphore_mem>>) {add = true}
      %dma_wait3A_93 = arith.constant 0 : i32
      %dma_wait3A_94 = tpu.memref_slice %arg2[%dma_wait3A_93] : memref<327680xi32, #tpu.memory_space<hbm>> -> memref<128xi32, #tpu.memory_space<hbm>>
      %dma_wait3A_95 = arith.constant 0 : i32
      %dma_wait3A_96 = tpu.memref_slice %arg2[%dma_wait3A_95] : memref<327680xi32, #tpu.memory_space<hbm>> -> memref<128xi32, #tpu.memory_space<hbm>>
      tpu.wait_dma2 semaphore(%arg15 : memref<!tpu.dma_semaphore, #tpu.memory_space<semaphore_mem>>) src(%dma_wait3A_96 : memref<128xi32, #tpu.memory_space<hbm>>) dst(%arg9 : memref<128xi32, #tpu.memory_space<vmem>>)
      %dma_start3A_97 = arith.constant 0 : i32
      %dma_start3A_98 = arith.constant 0 : i32
      %dma_start3A_99 = tpu.memref_slice %arg11[%dma_start3A_97, %dma_start3A_98] : memref<10240x128xf32, #tpu.memory_space<vmem_shared>> -> memref<10240x128xf32, #tpu.memory_space<vmem_shared>>
      tpu.enqueue_indirect_dma source(%arg10 : memref<128x128xf32, #tpu.memory_space<vmem>>) target(%dma_start3A_99 : memref<10240x128xf32, #tpu.memory_space<vmem_shared>>) offsets(%arg9 : memref<128xi32, #tpu.memory_space<vmem>>) semaphore(%arg19 : memref<!tpu.dma_semaphore, #tpu.memory_space<semaphore_mem>>) {add = true}
      %dma_wait3A_100 = arith.constant 0 : i32
      %dma_wait3A_101 = arith.constant 0 : i32
      %dma_wait3A_102 = tpu.memref_slice %arg11[%dma_wait3A_100, %dma_wait3A_101] : memref<10240x128xf32, #tpu.memory_space<vmem_shared>> -> memref<10240x128xf32, #tpu.memory_space<vmem_shared>>
      tpu.wait_indirect_dma semaphore(%arg16 : memref<!tpu.dma_semaphore, #tpu.memory_space<semaphore_mem>>) src(%arg10 : memref<128x128xf32, #tpu.memory_space<vmem>>) dst(%dma_wait3A_102 : memref<10240x128xf32, #tpu.memory_space<vmem_shared>>)
      %add3A_103 = arith.constant 4 : i32
      %add3A_104 = arith.addi %mul3A_71, %add3A_103 : i32
      %add3A_105 = arith.constant 0 : i32
      %add3A_106 = arith.addi %add3A_104, %add3A_105 : i32
      %mul3A_107 = arith.constant 128 : i32
      %mul3A_108 = arith.muli %add3A_106, %mul3A_107 : i32
      %add3A_109 = arith.addi %mul3A_4, %mul3A_108 : i32
      %multiple_of3A_110 = tpu.assume_multiple %add3A_109, 128 : i32
      %dma_start3A_111 = tpu.memref_slice %arg2[%multiple_of3A_110] : memref<327680xi32, #tpu.memory_space<hbm>> -> memref<128xi32, #tpu.memory_space<hbm>>
      %dma_start3A_112 = tpu.memref_slice %arg2[%multiple_of3A_110] : memref<327680xi32, #tpu.memory_space<hbm>> -> memref<128xi32, #tpu.memory_space<hbm>>
      tpu.enqueue_dma source(%dma_start3A_112 : memref<128xi32, #tpu.memory_space<hbm>>) target(%arg6 : memref<128xi32, #tpu.memory_space<vmem>>) target_semaphore(%arg12 : memref<!tpu.dma_semaphore, #tpu.memory_space<semaphore_mem>>)
      %dma_wait3A_113 = arith.constant 0 : i32
      %dma_wait3A_114 = arith.constant 0 : i32
      %dma_wait3A_115 = tpu.memref_slice %arg11[%dma_wait3A_113, %dma_wait3A_114] : memref<10240x128xf32, #tpu.memory_space<vmem_shared>> -> memref<10240x128xf32, #tpu.memory_space<vmem_shared>>
      tpu.wait_indirect_dma semaphore(%arg17 : memref<!tpu.dma_semaphore, #tpu.memory_space<semaphore_mem>>) src(%arg10 : memref<128x128xf32, #tpu.memory_space<vmem>>) dst(%dma_wait3A_115 : memref<10240x128xf32, #tpu.memory_space<vmem_shared>>)
      %add3A_116 = arith.constant 4 : i32
      %add3A_117 = arith.addi %mul3A_71, %add3A_116 : i32
      %add3A_118 = arith.constant 1 : i32
      %add3A_119 = arith.addi %add3A_117, %add3A_118 : i32
      %mul3A_120 = arith.constant 128 : i32
      %mul3A_121 = arith.muli %add3A_119, %mul3A_120 : i32
      %add3A_122 = arith.addi %mul3A_4, %mul3A_121 : i32
      %multiple_of3A_123 = tpu.assume_multiple %add3A_122, 128 : i32
      %dma_start3A_124 = tpu.memref_slice %arg2[%multiple_of3A_123] : memref<327680xi32, #tpu.memory_space<hbm>> -> memref<128xi32, #tpu.memory_space<hbm>>
      %dma_start3A_125 = tpu.memref_slice %arg2[%multiple_of3A_123] : memref<327680xi32, #tpu.memory_space<hbm>> -> memref<128xi32, #tpu.memory_space<hbm>>
      tpu.enqueue_dma source(%dma_start3A_125 : memref<128xi32, #tpu.memory_space<hbm>>) target(%arg7 : memref<128xi32, #tpu.memory_space<vmem>>) target_semaphore(%arg13 : memref<!tpu.dma_semaphore, #tpu.memory_space<semaphore_mem>>)
      %dma_wait3A_126 = arith.constant 0 : i32
      %dma_wait3A_127 = arith.constant 0 : i32
      %dma_wait3A_128 = tpu.memref_slice %arg11[%dma_wait3A_126, %dma_wait3A_127] : memref<10240x128xf32, #tpu.memory_space<vmem_shared>> -> memref<10240x128xf32, #tpu.memory_space<vmem_shared>>
      tpu.wait_indirect_dma semaphore(%arg18 : memref<!tpu.dma_semaphore, #tpu.memory_space<semaphore_mem>>) src(%arg10 : memref<128x128xf32, #tpu.memory_space<vmem>>) dst(%dma_wait3A_128 : memref<10240x128xf32, #tpu.memory_space<vmem_shared>>)
      %add3A_129 = arith.constant 4 : i32
      %add3A_130 = arith.addi %mul3A_71, %add3A_129 : i32
      %add3A_131 = arith.constant 2 : i32
      %add3A_132 = arith.addi %add3A_130, %add3A_131 : i32
      %mul3A_133 = arith.constant 128 : i32
      %mul3A_134 = arith.muli %add3A_132, %mul3A_133 : i32
      %add3A_135 = arith.addi %mul3A_4, %mul3A_134 : i32
      %multiple_of3A_136 = tpu.assume_multiple %add3A_135, 128 : i32
      %dma_start3A_137 = tpu.memref_slice %arg2[%multiple_of3A_136] : memref<327680xi32, #tpu.memory_space<hbm>> -> memref<128xi32, #tpu.memory_space<hbm>>
      %dma_start3A_138 = tpu.memref_slice %arg2[%multiple_of3A_136] : memref<327680xi32, #tpu.memory_space<hbm>> -> memref<128xi32, #tpu.memory_space<hbm>>
      tpu.enqueue_dma source(%dma_start3A_138 : memref<128xi32, #tpu.memory_space<hbm>>) target(%arg8 : memref<128xi32, #tpu.memory_space<vmem>>) target_semaphore(%arg14 : memref<!tpu.dma_semaphore, #tpu.memory_space<semaphore_mem>>)
      %dma_wait3A_139 = arith.constant 0 : i32
      %dma_wait3A_140 = arith.constant 0 : i32
      %dma_wait3A_141 = tpu.memref_slice %arg11[%dma_wait3A_139, %dma_wait3A_140] : memref<10240x128xf32, #tpu.memory_space<vmem_shared>> -> memref<10240x128xf32, #tpu.memory_space<vmem_shared>>
      tpu.wait_indirect_dma semaphore(%arg19 : memref<!tpu.dma_semaphore, #tpu.memory_space<semaphore_mem>>) src(%arg10 : memref<128x128xf32, #tpu.memory_space<vmem>>) dst(%dma_wait3A_141 : memref<10240x128xf32, #tpu.memory_space<vmem_shared>>)
      %add3A_142 = arith.constant 4 : i32
      %add3A_143 = arith.addi %mul3A_71, %add3A_142 : i32
      %add3A_144 = arith.constant 3 : i32
      %add3A_145 = arith.addi %add3A_143, %add3A_144 : i32
      %mul3A_146 = arith.constant 128 : i32
      %mul3A_147 = arith.muli %add3A_145, %mul3A_146 : i32
      %add3A_148 = arith.addi %mul3A_4, %mul3A_147 : i32
      %multiple_of3A_149 = tpu.assume_multiple %add3A_148, 128 : i32
      %dma_start3A_150 = tpu.memref_slice %arg2[%multiple_of3A_149] : memref<327680xi32, #tpu.memory_space<hbm>> -> memref<128xi32, #tpu.memory_space<hbm>>
      %dma_start3A_151 = tpu.memref_slice %arg2[%multiple_of3A_149] : memref<327680xi32, #tpu.memory_space<hbm>> -> memref<128xi32, #tpu.memory_space<hbm>>
      tpu.enqueue_dma source(%dma_start3A_151 : memref<128xi32, #tpu.memory_space<hbm>>) target(%arg9 : memref<128xi32, #tpu.memory_space<vmem>>) target_semaphore(%arg15 : memref<!tpu.dma_semaphore, #tpu.memory_space<semaphore_mem>>)
    }
    %scan3A_28 = arith.constant 19 : i32
    %dma_wait3A = arith.constant 0 : i32
    %dma_wait3A_29 = tpu.memref_slice %arg2[%dma_wait3A] : memref<327680xi32, #tpu.memory_space<hbm>> -> memref<128xi32, #tpu.memory_space<hbm>>
    %dma_wait3A_30 = arith.constant 0 : i32
    %dma_wait3A_31 = tpu.memref_slice %arg2[%dma_wait3A_30] : memref<327680xi32, #tpu.memory_space<hbm>> -> memref<128xi32, #tpu.memory_space<hbm>>
    tpu.wait_dma2 semaphore(%arg12 : memref<!tpu.dma_semaphore, #tpu.memory_space<semaphore_mem>>) src(%dma_wait3A_31 : memref<128xi32, #tpu.memory_space<hbm>>) dst(%arg6 : memref<128xi32, #tpu.memory_space<vmem>>)
    %dma_start3A_32 = arith.constant 0 : i32
    %dma_start3A_33 = arith.constant 0 : i32
    %dma_start3A_34 = tpu.memref_slice %arg11[%dma_start3A_32, %dma_start3A_33] : memref<10240x128xf32, #tpu.memory_space<vmem_shared>> -> memref<10240x128xf32, #tpu.memory_space<vmem_shared>>
    tpu.enqueue_indirect_dma source(%arg10 : memref<128x128xf32, #tpu.memory_space<vmem>>) target(%dma_start3A_34 : memref<10240x128xf32, #tpu.memory_space<vmem_shared>>) offsets(%arg6 : memref<128xi32, #tpu.memory_space<vmem>>) semaphore(%arg16 : memref<!tpu.dma_semaphore, #tpu.memory_space<semaphore_mem>>) {add = true}
    %dma_wait3A_35 = arith.constant 0 : i32
    %dma_wait3A_36 = tpu.memref_slice %arg2[%dma_wait3A_35] : memref<327680xi32, #tpu.memory_space<hbm>> -> memref<128xi32, #tpu.memory_space<hbm>>
    %dma_wait3A_37 = arith.constant 0 : i32
    %dma_wait3A_38 = tpu.memref_slice %arg2[%dma_wait3A_37] : memref<327680xi32, #tpu.memory_space<hbm>> -> memref<128xi32, #tpu.memory_space<hbm>>
    tpu.wait_dma2 semaphore(%arg13 : memref<!tpu.dma_semaphore, #tpu.memory_space<semaphore_mem>>) src(%dma_wait3A_38 : memref<128xi32, #tpu.memory_space<hbm>>) dst(%arg7 : memref<128xi32, #tpu.memory_space<vmem>>)
    %dma_start3A_39 = arith.constant 0 : i32
    %dma_start3A_40 = arith.constant 0 : i32
    %dma_start3A_41 = tpu.memref_slice %arg11[%dma_start3A_39, %dma_start3A_40] : memref<10240x128xf32, #tpu.memory_space<vmem_shared>> -> memref<10240x128xf32, #tpu.memory_space<vmem_shared>>
    tpu.enqueue_indirect_dma source(%arg10 : memref<128x128xf32, #tpu.memory_space<vmem>>) target(%dma_start3A_41 : memref<10240x128xf32, #tpu.memory_space<vmem_shared>>) offsets(%arg7 : memref<128xi32, #tpu.memory_space<vmem>>) semaphore(%arg17 : memref<!tpu.dma_semaphore, #tpu.memory_space<semaphore_mem>>) {add = true}
    %dma_wait3A_42 = arith.constant 0 : i32
    %dma_wait3A_43 = tpu.memref_slice %arg2[%dma_wait3A_42] : memref<327680xi32, #tpu.memory_space<hbm>> -> memref<128xi32, #tpu.memory_space<hbm>>
    %dma_wait3A_44 = arith.constant 0 : i32
    %dma_wait3A_45 = tpu.memref_slice %arg2[%dma_wait3A_44] : memref<327680xi32, #tpu.memory_space<hbm>> -> memref<128xi32, #tpu.memory_space<hbm>>
    tpu.wait_dma2 semaphore(%arg14 : memref<!tpu.dma_semaphore, #tpu.memory_space<semaphore_mem>>) src(%dma_wait3A_45 : memref<128xi32, #tpu.memory_space<hbm>>) dst(%arg8 : memref<128xi32, #tpu.memory_space<vmem>>)
    %dma_start3A_46 = arith.constant 0 : i32
    %dma_start3A_47 = arith.constant 0 : i32
    %dma_start3A_48 = tpu.memref_slice %arg11[%dma_start3A_46, %dma_start3A_47] : memref<10240x128xf32, #tpu.memory_space<vmem_shared>> -> memref<10240x128xf32, #tpu.memory_space<vmem_shared>>
    tpu.enqueue_indirect_dma source(%arg10 : memref<128x128xf32, #tpu.memory_space<vmem>>) target(%dma_start3A_48 : memref<10240x128xf32, #tpu.memory_space<vmem_shared>>) offsets(%arg8 : memref<128xi32, #tpu.memory_space<vmem>>) semaphore(%arg18 : memref<!tpu.dma_semaphore, #tpu.memory_space<semaphore_mem>>) {add = true}
    %dma_wait3A_49 = arith.constant 0 : i32
    %dma_wait3A_50 = tpu.memref_slice %arg2[%dma_wait3A_49] : memref<327680xi32, #tpu.memory_space<hbm>> -> memref<128xi32, #tpu.memory_space<hbm>>
    %dma_wait3A_51 = arith.constant 0 : i32
    %dma_wait3A_52 = tpu.memref_slice %arg2[%dma_wait3A_51] : memref<327680xi32, #tpu.memory_space<hbm>> -> memref<128xi32, #tpu.memory_space<hbm>>
    tpu.wait_dma2 semaphore(%arg15 : memref<!tpu.dma_semaphore, #tpu.memory_space<semaphore_mem>>) src(%dma_wait3A_52 : memref<128xi32, #tpu.memory_space<hbm>>) dst(%arg9 : memref<128xi32, #tpu.memory_space<vmem>>)
    %dma_start3A_53 = arith.constant 0 : i32
    %dma_start3A_54 = arith.constant 0 : i32
    %dma_start3A_55 = tpu.memref_slice %arg11[%dma_start3A_53, %dma_start3A_54] : memref<10240x128xf32, #tpu.memory_space<vmem_shared>> -> memref<10240x128xf32, #tpu.memory_space<vmem_shared>>
    tpu.enqueue_indirect_dma source(%arg10 : memref<128x128xf32, #tpu.memory_space<vmem>>) target(%dma_start3A_55 : memref<10240x128xf32, #tpu.memory_space<vmem_shared>>) offsets(%arg9 : memref<128xi32, #tpu.memory_space<vmem>>) semaphore(%arg19 : memref<!tpu.dma_semaphore, #tpu.memory_space<semaphore_mem>>) {add = true}
    %dma_wait3A_56 = arith.constant 0 : i32
    %dma_wait3A_57 = arith.constant 0 : i32
    %dma_wait3A_58 = tpu.memref_slice %arg11[%dma_wait3A_56, %dma_wait3A_57] : memref<10240x128xf32, #tpu.memory_space<vmem_shared>> -> memref<10240x128xf32, #tpu.memory_space<vmem_shared>>
    tpu.wait_indirect_dma semaphore(%arg16 : memref<!tpu.dma_semaphore, #tpu.memory_space<semaphore_mem>>) src(%arg10 : memref<128x128xf32, #tpu.memory_space<vmem>>) dst(%dma_wait3A_58 : memref<10240x128xf32, #tpu.memory_space<vmem_shared>>)
    %dma_wait3A_59 = arith.constant 0 : i32
    %dma_wait3A_60 = arith.constant 0 : i32
    %dma_wait3A_61 = tpu.memref_slice %arg11[%dma_wait3A_59, %dma_wait3A_60] : memref<10240x128xf32, #tpu.memory_space<vmem_shared>> -> memref<10240x128xf32, #tpu.memory_space<vmem_shared>>
    tpu.wait_indirect_dma semaphore(%arg17 : memref<!tpu.dma_semaphore, #tpu.memory_space<semaphore_mem>>) src(%arg10 : memref<128x128xf32, #tpu.memory_space<vmem>>) dst(%dma_wait3A_61 : memref<10240x128xf32, #tpu.memory_space<vmem_shared>>)
    %dma_wait3A_62 = arith.constant 0 : i32
    %dma_wait3A_63 = arith.constant 0 : i32
    %dma_wait3A_64 = tpu.memref_slice %arg11[%dma_wait3A_62, %dma_wait3A_63] : memref<10240x128xf32, #tpu.memory_space<vmem_shared>> -> memref<10240x128xf32, #tpu.memory_space<vmem_shared>>
    tpu.wait_indirect_dma semaphore(%arg18 : memref<!tpu.dma_semaphore, #tpu.memory_space<semaphore_mem>>) src(%arg10 : memref<128x128xf32, #tpu.memory_space<vmem>>) dst(%dma_wait3A_64 : memref<10240x128xf32, #tpu.memory_space<vmem_shared>>)
    %dma_wait3A_65 = arith.constant 0 : i32
    %dma_wait3A_66 = arith.constant 0 : i32
    %dma_wait3A_67 = tpu.memref_slice %arg11[%dma_wait3A_65, %dma_wait3A_66] : memref<10240x128xf32, #tpu.memory_space<vmem_shared>> -> memref<10240x128xf32, #tpu.memory_space<vmem_shared>>
    tpu.wait_indirect_dma semaphore(%arg19 : memref<!tpu.dma_semaphore, #tpu.memory_space<semaphore_mem>>) src(%arg10 : memref<128x128xf32, #tpu.memory_space<vmem>>) dst(%dma_wait3A_67 : memref<10240x128xf32, #tpu.memory_space<vmem_shared>>)
    %barrier3A_68 = arith.constant 0 : index
    tpu.barrier barrier_id(%barrier3A_68)
    "tpu.region"() ({
      %run_scoped3A = tpu.sem_alloc : memref<!tpu.dma_semaphore, #tpu.memory_space<semaphore_mem>>
      %dma_start3A_69 = arith.constant 0 : i32
      %dma_start3A_70 = arith.constant 0 : i32
      %dma_start3A_71 = tpu.memref_slice %arg5[%add3A, %dma_start3A_69, %dma_start3A_70] : memref<32x640x128xf32, #tpu.memory_space<hbm>> -> memref<1x640x128xf32, #tpu.memory_space<hbm>>
      %dma_start3A_72 = tpu.memref_squeeze %dma_start3A_71 : memref<1x640x128xf32, #tpu.memory_space<hbm>> -> memref<640x128xf32, #tpu.memory_space<hbm>>
      %dma_start3A_73 = arith.constant 0 : i32
      %dma_start3A_74 = tpu.memref_slice %arg11[%multiple_of3A, %dma_start3A_73] : memref<10240x128xf32, #tpu.memory_space<vmem_shared>> -> memref<640x128xf32, #tpu.memory_space<vmem_shared>>
      tpu.enqueue_dma source(%dma_start3A_74 : memref<640x128xf32, #tpu.memory_space<vmem_shared>>) target(%dma_start3A_72 : memref<640x128xf32, #tpu.memory_space<hbm>>) target_semaphore(%run_scoped3A : memref<!tpu.dma_semaphore, #tpu.memory_space<semaphore_mem>>)
      %dma_wait3A_75 = arith.constant 0 : i32
      %dma_wait3A_76 = arith.constant 0 : i32
      %dma_wait3A_77 = tpu.memref_slice %arg5[%add3A, %dma_wait3A_75, %dma_wait3A_76] : memref<32x640x128xf32, #tpu.memory_space<hbm>> -> memref<1x640x128xf32, #tpu.memory_space<hbm>>
      %dma_wait3A_78 = tpu.memref_squeeze %dma_wait3A_77 : memref<1x640x128xf32, #tpu.memory_space<hbm>> -> memref<640x128xf32, #tpu.memory_space<hbm>>
      %dma_wait3A_79 = arith.constant 0 : i32
      %dma_wait3A_80 = tpu.memref_slice %arg11[%multiple_of3A, %dma_wait3A_79] : memref<10240x128xf32, #tpu.memory_space<vmem_shared>> -> memref<640x128xf32, #tpu.memory_space<vmem_shared>>
      tpu.wait_dma2 semaphore(%run_scoped3A : memref<!tpu.dma_semaphore, #tpu.memory_space<semaphore_mem>>) src(%dma_wait3A_80 : memref<640x128xf32, #tpu.memory_space<vmem_shared>>) dst(%dma_wait3A_78 : memref<640x128xf32, #tpu.memory_space<hbm>>)
      tpu.yield
    }) : () -> ()
    return
  }
}

#map = affine_map<(d0, d1) -> (0, 0)>
#map1 = affine_map<(d0, d1) -> (0)>
#map2 = affine_map<(d0, d1) -> (0, 0, 0)>
module attributes {stable_mosaic.version = 14 : i64} {
  func.func @_seg_sum(%arg0: i32, %arg1: i32, %arg2: memref<10000x128xf32, #tpu.memory_space<hbm>>, %arg3: memref<327680xi32, #tpu.memory_space<hbm>>, %arg4: memref<327680xi32, #tpu.memory_space<hbm>>, %arg5: memref<640x128xf32, #tpu.memory_space<hbm>>, %arg6: memref<32x640x128xf32, #tpu.memory_space<hbm>>, %arg7: memref<128xi32, #tpu.memory_space<vmem>>, %arg8: memref<128xi32, #tpu.memory_space<vmem>>, %arg9: memref<128xi32, #tpu.memory_space<vmem>>, %arg10: memref<128xi32, #tpu.memory_space<vmem>>, %arg11: memref<128x128xf32, #tpu.memory_space<vmem>>, %arg12: memref<128x128xf32, #tpu.memory_space<vmem>>, %arg13: memref<10240x128xf32, #tpu.memory_space<vmem_shared>>, %arg14: memref<!tpu.dma_semaphore, #tpu.memory_space<semaphore_mem>>, %arg15: memref<!tpu.dma_semaphore, #tpu.memory_space<semaphore_mem>>, %arg16: memref<!tpu.dma_semaphore, #tpu.memory_space<semaphore_mem>>, %arg17: memref<!tpu.dma_semaphore, #tpu.memory_space<semaphore_mem>>, %arg18: memref<!tpu.dma_semaphore, #tpu.memory_space<semaphore_mem>>, %arg19: memref<!tpu.dma_semaphore, #tpu.memory_space<semaphore_mem>>) attributes {dimension_semantics = [#tpu.dimension_semantics<core_parallel>, #tpu.dimension_semantics<subcore_parallel>], iteration_bounds = array<i64: 2, 16>, scalar_prefetch = 0 : i64, scratch_operands = 13 : i64, tpu.core_type = #tpu.core_type<sc_vector_subcore>, window_params = [{transform_indices = #map}, {transform_indices = #map1}, {transform_indices = #map1}, {transform_indices = #map}, {transform_indices = #map2}]} {
    %mul3A = arith.constant 16 : i32
    %mul3A_0 = arith.muli %arg0, %mul3A : i32
    %add3A = arith.addi %mul3A_0, %arg1 : i32
    %mul3A_1 = arith.constant 640 : i32
    %mul3A_2 = arith.muli %arg1, %mul3A_1 : i32
    %multiple_of3A = tpu.assume_multiple %mul3A_2, 640 : i32
    "tpu.region"() ({
      %run_scoped3A = tpu.sem_alloc : memref<!tpu.dma_semaphore, #tpu.memory_space<semaphore_mem>>
      %dma_start3A_77 = arith.constant 0 : i32
      %dma_start3A_78 = tpu.memref_slice %arg13[%multiple_of3A, %dma_start3A_77] : memref<10240x128xf32, #tpu.memory_space<vmem_shared>> -> memref<640x128xf32, #tpu.memory_space<vmem_shared>>
      tpu.enqueue_dma source(%arg5 : memref<640x128xf32, #tpu.memory_space<hbm>>) target(%dma_start3A_78 : memref<640x128xf32, #tpu.memory_space<vmem_shared>>) target_semaphore(%run_scoped3A : memref<!tpu.dma_semaphore, #tpu.memory_space<semaphore_mem>>)
      %dma_wait3A_79 = arith.constant 0 : i32
      %dma_wait3A_80 = tpu.memref_slice %arg13[%multiple_of3A, %dma_wait3A_79] : memref<10240x128xf32, #tpu.memory_space<vmem_shared>> -> memref<640x128xf32, #tpu.memory_space<vmem_shared>>
      tpu.wait_dma2 semaphore(%run_scoped3A : memref<!tpu.dma_semaphore, #tpu.memory_space<semaphore_mem>>) src(%arg5 : memref<640x128xf32, #tpu.memory_space<hbm>>) dst(%dma_wait3A_80 : memref<640x128xf32, #tpu.memory_space<vmem_shared>>)
      tpu.yield
    }) : () -> ()
    %barrier3A = arith.constant 0 : index
    tpu.barrier barrier_id(%barrier3A)
    %eq3A = arith.constant 0 : i32
    %eq3A_3 = arith.cmpi eq, %arg0, %eq3A : i32
    %mul3A_4 = arith.constant 15360 : i32
    %mul3A_5 = arith.muli %arg1, %mul3A_4 : i32
    %mul3A_6 = arith.constant 5120 : i32
    %mul3A_7 = arith.muli %arg1, %mul3A_6 : i32
    %add3A_8 = arith.constant 245760 : i32
    %add3A_9 = arith.addi %add3A_8, %mul3A_7 : i32
    %select_n3A = arith.select %eq3A_3, %mul3A_5, %add3A_9 : i32
    %eq3A_10 = arith.constant 0 : i32
    %eq3A_11 = arith.cmpi eq, %arg0, %eq3A_10 : i32
    %jit3A = arith.constant 60 : i32
    %jit3A_12 = arith.constant 20 : i32
    %select_n3A_13 = arith.select %eq3A_11, %jit3A, %jit3A_12 : i32
    %add3A_14 = arith.constant 0 : i32
    %add3A_15 = arith.addi %select_n3A, %add3A_14 : i32
    %multiple_of3A_16 = tpu.assume_multiple %add3A_15, 128 : i32
    %dma_start3A = tpu.memref_slice %arg3[%multiple_of3A_16] : memref<327680xi32, #tpu.memory_space<hbm>> -> memref<128xi32, #tpu.memory_space<hbm>>
    %dma_start3A_17 = tpu.memref_slice %arg3[%multiple_of3A_16] : memref<327680xi32, #tpu.memory_space<hbm>> -> memref<128xi32, #tpu.memory_space<hbm>>
    tpu.enqueue_dma source(%dma_start3A_17 : memref<128xi32, #tpu.memory_space<hbm>>) target(%arg7 : memref<128xi32, #tpu.memory_space<vmem>>) target_semaphore(%arg14 : memref<!tpu.dma_semaphore, #tpu.memory_space<semaphore_mem>>)
    %dma_start3A_18 = tpu.memref_slice %arg4[%multiple_of3A_16] : memref<327680xi32, #tpu.memory_space<hbm>> -> memref<128xi32, #tpu.memory_space<hbm>>
    %dma_start3A_19 = tpu.memref_slice %arg4[%multiple_of3A_16] : memref<327680xi32, #tpu.memory_space<hbm>> -> memref<128xi32, #tpu.memory_space<hbm>>
    tpu.enqueue_dma source(%dma_start3A_19 : memref<128xi32, #tpu.memory_space<hbm>>) target(%arg9 : memref<128xi32, #tpu.memory_space<vmem>>) target_semaphore(%arg14 : memref<!tpu.dma_semaphore, #tpu.memory_space<semaphore_mem>>)
    %add3A_20 = arith.constant 128 : i32
    %add3A_21 = arith.addi %select_n3A, %add3A_20 : i32
    %multiple_of3A_22 = tpu.assume_multiple %add3A_21, 128 : i32
    %dma_start3A_23 = tpu.memref_slice %arg3[%multiple_of3A_22] : memref<327680xi32, #tpu.memory_space<hbm>> -> memref<128xi32, #tpu.memory_space<hbm>>
    %dma_start3A_24 = tpu.memref_slice %arg3[%multiple_of3A_22] : memref<327680xi32, #tpu.memory_space<hbm>> -> memref<128xi32, #tpu.memory_space<hbm>>
    tpu.enqueue_dma source(%dma_start3A_24 : memref<128xi32, #tpu.memory_space<hbm>>) target(%arg8 : memref<128xi32, #tpu.memory_space<vmem>>) target_semaphore(%arg15 : memref<!tpu.dma_semaphore, #tpu.memory_space<semaphore_mem>>)
    %dma_start3A_25 = tpu.memref_slice %arg4[%multiple_of3A_22] : memref<327680xi32, #tpu.memory_space<hbm>> -> memref<128xi32, #tpu.memory_space<hbm>>
    %dma_start3A_26 = tpu.memref_slice %arg4[%multiple_of3A_22] : memref<327680xi32, #tpu.memory_space<hbm>> -> memref<128xi32, #tpu.memory_space<hbm>>
    tpu.enqueue_dma source(%dma_start3A_26 : memref<128xi32, #tpu.memory_space<hbm>>) target(%arg10 : memref<128xi32, #tpu.memory_space<vmem>>) target_semaphore(%arg15 : memref<!tpu.dma_semaphore, #tpu.memory_space<semaphore_mem>>)
    %dma_wait3A = arith.constant 0 : i32
    %dma_wait3A_27 = tpu.memref_slice %arg3[%dma_wait3A] : memref<327680xi32, #tpu.memory_space<hbm>> -> memref<128xi32, #tpu.memory_space<hbm>>
    %dma_wait3A_28 = arith.constant 0 : i32
    %dma_wait3A_29 = tpu.memref_slice %arg3[%dma_wait3A_28] : memref<327680xi32, #tpu.memory_space<hbm>> -> memref<128xi32, #tpu.memory_space<hbm>>
    tpu.wait_dma2 semaphore(%arg14 : memref<!tpu.dma_semaphore, #tpu.memory_space<semaphore_mem>>) src(%dma_wait3A_29 : memref<128xi32, #tpu.memory_space<hbm>>) dst(%arg7 : memref<128xi32, #tpu.memory_space<vmem>>)
    %dma_wait3A_30 = arith.constant 0 : i32
    %dma_wait3A_31 = tpu.memref_slice %arg4[%dma_wait3A_30] : memref<327680xi32, #tpu.memory_space<hbm>> -> memref<128xi32, #tpu.memory_space<hbm>>
    %dma_wait3A_32 = arith.constant 0 : i32
    %dma_wait3A_33 = tpu.memref_slice %arg4[%dma_wait3A_32] : memref<327680xi32, #tpu.memory_space<hbm>> -> memref<128xi32, #tpu.memory_space<hbm>>
    tpu.wait_dma2 semaphore(%arg14 : memref<!tpu.dma_semaphore, #tpu.memory_space<semaphore_mem>>) src(%dma_wait3A_33 : memref<128xi32, #tpu.memory_space<hbm>>) dst(%arg9 : memref<128xi32, #tpu.memory_space<vmem>>)
    %dma_start3A_34 = arith.constant 0 : i32
    %dma_start3A_35 = arith.constant 0 : i32
    %dma_start3A_36 = tpu.memref_slice %arg2[%dma_start3A_34, %dma_start3A_35] : memref<10000x128xf32, #tpu.memory_space<hbm>> -> memref<10000x128xf32, #tpu.memory_space<hbm>>
    tpu.enqueue_indirect_dma source(%dma_start3A_36 : memref<10000x128xf32, #tpu.memory_space<hbm>>) target(%arg11 : memref<128x128xf32, #tpu.memory_space<vmem>>) offsets(%arg7 : memref<128xi32, #tpu.memory_space<vmem>>) semaphore(%arg16 : memref<!tpu.dma_semaphore, #tpu.memory_space<semaphore_mem>>)
    %dma_wait3A_37 = arith.constant 0 : i32
    %dma_wait3A_38 = tpu.memref_slice %arg3[%dma_wait3A_37] : memref<327680xi32, #tpu.memory_space<hbm>> -> memref<128xi32, #tpu.memory_space<hbm>>
    %dma_wait3A_39 = arith.constant 0 : i32
    %dma_wait3A_40 = tpu.memref_slice %arg3[%dma_wait3A_39] : memref<327680xi32, #tpu.memory_space<hbm>> -> memref<128xi32, #tpu.memory_space<hbm>>
    tpu.wait_dma2 semaphore(%arg15 : memref<!tpu.dma_semaphore, #tpu.memory_space<semaphore_mem>>) src(%dma_wait3A_40 : memref<128xi32, #tpu.memory_space<hbm>>) dst(%arg8 : memref<128xi32, #tpu.memory_space<vmem>>)
    %dma_wait3A_41 = arith.constant 0 : i32
    %dma_wait3A_42 = tpu.memref_slice %arg4[%dma_wait3A_41] : memref<327680xi32, #tpu.memory_space<hbm>> -> memref<128xi32, #tpu.memory_space<hbm>>
    %dma_wait3A_43 = arith.constant 0 : i32
    %dma_wait3A_44 = tpu.memref_slice %arg4[%dma_wait3A_43] : memref<327680xi32, #tpu.memory_space<hbm>> -> memref<128xi32, #tpu.memory_space<hbm>>
    tpu.wait_dma2 semaphore(%arg15 : memref<!tpu.dma_semaphore, #tpu.memory_space<semaphore_mem>>) src(%dma_wait3A_44 : memref<128xi32, #tpu.memory_space<hbm>>) dst(%arg10 : memref<128xi32, #tpu.memory_space<vmem>>)
    %dma_start3A_45 = arith.constant 0 : i32
    %dma_start3A_46 = arith.constant 0 : i32
    %dma_start3A_47 = tpu.memref_slice %arg2[%dma_start3A_45, %dma_start3A_46] : memref<10000x128xf32, #tpu.memory_space<hbm>> -> memref<10000x128xf32, #tpu.memory_space<hbm>>
    tpu.enqueue_indirect_dma source(%dma_start3A_47 : memref<10000x128xf32, #tpu.memory_space<hbm>>) target(%arg12 : memref<128x128xf32, #tpu.memory_space<vmem>>) offsets(%arg8 : memref<128xi32, #tpu.memory_space<vmem>>) semaphore(%arg17 : memref<!tpu.dma_semaphore, #tpu.memory_space<semaphore_mem>>)
    %sub3A = arith.constant 1 : i32
    %sub3A_48 = arith.subi %select_n3A_13, %sub3A : i32
    %while3A = arith.constant 0 : i32
    %while3A_49 = arith.constant 0 : i32
    %while3A_50 = arith.subi %sub3A_48, %while3A_49 : i32
    %while3A_51 = arith.addi %while3A_49, %while3A_50 : i32
    %while3A_52 = arith.constant 1 : i32
    %while3A_53 = arith.divsi %while3A_50, %while3A_52 : i32
    %while3A_54 = arith.muli %while3A_53, %while3A_52 : i32
    %while3A_55 = arith.addi %while3A_49, %while3A_54 : i32
    %while3A_56 = arith.constant 1 : i32
    scf.for %while3A_77 = %while3A_49 to %while3A_55 step %while3A_56  : i32 {
      %mul3A_78 = arith.constant 2 : i32
      %mul3A_79 = arith.muli %while3A_77, %mul3A_78 : i32
      %dma_wait3A_80 = arith.constant 0 : i32
      %dma_wait3A_81 = arith.constant 0 : i32
      %dma_wait3A_82 = tpu.memref_slice %arg2[%dma_wait3A_80, %dma_wait3A_81] : memref<10000x128xf32, #tpu.memory_space<hbm>> -> memref<10000x128xf32, #tpu.memory_space<hbm>>
      tpu.wait_indirect_dma semaphore(%arg16 : memref<!tpu.dma_semaphore, #tpu.memory_space<semaphore_mem>>) src(%dma_wait3A_82 : memref<10000x128xf32, #tpu.memory_space<hbm>>) dst(%arg11 : memref<128x128xf32, #tpu.memory_space<vmem>>)
      %dma_start3A_83 = arith.constant 0 : i32
      %dma_start3A_84 = arith.constant 0 : i32
      %dma_start3A_85 = tpu.memref_slice %arg13[%dma_start3A_83, %dma_start3A_84] : memref<10240x128xf32, #tpu.memory_space<vmem_shared>> -> memref<10240x128xf32, #tpu.memory_space<vmem_shared>>
      tpu.enqueue_indirect_dma source(%arg11 : memref<128x128xf32, #tpu.memory_space<vmem>>) target(%dma_start3A_85 : memref<10240x128xf32, #tpu.memory_space<vmem_shared>>) offsets(%arg9 : memref<128xi32, #tpu.memory_space<vmem>>) semaphore(%arg18 : memref<!tpu.dma_semaphore, #tpu.memory_space<semaphore_mem>>) {add = true}
      %dma_wait3A_86 = arith.constant 0 : i32
      %dma_wait3A_87 = arith.constant 0 : i32
      %dma_wait3A_88 = tpu.memref_slice %arg2[%dma_wait3A_86, %dma_wait3A_87] : memref<10000x128xf32, #tpu.memory_space<hbm>> -> memref<10000x128xf32, #tpu.memory_space<hbm>>
      tpu.wait_indirect_dma semaphore(%arg17 : memref<!tpu.dma_semaphore, #tpu.memory_space<semaphore_mem>>) src(%dma_wait3A_88 : memref<10000x128xf32, #tpu.memory_space<hbm>>) dst(%arg12 : memref<128x128xf32, #tpu.memory_space<vmem>>)
      %dma_start3A_89 = arith.constant 0 : i32
      %dma_start3A_90 = arith.constant 0 : i32
      %dma_start3A_91 = tpu.memref_slice %arg13[%dma_start3A_89, %dma_start3A_90] : memref<10240x128xf32, #tpu.memory_space<vmem_shared>> -> memref<10240x128xf32, #tpu.memory_space<vmem_shared>>
      tpu.enqueue_indirect_dma source(%arg12 : memref<128x128xf32, #tpu.memory_space<vmem>>) target(%dma_start3A_91 : memref<10240x128xf32, #tpu.memory_space<vmem_shared>>) offsets(%arg10 : memref<128xi32, #tpu.memory_space<vmem>>) semaphore(%arg19 : memref<!tpu.dma_semaphore, #tpu.memory_space<semaphore_mem>>) {add = true}
      %dma_wait3A_92 = arith.constant 0 : i32
      %dma_wait3A_93 = arith.constant 0 : i32
      %dma_wait3A_94 = tpu.memref_slice %arg13[%dma_wait3A_92, %dma_wait3A_93] : memref<10240x128xf32, #tpu.memory_space<vmem_shared>> -> memref<10240x128xf32, #tpu.memory_space<vmem_shared>>
      tpu.wait_indirect_dma semaphore(%arg18 : memref<!tpu.dma_semaphore, #tpu.memory_space<semaphore_mem>>) src(%arg11 : memref<128x128xf32, #tpu.memory_space<vmem>>) dst(%dma_wait3A_94 : memref<10240x128xf32, #tpu.memory_space<vmem_shared>>)
      %add3A_95 = arith.constant 2 : i32
      %add3A_96 = arith.addi %mul3A_79, %add3A_95 : i32
      %add3A_97 = arith.constant 0 : i32
      %add3A_98 = arith.addi %add3A_96, %add3A_97 : i32
      %mul3A_99 = arith.constant 128 : i32
      %mul3A_100 = arith.muli %add3A_98, %mul3A_99 : i32
      %add3A_101 = arith.addi %select_n3A, %mul3A_100 : i32
      %multiple_of3A_102 = tpu.assume_multiple %add3A_101, 128 : i32
      %dma_start3A_103 = tpu.memref_slice %arg3[%multiple_of3A_102] : memref<327680xi32, #tpu.memory_space<hbm>> -> memref<128xi32, #tpu.memory_space<hbm>>
      %dma_start3A_104 = tpu.memref_slice %arg3[%multiple_of3A_102] : memref<327680xi32, #tpu.memory_space<hbm>> -> memref<128xi32, #tpu.memory_space<hbm>>
      tpu.enqueue_dma source(%dma_start3A_104 : memref<128xi32, #tpu.memory_space<hbm>>) target(%arg7 : memref<128xi32, #tpu.memory_space<vmem>>) target_semaphore(%arg14 : memref<!tpu.dma_semaphore, #tpu.memory_space<semaphore_mem>>)
      %dma_start3A_105 = tpu.memref_slice %arg4[%multiple_of3A_102] : memref<327680xi32, #tpu.memory_space<hbm>> -> memref<128xi32, #tpu.memory_space<hbm>>
      %dma_start3A_106 = tpu.memref_slice %arg4[%multiple_of3A_102] : memref<327680xi32, #tpu.memory_space<hbm>> -> memref<128xi32, #tpu.memory_space<hbm>>
      tpu.enqueue_dma source(%dma_start3A_106 : memref<128xi32, #tpu.memory_space<hbm>>) target(%arg9 : memref<128xi32, #tpu.memory_space<vmem>>) target_semaphore(%arg14 : memref<!tpu.dma_semaphore, #tpu.memory_space<semaphore_mem>>)
      %dma_wait3A_107 = arith.constant 0 : i32
      %dma_wait3A_108 = tpu.memref_slice %arg3[%dma_wait3A_107] : memref<327680xi32, #tpu.memory_space<hbm>> -> memref<128xi32, #tpu.memory_space<hbm>>
      %dma_wait3A_109 = arith.constant 0 : i32
      %dma_wait3A_110 = tpu.memref_slice %arg3[%dma_wait3A_109] : memref<327680xi32, #tpu.memory_space<hbm>> -> memref<128xi32, #tpu.memory_space<hbm>>
      tpu.wait_dma2 semaphore(%arg14 : memref<!tpu.dma_semaphore, #tpu.memory_space<semaphore_mem>>) src(%dma_wait3A_110 : memref<128xi32, #tpu.memory_space<hbm>>) dst(%arg7 : memref<128xi32, #tpu.memory_space<vmem>>)
      %dma_wait3A_111 = arith.constant 0 : i32
      %dma_wait3A_112 = tpu.memref_slice %arg4[%dma_wait3A_111] : memref<327680xi32, #tpu.memory_space<hbm>> -> memref<128xi32, #tpu.memory_space<hbm>>
      %dma_wait3A_113 = arith.constant 0 : i32
      %dma_wait3A_114 = tpu.memref_slice %arg4[%dma_wait3A_113] : memref<327680xi32, #tpu.memory_space<hbm>> -> memref<128xi32, #tpu.memory_space<hbm>>
      tpu.wait_dma2 semaphore(%arg14 : memref<!tpu.dma_semaphore, #tpu.memory_space<semaphore_mem>>) src(%dma_wait3A_114 : memref<128xi32, #tpu.memory_space<hbm>>) dst(%arg9 : memref<128xi32, #tpu.memory_space<vmem>>)
      %dma_start3A_115 = arith.constant 0 : i32
      %dma_start3A_116 = arith.constant 0 : i32
      %dma_start3A_117 = tpu.memref_slice %arg2[%dma_start3A_115, %dma_start3A_116] : memref<10000x128xf32, #tpu.memory_space<hbm>> -> memref<10000x128xf32, #tpu.memory_space<hbm>>
      tpu.enqueue_indirect_dma source(%dma_start3A_117 : memref<10000x128xf32, #tpu.memory_space<hbm>>) target(%arg11 : memref<128x128xf32, #tpu.memory_space<vmem>>) offsets(%arg7 : memref<128xi32, #tpu.memory_space<vmem>>) semaphore(%arg16 : memref<!tpu.dma_semaphore, #tpu.memory_space<semaphore_mem>>)
      %dma_wait3A_118 = arith.constant 0 : i32
      %dma_wait3A_119 = arith.constant 0 : i32
      %dma_wait3A_120 = tpu.memref_slice %arg13[%dma_wait3A_118, %dma_wait3A_119] : memref<10240x128xf32, #tpu.memory_space<vmem_shared>> -> memref<10240x128xf32, #tpu.memory_space<vmem_shared>>
      tpu.wait_indirect_dma semaphore(%arg19 : memref<!tpu.dma_semaphore, #tpu.memory_space<semaphore_mem>>) src(%arg12 : memref<128x128xf32, #tpu.memory_space<vmem>>) dst(%dma_wait3A_120 : memref<10240x128xf32, #tpu.memory_space<vmem_shared>>)
      %add3A_121 = arith.constant 2 : i32
      %add3A_122 = arith.addi %mul3A_79, %add3A_121 : i32
      %add3A_123 = arith.constant 1 : i32
      %add3A_124 = arith.addi %add3A_122, %add3A_123 : i32
      %mul3A_125 = arith.constant 128 : i32
      %mul3A_126 = arith.muli %add3A_124, %mul3A_125 : i32
      %add3A_127 = arith.addi %select_n3A, %mul3A_126 : i32
      %multiple_of3A_128 = tpu.assume_multiple %add3A_127, 128 : i32
      %dma_start3A_129 = tpu.memref_slice %arg3[%multiple_of3A_128] : memref<327680xi32, #tpu.memory_space<hbm>> -> memref<128xi32, #tpu.memory_space<hbm>>
      %dma_start3A_130 = tpu.memref_slice %arg3[%multiple_of3A_128] : memref<327680xi32, #tpu.memory_space<hbm>> -> memref<128xi32, #tpu.memory_space<hbm>>
      tpu.enqueue_dma source(%dma_start3A_130 : memref<128xi32, #tpu.memory_space<hbm>>) target(%arg8 : memref<128xi32, #tpu.memory_space<vmem>>) target_semaphore(%arg15 : memref<!tpu.dma_semaphore, #tpu.memory_space<semaphore_mem>>)
      %dma_start3A_131 = tpu.memref_slice %arg4[%multiple_of3A_128] : memref<327680xi32, #tpu.memory_space<hbm>> -> memref<128xi32, #tpu.memory_space<hbm>>
      %dma_start3A_132 = tpu.memref_slice %arg4[%multiple_of3A_128] : memref<327680xi32, #tpu.memory_space<hbm>> -> memref<128xi32, #tpu.memory_space<hbm>>
      tpu.enqueue_dma source(%dma_start3A_132 : memref<128xi32, #tpu.memory_space<hbm>>) target(%arg10 : memref<128xi32, #tpu.memory_space<vmem>>) target_semaphore(%arg15 : memref<!tpu.dma_semaphore, #tpu.memory_space<semaphore_mem>>)
      %dma_wait3A_133 = arith.constant 0 : i32
      %dma_wait3A_134 = tpu.memref_slice %arg3[%dma_wait3A_133] : memref<327680xi32, #tpu.memory_space<hbm>> -> memref<128xi32, #tpu.memory_space<hbm>>
      %dma_wait3A_135 = arith.constant 0 : i32
      %dma_wait3A_136 = tpu.memref_slice %arg3[%dma_wait3A_135] : memref<327680xi32, #tpu.memory_space<hbm>> -> memref<128xi32, #tpu.memory_space<hbm>>
      tpu.wait_dma2 semaphore(%arg15 : memref<!tpu.dma_semaphore, #tpu.memory_space<semaphore_mem>>) src(%dma_wait3A_136 : memref<128xi32, #tpu.memory_space<hbm>>) dst(%arg8 : memref<128xi32, #tpu.memory_space<vmem>>)
      %dma_wait3A_137 = arith.constant 0 : i32
      %dma_wait3A_138 = tpu.memref_slice %arg4[%dma_wait3A_137] : memref<327680xi32, #tpu.memory_space<hbm>> -> memref<128xi32, #tpu.memory_space<hbm>>
      %dma_wait3A_139 = arith.constant 0 : i32
      %dma_wait3A_140 = tpu.memref_slice %arg4[%dma_wait3A_139] : memref<327680xi32, #tpu.memory_space<hbm>> -> memref<128xi32, #tpu.memory_space<hbm>>
      tpu.wait_dma2 semaphore(%arg15 : memref<!tpu.dma_semaphore, #tpu.memory_space<semaphore_mem>>) src(%dma_wait3A_140 : memref<128xi32, #tpu.memory_space<hbm>>) dst(%arg10 : memref<128xi32, #tpu.memory_space<vmem>>)
      %dma_start3A_141 = arith.constant 0 : i32
      %dma_start3A_142 = arith.constant 0 : i32
      %dma_start3A_143 = tpu.memref_slice %arg2[%dma_start3A_141, %dma_start3A_142] : memref<10000x128xf32, #tpu.memory_space<hbm>> -> memref<10000x128xf32, #tpu.memory_space<hbm>>
      tpu.enqueue_indirect_dma source(%dma_start3A_143 : memref<10000x128xf32, #tpu.memory_space<hbm>>) target(%arg12 : memref<128x128xf32, #tpu.memory_space<vmem>>) offsets(%arg8 : memref<128xi32, #tpu.memory_space<vmem>>) semaphore(%arg17 : memref<!tpu.dma_semaphore, #tpu.memory_space<semaphore_mem>>)
    }
    %while3A_57 = arith.constant 1 : i32
    scf.for %while3A_77 = %while3A_55 to %while3A_51 step %while3A_57  : i32 {
      %mul3A_78 = arith.constant 2 : i32
      %mul3A_79 = arith.muli %while3A_77, %mul3A_78 : i32
      %dma_wait3A_80 = arith.constant 0 : i32
      %dma_wait3A_81 = arith.constant 0 : i32
      %dma_wait3A_82 = tpu.memref_slice %arg2[%dma_wait3A_80, %dma_wait3A_81] : memref<10000x128xf32, #tpu.memory_space<hbm>> -> memref<10000x128xf32, #tpu.memory_space<hbm>>
      tpu.wait_indirect_dma semaphore(%arg16 : memref<!tpu.dma_semaphore, #tpu.memory_space<semaphore_mem>>) src(%dma_wait3A_82 : memref<10000x128xf32, #tpu.memory_space<hbm>>) dst(%arg11 : memref<128x128xf32, #tpu.memory_space<vmem>>)
      %dma_start3A_83 = arith.constant 0 : i32
      %dma_start3A_84 = arith.constant 0 : i32
      %dma_start3A_85 = tpu.memref_slice %arg13[%dma_start3A_83, %dma_start3A_84] : memref<10240x128xf32, #tpu.memory_space<vmem_shared>> -> memref<10240x128xf32, #tpu.memory_space<vmem_shared>>
      tpu.enqueue_indirect_dma source(%arg11 : memref<128x128xf32, #tpu.memory_space<vmem>>) target(%dma_start3A_85 : memref<10240x128xf32, #tpu.memory_space<vmem_shared>>) offsets(%arg9 : memref<128xi32, #tpu.memory_space<vmem>>) semaphore(%arg18 : memref<!tpu.dma_semaphore, #tpu.memory_space<semaphore_mem>>) {add = true}
      %dma_wait3A_86 = arith.constant 0 : i32
      %dma_wait3A_87 = arith.constant 0 : i32
      %dma_wait3A_88 = tpu.memref_slice %arg2[%dma_wait3A_86, %dma_wait3A_87] : memref<10000x128xf32, #tpu.memory_space<hbm>> -> memref<10000x128xf32, #tpu.memory_space<hbm>>
      tpu.wait_indirect_dma semaphore(%arg17 : memref<!tpu.dma_semaphore, #tpu.memory_space<semaphore_mem>>) src(%dma_wait3A_88 : memref<10000x128xf32, #tpu.memory_space<hbm>>) dst(%arg12 : memref<128x128xf32, #tpu.memory_space<vmem>>)
      %dma_start3A_89 = arith.constant 0 : i32
      %dma_start3A_90 = arith.constant 0 : i32
      %dma_start3A_91 = tpu.memref_slice %arg13[%dma_start3A_89, %dma_start3A_90] : memref<10240x128xf32, #tpu.memory_space<vmem_shared>> -> memref<10240x128xf32, #tpu.memory_space<vmem_shared>>
      tpu.enqueue_indirect_dma source(%arg12 : memref<128x128xf32, #tpu.memory_space<vmem>>) target(%dma_start3A_91 : memref<10240x128xf32, #tpu.memory_space<vmem_shared>>) offsets(%arg10 : memref<128xi32, #tpu.memory_space<vmem>>) semaphore(%arg19 : memref<!tpu.dma_semaphore, #tpu.memory_space<semaphore_mem>>) {add = true}
      %dma_wait3A_92 = arith.constant 0 : i32
      %dma_wait3A_93 = arith.constant 0 : i32
      %dma_wait3A_94 = tpu.memref_slice %arg13[%dma_wait3A_92, %dma_wait3A_93] : memref<10240x128xf32, #tpu.memory_space<vmem_shared>> -> memref<10240x128xf32, #tpu.memory_space<vmem_shared>>
      tpu.wait_indirect_dma semaphore(%arg18 : memref<!tpu.dma_semaphore, #tpu.memory_space<semaphore_mem>>) src(%arg11 : memref<128x128xf32, #tpu.memory_space<vmem>>) dst(%dma_wait3A_94 : memref<10240x128xf32, #tpu.memory_space<vmem_shared>>)
      %add3A_95 = arith.constant 2 : i32
      %add3A_96 = arith.addi %mul3A_79, %add3A_95 : i32
      %add3A_97 = arith.constant 0 : i32
      %add3A_98 = arith.addi %add3A_96, %add3A_97 : i32
      %mul3A_99 = arith.constant 128 : i32
      %mul3A_100 = arith.muli %add3A_98, %mul3A_99 : i32
      %add3A_101 = arith.addi %select_n3A, %mul3A_100 : i32
      %multiple_of3A_102 = tpu.assume_multiple %add3A_101, 128 : i32
      %dma_start3A_103 = tpu.memref_slice %arg3[%multiple_of3A_102] : memref<327680xi32, #tpu.memory_space<hbm>> -> memref<128xi32, #tpu.memory_space<hbm>>
      %dma_start3A_104 = tpu.memref_slice %arg3[%multiple_of3A_102] : memref<327680xi32, #tpu.memory_space<hbm>> -> memref<128xi32, #tpu.memory_space<hbm>>
      tpu.enqueue_dma source(%dma_start3A_104 : memref<128xi32, #tpu.memory_space<hbm>>) target(%arg7 : memref<128xi32, #tpu.memory_space<vmem>>) target_semaphore(%arg14 : memref<!tpu.dma_semaphore, #tpu.memory_space<semaphore_mem>>)
      %dma_start3A_105 = tpu.memref_slice %arg4[%multiple_of3A_102] : memref<327680xi32, #tpu.memory_space<hbm>> -> memref<128xi32, #tpu.memory_space<hbm>>
      %dma_start3A_106 = tpu.memref_slice %arg4[%multiple_of3A_102] : memref<327680xi32, #tpu.memory_space<hbm>> -> memref<128xi32, #tpu.memory_space<hbm>>
      tpu.enqueue_dma source(%dma_start3A_106 : memref<128xi32, #tpu.memory_space<hbm>>) target(%arg9 : memref<128xi32, #tpu.memory_space<vmem>>) target_semaphore(%arg14 : memref<!tpu.dma_semaphore, #tpu.memory_space<semaphore_mem>>)
      %dma_wait3A_107 = arith.constant 0 : i32
      %dma_wait3A_108 = tpu.memref_slice %arg3[%dma_wait3A_107] : memref<327680xi32, #tpu.memory_space<hbm>> -> memref<128xi32, #tpu.memory_space<hbm>>
      %dma_wait3A_109 = arith.constant 0 : i32
      %dma_wait3A_110 = tpu.memref_slice %arg3[%dma_wait3A_109] : memref<327680xi32, #tpu.memory_space<hbm>> -> memref<128xi32, #tpu.memory_space<hbm>>
      tpu.wait_dma2 semaphore(%arg14 : memref<!tpu.dma_semaphore, #tpu.memory_space<semaphore_mem>>) src(%dma_wait3A_110 : memref<128xi32, #tpu.memory_space<hbm>>) dst(%arg7 : memref<128xi32, #tpu.memory_space<vmem>>)
      %dma_wait3A_111 = arith.constant 0 : i32
      %dma_wait3A_112 = tpu.memref_slice %arg4[%dma_wait3A_111] : memref<327680xi32, #tpu.memory_space<hbm>> -> memref<128xi32, #tpu.memory_space<hbm>>
      %dma_wait3A_113 = arith.constant 0 : i32
      %dma_wait3A_114 = tpu.memref_slice %arg4[%dma_wait3A_113] : memref<327680xi32, #tpu.memory_space<hbm>> -> memref<128xi32, #tpu.memory_space<hbm>>
      tpu.wait_dma2 semaphore(%arg14 : memref<!tpu.dma_semaphore, #tpu.memory_space<semaphore_mem>>) src(%dma_wait3A_114 : memref<128xi32, #tpu.memory_space<hbm>>) dst(%arg9 : memref<128xi32, #tpu.memory_space<vmem>>)
      %dma_start3A_115 = arith.constant 0 : i32
      %dma_start3A_116 = arith.constant 0 : i32
      %dma_start3A_117 = tpu.memref_slice %arg2[%dma_start3A_115, %dma_start3A_116] : memref<10000x128xf32, #tpu.memory_space<hbm>> -> memref<10000x128xf32, #tpu.memory_space<hbm>>
      tpu.enqueue_indirect_dma source(%dma_start3A_117 : memref<10000x128xf32, #tpu.memory_space<hbm>>) target(%arg11 : memref<128x128xf32, #tpu.memory_space<vmem>>) offsets(%arg7 : memref<128xi32, #tpu.memory_space<vmem>>) semaphore(%arg16 : memref<!tpu.dma_semaphore, #tpu.memory_space<semaphore_mem>>)
      %dma_wait3A_118 = arith.constant 0 : i32
      %dma_wait3A_119 = arith.constant 0 : i32
      %dma_wait3A_120 = tpu.memref_slice %arg13[%dma_wait3A_118, %dma_wait3A_119] : memref<10240x128xf32, #tpu.memory_space<vmem_shared>> -> memref<10240x128xf32, #tpu.memory_space<vmem_shared>>
      tpu.wait_indirect_dma semaphore(%arg19 : memref<!tpu.dma_semaphore, #tpu.memory_space<semaphore_mem>>) src(%arg12 : memref<128x128xf32, #tpu.memory_space<vmem>>) dst(%dma_wait3A_120 : memref<10240x128xf32, #tpu.memory_space<vmem_shared>>)
      %add3A_121 = arith.constant 2 : i32
      %add3A_122 = arith.addi %mul3A_79, %add3A_121 : i32
      %add3A_123 = arith.constant 1 : i32
      %add3A_124 = arith.addi %add3A_122, %add3A_123 : i32
      %mul3A_125 = arith.constant 128 : i32
      %mul3A_126 = arith.muli %add3A_124, %mul3A_125 : i32
      %add3A_127 = arith.addi %select_n3A, %mul3A_126 : i32
      %multiple_of3A_128 = tpu.assume_multiple %add3A_127, 128 : i32
      %dma_start3A_129 = tpu.memref_slice %arg3[%multiple_of3A_128] : memref<327680xi32, #tpu.memory_space<hbm>> -> memref<128xi32, #tpu.memory_space<hbm>>
      %dma_start3A_130 = tpu.memref_slice %arg3[%multiple_of3A_128] : memref<327680xi32, #tpu.memory_space<hbm>> -> memref<128xi32, #tpu.memory_space<hbm>>
      tpu.enqueue_dma source(%dma_start3A_130 : memref<128xi32, #tpu.memory_space<hbm>>) target(%arg8 : memref<128xi32, #tpu.memory_space<vmem>>) target_semaphore(%arg15 : memref<!tpu.dma_semaphore, #tpu.memory_space<semaphore_mem>>)
      %dma_start3A_131 = tpu.memref_slice %arg4[%multiple_of3A_128] : memref<327680xi32, #tpu.memory_space<hbm>> -> memref<128xi32, #tpu.memory_space<hbm>>
      %dma_start3A_132 = tpu.memref_slice %arg4[%multiple_of3A_128] : memref<327680xi32, #tpu.memory_space<hbm>> -> memref<128xi32, #tpu.memory_space<hbm>>
      tpu.enqueue_dma source(%dma_start3A_132 : memref<128xi32, #tpu.memory_space<hbm>>) target(%arg10 : memref<128xi32, #tpu.memory_space<vmem>>) target_semaphore(%arg15 : memref<!tpu.dma_semaphore, #tpu.memory_space<semaphore_mem>>)
      %dma_wait3A_133 = arith.constant 0 : i32
      %dma_wait3A_134 = tpu.memref_slice %arg3[%dma_wait3A_133] : memref<327680xi32, #tpu.memory_space<hbm>> -> memref<128xi32, #tpu.memory_space<hbm>>
      %dma_wait3A_135 = arith.constant 0 : i32
      %dma_wait3A_136 = tpu.memref_slice %arg3[%dma_wait3A_135] : memref<327680xi32, #tpu.memory_space<hbm>> -> memref<128xi32, #tpu.memory_space<hbm>>
      tpu.wait_dma2 semaphore(%arg15 : memref<!tpu.dma_semaphore, #tpu.memory_space<semaphore_mem>>) src(%dma_wait3A_136 : memref<128xi32, #tpu.memory_space<hbm>>) dst(%arg8 : memref<128xi32, #tpu.memory_space<vmem>>)
      %dma_wait3A_137 = arith.constant 0 : i32
      %dma_wait3A_138 = tpu.memref_slice %arg4[%dma_wait3A_137] : memref<327680xi32, #tpu.memory_space<hbm>> -> memref<128xi32, #tpu.memory_space<hbm>>
      %dma_wait3A_139 = arith.constant 0 : i32
      %dma_wait3A_140 = tpu.memref_slice %arg4[%dma_wait3A_139] : memref<327680xi32, #tpu.memory_space<hbm>> -> memref<128xi32, #tpu.memory_space<hbm>>
      tpu.wait_dma2 semaphore(%arg15 : memref<!tpu.dma_semaphore, #tpu.memory_space<semaphore_mem>>) src(%dma_wait3A_140 : memref<128xi32, #tpu.memory_space<hbm>>) dst(%arg10 : memref<128xi32, #tpu.memory_space<vmem>>)
      %dma_start3A_141 = arith.constant 0 : i32
      %dma_start3A_142 = arith.constant 0 : i32
      %dma_start3A_143 = tpu.memref_slice %arg2[%dma_start3A_141, %dma_start3A_142] : memref<10000x128xf32, #tpu.memory_space<hbm>> -> memref<10000x128xf32, #tpu.memory_space<hbm>>
      tpu.enqueue_indirect_dma source(%dma_start3A_143 : memref<10000x128xf32, #tpu.memory_space<hbm>>) target(%arg12 : memref<128x128xf32, #tpu.memory_space<vmem>>) offsets(%arg8 : memref<128xi32, #tpu.memory_space<vmem>>) semaphore(%arg17 : memref<!tpu.dma_semaphore, #tpu.memory_space<semaphore_mem>>)
    }
    %dma_wait3A_58 = arith.constant 0 : i32
    %dma_wait3A_59 = arith.constant 0 : i32
    %dma_wait3A_60 = tpu.memref_slice %arg2[%dma_wait3A_58, %dma_wait3A_59] : memref<10000x128xf32, #tpu.memory_space<hbm>> -> memref<10000x128xf32, #tpu.memory_space<hbm>>
    tpu.wait_indirect_dma semaphore(%arg16 : memref<!tpu.dma_semaphore, #tpu.memory_space<semaphore_mem>>) src(%dma_wait3A_60 : memref<10000x128xf32, #tpu.memory_space<hbm>>) dst(%arg11 : memref<128x128xf32, #tpu.memory_space<vmem>>)
    %dma_start3A_61 = arith.constant 0 : i32
    %dma_start3A_62 = arith.constant 0 : i32
    %dma_start3A_63 = tpu.memref_slice %arg13[%dma_start3A_61, %dma_start3A_62] : memref<10240x128xf32, #tpu.memory_space<vmem_shared>> -> memref<10240x128xf32, #tpu.memory_space<vmem_shared>>
    tpu.enqueue_indirect_dma source(%arg11 : memref<128x128xf32, #tpu.memory_space<vmem>>) target(%dma_start3A_63 : memref<10240x128xf32, #tpu.memory_space<vmem_shared>>) offsets(%arg9 : memref<128xi32, #tpu.memory_space<vmem>>) semaphore(%arg18 : memref<!tpu.dma_semaphore, #tpu.memory_space<semaphore_mem>>) {add = true}
    %dma_wait3A_64 = arith.constant 0 : i32
    %dma_wait3A_65 = arith.constant 0 : i32
    %dma_wait3A_66 = tpu.memref_slice %arg2[%dma_wait3A_64, %dma_wait3A_65] : memref<10000x128xf32, #tpu.memory_space<hbm>> -> memref<10000x128xf32, #tpu.memory_space<hbm>>
    tpu.wait_indirect_dma semaphore(%arg17 : memref<!tpu.dma_semaphore, #tpu.memory_space<semaphore_mem>>) src(%dma_wait3A_66 : memref<10000x128xf32, #tpu.memory_space<hbm>>) dst(%arg12 : memref<128x128xf32, #tpu.memory_space<vmem>>)
    %dma_start3A_67 = arith.constant 0 : i32
    %dma_start3A_68 = arith.constant 0 : i32
    %dma_start3A_69 = tpu.memref_slice %arg13[%dma_start3A_67, %dma_start3A_68] : memref<10240x128xf32, #tpu.memory_space<vmem_shared>> -> memref<10240x128xf32, #tpu.memory_space<vmem_shared>>
    tpu.enqueue_indirect_dma source(%arg12 : memref<128x128xf32, #tpu.memory_space<vmem>>) target(%dma_start3A_69 : memref<10240x128xf32, #tpu.memory_space<vmem_shared>>) offsets(%arg10 : memref<128xi32, #tpu.memory_space<vmem>>) semaphore(%arg19 : memref<!tpu.dma_semaphore, #tpu.memory_space<semaphore_mem>>) {add = true}
    %dma_wait3A_70 = arith.constant 0 : i32
    %dma_wait3A_71 = arith.constant 0 : i32
    %dma_wait3A_72 = tpu.memref_slice %arg13[%dma_wait3A_70, %dma_wait3A_71] : memref<10240x128xf32, #tpu.memory_space<vmem_shared>> -> memref<10240x128xf32, #tpu.memory_space<vmem_shared>>
    tpu.wait_indirect_dma semaphore(%arg18 : memref<!tpu.dma_semaphore, #tpu.memory_space<semaphore_mem>>) src(%arg11 : memref<128x128xf32, #tpu.memory_space<vmem>>) dst(%dma_wait3A_72 : memref<10240x128xf32, #tpu.memory_space<vmem_shared>>)
    %dma_wait3A_73 = arith.constant 0 : i32
    %dma_wait3A_74 = arith.constant 0 : i32
    %dma_wait3A_75 = tpu.memref_slice %arg13[%dma_wait3A_73, %dma_wait3A_74] : memref<10240x128xf32, #tpu.memory_space<vmem_shared>> -> memref<10240x128xf32, #tpu.memory_space<vmem_shared>>
    tpu.wait_indirect_dma semaphore(%arg19 : memref<!tpu.dma_semaphore, #tpu.memory_space<semaphore_mem>>) src(%arg12 : memref<128x128xf32, #tpu.memory_space<vmem>>) dst(%dma_wait3A_75 : memref<10240x128xf32, #tpu.memory_space<vmem_shared>>)
    %barrier3A_76 = arith.constant 0 : index
    tpu.barrier barrier_id(%barrier3A_76)
    "tpu.region"() ({
      %run_scoped3A = tpu.sem_alloc : memref<!tpu.dma_semaphore, #tpu.memory_space<semaphore_mem>>
      %dma_start3A_77 = arith.constant 0 : i32
      %dma_start3A_78 = arith.constant 0 : i32
      %dma_start3A_79 = tpu.memref_slice %arg6[%add3A, %dma_start3A_77, %dma_start3A_78] : memref<32x640x128xf32, #tpu.memory_space<hbm>> -> memref<1x640x128xf32, #tpu.memory_space<hbm>>
      %dma_start3A_80 = tpu.memref_squeeze %dma_start3A_79 : memref<1x640x128xf32, #tpu.memory_space<hbm>> -> memref<640x128xf32, #tpu.memory_space<hbm>>
      %dma_start3A_81 = arith.constant 0 : i32
      %dma_start3A_82 = tpu.memref_slice %arg13[%multiple_of3A, %dma_start3A_81] : memref<10240x128xf32, #tpu.memory_space<vmem_shared>> -> memref<640x128xf32, #tpu.memory_space<vmem_shared>>
      tpu.enqueue_dma source(%dma_start3A_82 : memref<640x128xf32, #tpu.memory_space<vmem_shared>>) target(%dma_start3A_80 : memref<640x128xf32, #tpu.memory_space<hbm>>) target_semaphore(%run_scoped3A : memref<!tpu.dma_semaphore, #tpu.memory_space<semaphore_mem>>)
      %dma_wait3A_83 = arith.constant 0 : i32
      %dma_wait3A_84 = arith.constant 0 : i32
      %dma_wait3A_85 = tpu.memref_slice %arg6[%add3A, %dma_wait3A_83, %dma_wait3A_84] : memref<32x640x128xf32, #tpu.memory_space<hbm>> -> memref<1x640x128xf32, #tpu.memory_space<hbm>>
      %dma_wait3A_86 = tpu.memref_squeeze %dma_wait3A_85 : memref<1x640x128xf32, #tpu.memory_space<hbm>> -> memref<640x128xf32, #tpu.memory_space<hbm>>
      %dma_wait3A_87 = arith.constant 0 : i32
      %dma_wait3A_88 = tpu.memref_slice %arg13[%multiple_of3A, %dma_wait3A_87] : memref<10240x128xf32, #tpu.memory_space<vmem_shared>> -> memref<640x128xf32, #tpu.memory_space<vmem_shared>>
      tpu.wait_dma2 semaphore(%run_scoped3A : memref<!tpu.dma_semaphore, #tpu.memory_space<semaphore_mem>>) src(%dma_wait3A_88 : memref<640x128xf32, #tpu.memory_space<vmem_shared>>) dst(%dma_wait3A_86 : memref<640x128xf32, #tpu.memory_space<hbm>>)
      tpu.yield
    }) : () -> ()
    return
  }
}

#map = affine_map<(d0, d1) -> (0, 0)>
#map1 = affine_map<(d0, d1) -> (0)>
#map2 = affine_map<(d0, d1) -> (0, 0, 0)>
module attributes {stable_mosaic.version = 14 : i64} {
  func.func @_seg_sum(%arg0: i32, %arg1: i32, %arg2: memref<10000x128xf32, #tpu.memory_space<hbm>>, %arg3: memref<327680xi32, #tpu.memory_space<hbm>>, %arg4: memref<327680xi32, #tpu.memory_space<hbm>>, %arg5: memref<640x128xf32, #tpu.memory_space<hbm>>, %arg6: memref<32x640x128xf32, #tpu.memory_space<hbm>>, %arg7: memref<128xi32, #tpu.memory_space<vmem>>, %arg8: memref<128xi32, #tpu.memory_space<vmem>>, %arg9: memref<128xi32, #tpu.memory_space<vmem>>, %arg10: memref<128xi32, #tpu.memory_space<vmem>>, %arg11: memref<128x128xf32, #tpu.memory_space<vmem>>, %arg12: memref<128x128xf32, #tpu.memory_space<vmem>>, %arg13: memref<10240x128xf32, #tpu.memory_space<vmem_shared>>, %arg14: memref<!tpu.dma_semaphore, #tpu.memory_space<semaphore_mem>>, %arg15: memref<!tpu.dma_semaphore, #tpu.memory_space<semaphore_mem>>, %arg16: memref<!tpu.dma_semaphore, #tpu.memory_space<semaphore_mem>>, %arg17: memref<!tpu.dma_semaphore, #tpu.memory_space<semaphore_mem>>, %arg18: memref<!tpu.dma_semaphore, #tpu.memory_space<semaphore_mem>>, %arg19: memref<!tpu.dma_semaphore, #tpu.memory_space<semaphore_mem>>) attributes {dimension_semantics = [#tpu.dimension_semantics<core_parallel>, #tpu.dimension_semantics<subcore_parallel>], iteration_bounds = array<i64: 2, 16>, scalar_prefetch = 0 : i64, scratch_operands = 13 : i64, tpu.core_type = #tpu.core_type<sc_vector_subcore>, window_params = [{transform_indices = #map}, {transform_indices = #map1}, {transform_indices = #map1}, {transform_indices = #map}, {transform_indices = #map2}]} {
    %mul3A = arith.constant 16 : i32
    %mul3A_0 = arith.muli %arg0, %mul3A : i32
    %add3A = arith.addi %mul3A_0, %arg1 : i32
    %mul3A_1 = arith.constant 640 : i32
    %mul3A_2 = arith.muli %arg1, %mul3A_1 : i32
    %multiple_of3A = tpu.assume_multiple %mul3A_2, 640 : i32
    "tpu.region"() ({
      %run_scoped3A = tpu.sem_alloc : memref<!tpu.dma_semaphore, #tpu.memory_space<semaphore_mem>>
      %dma_start3A_77 = arith.constant 0 : i32
      %dma_start3A_78 = tpu.memref_slice %arg13[%multiple_of3A, %dma_start3A_77] : memref<10240x128xf32, #tpu.memory_space<vmem_shared>> -> memref<640x128xf32, #tpu.memory_space<vmem_shared>>
      tpu.enqueue_dma source(%arg5 : memref<640x128xf32, #tpu.memory_space<hbm>>) target(%dma_start3A_78 : memref<640x128xf32, #tpu.memory_space<vmem_shared>>) target_semaphore(%run_scoped3A : memref<!tpu.dma_semaphore, #tpu.memory_space<semaphore_mem>>)
      %dma_wait3A_79 = arith.constant 0 : i32
      %dma_wait3A_80 = tpu.memref_slice %arg13[%multiple_of3A, %dma_wait3A_79] : memref<10240x128xf32, #tpu.memory_space<vmem_shared>> -> memref<640x128xf32, #tpu.memory_space<vmem_shared>>
      tpu.wait_dma2 semaphore(%run_scoped3A : memref<!tpu.dma_semaphore, #tpu.memory_space<semaphore_mem>>) src(%arg5 : memref<640x128xf32, #tpu.memory_space<hbm>>) dst(%dma_wait3A_80 : memref<640x128xf32, #tpu.memory_space<vmem_shared>>)
      tpu.yield
    }) : () -> ()
    %barrier3A = arith.constant 0 : index
    tpu.barrier barrier_id(%barrier3A)
    %eq3A = arith.constant 0 : i32
    %eq3A_3 = arith.cmpi eq, %arg0, %eq3A : i32
    %mul3A_4 = arith.constant 15360 : i32
    %mul3A_5 = arith.muli %arg1, %mul3A_4 : i32
    %mul3A_6 = arith.constant 5120 : i32
    %mul3A_7 = arith.muli %arg1, %mul3A_6 : i32
    %add3A_8 = arith.constant 245760 : i32
    %add3A_9 = arith.addi %add3A_8, %mul3A_7 : i32
    %select_n3A = arith.select %eq3A_3, %mul3A_5, %add3A_9 : i32
    %eq3A_10 = arith.constant 0 : i32
    %eq3A_11 = arith.cmpi eq, %arg0, %eq3A_10 : i32
    %jit3A = arith.constant 60 : i32
    %jit3A_12 = arith.constant 20 : i32
    %select_n3A_13 = arith.select %eq3A_11, %jit3A, %jit3A_12 : i32
    %add3A_14 = arith.constant 0 : i32
    %add3A_15 = arith.addi %select_n3A, %add3A_14 : i32
    %multiple_of3A_16 = tpu.assume_multiple %add3A_15, 128 : i32
    %dma_start3A = tpu.memref_slice %arg3[%multiple_of3A_16] : memref<327680xi32, #tpu.memory_space<hbm>> -> memref<128xi32, #tpu.memory_space<hbm>>
    %dma_start3A_17 = tpu.memref_slice %arg3[%multiple_of3A_16] : memref<327680xi32, #tpu.memory_space<hbm>> -> memref<128xi32, #tpu.memory_space<hbm>>
    tpu.enqueue_dma source(%dma_start3A_17 : memref<128xi32, #tpu.memory_space<hbm>>) target(%arg7 : memref<128xi32, #tpu.memory_space<vmem>>) target_semaphore(%arg14 : memref<!tpu.dma_semaphore, #tpu.memory_space<semaphore_mem>>)
    %dma_start3A_18 = tpu.memref_slice %arg4[%multiple_of3A_16] : memref<327680xi32, #tpu.memory_space<hbm>> -> memref<128xi32, #tpu.memory_space<hbm>>
    %dma_start3A_19 = tpu.memref_slice %arg4[%multiple_of3A_16] : memref<327680xi32, #tpu.memory_space<hbm>> -> memref<128xi32, #tpu.memory_space<hbm>>
    tpu.enqueue_dma source(%dma_start3A_19 : memref<128xi32, #tpu.memory_space<hbm>>) target(%arg9 : memref<128xi32, #tpu.memory_space<vmem>>) target_semaphore(%arg14 : memref<!tpu.dma_semaphore, #tpu.memory_space<semaphore_mem>>)
    %add3A_20 = arith.constant 128 : i32
    %add3A_21 = arith.addi %select_n3A, %add3A_20 : i32
    %multiple_of3A_22 = tpu.assume_multiple %add3A_21, 128 : i32
    %dma_start3A_23 = tpu.memref_slice %arg3[%multiple_of3A_22] : memref<327680xi32, #tpu.memory_space<hbm>> -> memref<128xi32, #tpu.memory_space<hbm>>
    %dma_start3A_24 = tpu.memref_slice %arg3[%multiple_of3A_22] : memref<327680xi32, #tpu.memory_space<hbm>> -> memref<128xi32, #tpu.memory_space<hbm>>
    tpu.enqueue_dma source(%dma_start3A_24 : memref<128xi32, #tpu.memory_space<hbm>>) target(%arg8 : memref<128xi32, #tpu.memory_space<vmem>>) target_semaphore(%arg15 : memref<!tpu.dma_semaphore, #tpu.memory_space<semaphore_mem>>)
    %dma_start3A_25 = tpu.memref_slice %arg4[%multiple_of3A_22] : memref<327680xi32, #tpu.memory_space<hbm>> -> memref<128xi32, #tpu.memory_space<hbm>>
    %dma_start3A_26 = tpu.memref_slice %arg4[%multiple_of3A_22] : memref<327680xi32, #tpu.memory_space<hbm>> -> memref<128xi32, #tpu.memory_space<hbm>>
    tpu.enqueue_dma source(%dma_start3A_26 : memref<128xi32, #tpu.memory_space<hbm>>) target(%arg10 : memref<128xi32, #tpu.memory_space<vmem>>) target_semaphore(%arg15 : memref<!tpu.dma_semaphore, #tpu.memory_space<semaphore_mem>>)
    %dma_wait3A = arith.constant 0 : i32
    %dma_wait3A_27 = tpu.memref_slice %arg3[%dma_wait3A] : memref<327680xi32, #tpu.memory_space<hbm>> -> memref<128xi32, #tpu.memory_space<hbm>>
    %dma_wait3A_28 = arith.constant 0 : i32
    %dma_wait3A_29 = tpu.memref_slice %arg3[%dma_wait3A_28] : memref<327680xi32, #tpu.memory_space<hbm>> -> memref<128xi32, #tpu.memory_space<hbm>>
    tpu.wait_dma2 semaphore(%arg14 : memref<!tpu.dma_semaphore, #tpu.memory_space<semaphore_mem>>) src(%dma_wait3A_29 : memref<128xi32, #tpu.memory_space<hbm>>) dst(%arg7 : memref<128xi32, #tpu.memory_space<vmem>>)
    %dma_wait3A_30 = arith.constant 0 : i32
    %dma_wait3A_31 = tpu.memref_slice %arg4[%dma_wait3A_30] : memref<327680xi32, #tpu.memory_space<hbm>> -> memref<128xi32, #tpu.memory_space<hbm>>
    %dma_wait3A_32 = arith.constant 0 : i32
    %dma_wait3A_33 = tpu.memref_slice %arg4[%dma_wait3A_32] : memref<327680xi32, #tpu.memory_space<hbm>> -> memref<128xi32, #tpu.memory_space<hbm>>
    tpu.wait_dma2 semaphore(%arg14 : memref<!tpu.dma_semaphore, #tpu.memory_space<semaphore_mem>>) src(%dma_wait3A_33 : memref<128xi32, #tpu.memory_space<hbm>>) dst(%arg9 : memref<128xi32, #tpu.memory_space<vmem>>)
    %dma_start3A_34 = arith.constant 0 : i32
    %dma_start3A_35 = arith.constant 0 : i32
    %dma_start3A_36 = tpu.memref_slice %arg2[%dma_start3A_34, %dma_start3A_35] : memref<10000x128xf32, #tpu.memory_space<hbm>> -> memref<10000x128xf32, #tpu.memory_space<hbm>>
    tpu.enqueue_indirect_dma source(%dma_start3A_36 : memref<10000x128xf32, #tpu.memory_space<hbm>>) target(%arg11 : memref<128x128xf32, #tpu.memory_space<vmem>>) offsets(%arg7 : memref<128xi32, #tpu.memory_space<vmem>>) semaphore(%arg16 : memref<!tpu.dma_semaphore, #tpu.memory_space<semaphore_mem>>)
    %dma_wait3A_37 = arith.constant 0 : i32
    %dma_wait3A_38 = tpu.memref_slice %arg3[%dma_wait3A_37] : memref<327680xi32, #tpu.memory_space<hbm>> -> memref<128xi32, #tpu.memory_space<hbm>>
    %dma_wait3A_39 = arith.constant 0 : i32
    %dma_wait3A_40 = tpu.memref_slice %arg3[%dma_wait3A_39] : memref<327680xi32, #tpu.memory_space<hbm>> -> memref<128xi32, #tpu.memory_space<hbm>>
    tpu.wait_dma2 semaphore(%arg15 : memref<!tpu.dma_semaphore, #tpu.memory_space<semaphore_mem>>) src(%dma_wait3A_40 : memref<128xi32, #tpu.memory_space<hbm>>) dst(%arg8 : memref<128xi32, #tpu.memory_space<vmem>>)
    %dma_wait3A_41 = arith.constant 0 : i32
    %dma_wait3A_42 = tpu.memref_slice %arg4[%dma_wait3A_41] : memref<327680xi32, #tpu.memory_space<hbm>> -> memref<128xi32, #tpu.memory_space<hbm>>
    %dma_wait3A_43 = arith.constant 0 : i32
    %dma_wait3A_44 = tpu.memref_slice %arg4[%dma_wait3A_43] : memref<327680xi32, #tpu.memory_space<hbm>> -> memref<128xi32, #tpu.memory_space<hbm>>
    tpu.wait_dma2 semaphore(%arg15 : memref<!tpu.dma_semaphore, #tpu.memory_space<semaphore_mem>>) src(%dma_wait3A_44 : memref<128xi32, #tpu.memory_space<hbm>>) dst(%arg10 : memref<128xi32, #tpu.memory_space<vmem>>)
    %dma_start3A_45 = arith.constant 0 : i32
    %dma_start3A_46 = arith.constant 0 : i32
    %dma_start3A_47 = tpu.memref_slice %arg2[%dma_start3A_45, %dma_start3A_46] : memref<10000x128xf32, #tpu.memory_space<hbm>> -> memref<10000x128xf32, #tpu.memory_space<hbm>>
    tpu.enqueue_indirect_dma source(%dma_start3A_47 : memref<10000x128xf32, #tpu.memory_space<hbm>>) target(%arg12 : memref<128x128xf32, #tpu.memory_space<vmem>>) offsets(%arg8 : memref<128xi32, #tpu.memory_space<vmem>>) semaphore(%arg17 : memref<!tpu.dma_semaphore, #tpu.memory_space<semaphore_mem>>)
    %sub3A = arith.constant 1 : i32
    %sub3A_48 = arith.subi %select_n3A_13, %sub3A : i32
    %while3A = arith.constant 0 : i32
    %while3A_49 = arith.constant 0 : i32
    %while3A_50 = arith.subi %sub3A_48, %while3A_49 : i32
    %while3A_51 = arith.addi %while3A_49, %while3A_50 : i32
    %while3A_52 = arith.constant 1 : i32
    %while3A_53 = arith.divsi %while3A_50, %while3A_52 : i32
    %while3A_54 = arith.muli %while3A_53, %while3A_52 : i32
    %while3A_55 = arith.addi %while3A_49, %while3A_54 : i32
    %while3A_56 = arith.constant 1 : i32
    scf.for %while3A_77 = %while3A_49 to %while3A_55 step %while3A_56  : i32 {
      %mul3A_78 = arith.constant 2 : i32
      %mul3A_79 = arith.muli %while3A_77, %mul3A_78 : i32
      %dma_wait3A_80 = arith.constant 0 : i32
      %dma_wait3A_81 = arith.constant 0 : i32
      %dma_wait3A_82 = tpu.memref_slice %arg2[%dma_wait3A_80, %dma_wait3A_81] : memref<10000x128xf32, #tpu.memory_space<hbm>> -> memref<10000x128xf32, #tpu.memory_space<hbm>>
      tpu.wait_indirect_dma semaphore(%arg16 : memref<!tpu.dma_semaphore, #tpu.memory_space<semaphore_mem>>) src(%dma_wait3A_82 : memref<10000x128xf32, #tpu.memory_space<hbm>>) dst(%arg11 : memref<128x128xf32, #tpu.memory_space<vmem>>)
      %dma_start3A_83 = arith.constant 0 : i32
      %dma_start3A_84 = arith.constant 0 : i32
      %dma_start3A_85 = tpu.memref_slice %arg13[%dma_start3A_83, %dma_start3A_84] : memref<10240x128xf32, #tpu.memory_space<vmem_shared>> -> memref<10240x128xf32, #tpu.memory_space<vmem_shared>>
      tpu.enqueue_indirect_dma source(%arg11 : memref<128x128xf32, #tpu.memory_space<vmem>>) target(%dma_start3A_85 : memref<10240x128xf32, #tpu.memory_space<vmem_shared>>) offsets(%arg9 : memref<128xi32, #tpu.memory_space<vmem>>) semaphore(%arg18 : memref<!tpu.dma_semaphore, #tpu.memory_space<semaphore_mem>>) {add = true}
      %dma_wait3A_86 = arith.constant 0 : i32
      %dma_wait3A_87 = arith.constant 0 : i32
      %dma_wait3A_88 = tpu.memref_slice %arg2[%dma_wait3A_86, %dma_wait3A_87] : memref<10000x128xf32, #tpu.memory_space<hbm>> -> memref<10000x128xf32, #tpu.memory_space<hbm>>
      tpu.wait_indirect_dma semaphore(%arg17 : memref<!tpu.dma_semaphore, #tpu.memory_space<semaphore_mem>>) src(%dma_wait3A_88 : memref<10000x128xf32, #tpu.memory_space<hbm>>) dst(%arg12 : memref<128x128xf32, #tpu.memory_space<vmem>>)
      %dma_start3A_89 = arith.constant 0 : i32
      %dma_start3A_90 = arith.constant 0 : i32
      %dma_start3A_91 = tpu.memref_slice %arg13[%dma_start3A_89, %dma_start3A_90] : memref<10240x128xf32, #tpu.memory_space<vmem_shared>> -> memref<10240x128xf32, #tpu.memory_space<vmem_shared>>
      tpu.enqueue_indirect_dma source(%arg12 : memref<128x128xf32, #tpu.memory_space<vmem>>) target(%dma_start3A_91 : memref<10240x128xf32, #tpu.memory_space<vmem_shared>>) offsets(%arg10 : memref<128xi32, #tpu.memory_space<vmem>>) semaphore(%arg19 : memref<!tpu.dma_semaphore, #tpu.memory_space<semaphore_mem>>) {add = true}
      %dma_wait3A_92 = arith.constant 0 : i32
      %dma_wait3A_93 = arith.constant 0 : i32
      %dma_wait3A_94 = tpu.memref_slice %arg13[%dma_wait3A_92, %dma_wait3A_93] : memref<10240x128xf32, #tpu.memory_space<vmem_shared>> -> memref<10240x128xf32, #tpu.memory_space<vmem_shared>>
      tpu.wait_indirect_dma semaphore(%arg18 : memref<!tpu.dma_semaphore, #tpu.memory_space<semaphore_mem>>) src(%arg11 : memref<128x128xf32, #tpu.memory_space<vmem>>) dst(%dma_wait3A_94 : memref<10240x128xf32, #tpu.memory_space<vmem_shared>>)
      %add3A_95 = arith.constant 2 : i32
      %add3A_96 = arith.addi %mul3A_79, %add3A_95 : i32
      %add3A_97 = arith.constant 0 : i32
      %add3A_98 = arith.addi %add3A_96, %add3A_97 : i32
      %mul3A_99 = arith.constant 128 : i32
      %mul3A_100 = arith.muli %add3A_98, %mul3A_99 : i32
      %add3A_101 = arith.addi %select_n3A, %mul3A_100 : i32
      %multiple_of3A_102 = tpu.assume_multiple %add3A_101, 128 : i32
      %dma_start3A_103 = tpu.memref_slice %arg3[%multiple_of3A_102] : memref<327680xi32, #tpu.memory_space<hbm>> -> memref<128xi32, #tpu.memory_space<hbm>>
      %dma_start3A_104 = tpu.memref_slice %arg3[%multiple_of3A_102] : memref<327680xi32, #tpu.memory_space<hbm>> -> memref<128xi32, #tpu.memory_space<hbm>>
      tpu.enqueue_dma source(%dma_start3A_104 : memref<128xi32, #tpu.memory_space<hbm>>) target(%arg7 : memref<128xi32, #tpu.memory_space<vmem>>) target_semaphore(%arg14 : memref<!tpu.dma_semaphore, #tpu.memory_space<semaphore_mem>>)
      %dma_start3A_105 = tpu.memref_slice %arg4[%multiple_of3A_102] : memref<327680xi32, #tpu.memory_space<hbm>> -> memref<128xi32, #tpu.memory_space<hbm>>
      %dma_start3A_106 = tpu.memref_slice %arg4[%multiple_of3A_102] : memref<327680xi32, #tpu.memory_space<hbm>> -> memref<128xi32, #tpu.memory_space<hbm>>
      tpu.enqueue_dma source(%dma_start3A_106 : memref<128xi32, #tpu.memory_space<hbm>>) target(%arg9 : memref<128xi32, #tpu.memory_space<vmem>>) target_semaphore(%arg14 : memref<!tpu.dma_semaphore, #tpu.memory_space<semaphore_mem>>)
      %dma_wait3A_107 = arith.constant 0 : i32
      %dma_wait3A_108 = tpu.memref_slice %arg3[%dma_wait3A_107] : memref<327680xi32, #tpu.memory_space<hbm>> -> memref<128xi32, #tpu.memory_space<hbm>>
      %dma_wait3A_109 = arith.constant 0 : i32
      %dma_wait3A_110 = tpu.memref_slice %arg3[%dma_wait3A_109] : memref<327680xi32, #tpu.memory_space<hbm>> -> memref<128xi32, #tpu.memory_space<hbm>>
      tpu.wait_dma2 semaphore(%arg14 : memref<!tpu.dma_semaphore, #tpu.memory_space<semaphore_mem>>) src(%dma_wait3A_110 : memref<128xi32, #tpu.memory_space<hbm>>) dst(%arg7 : memref<128xi32, #tpu.memory_space<vmem>>)
      %dma_wait3A_111 = arith.constant 0 : i32
      %dma_wait3A_112 = tpu.memref_slice %arg4[%dma_wait3A_111] : memref<327680xi32, #tpu.memory_space<hbm>> -> memref<128xi32, #tpu.memory_space<hbm>>
      %dma_wait3A_113 = arith.constant 0 : i32
      %dma_wait3A_114 = tpu.memref_slice %arg4[%dma_wait3A_113] : memref<327680xi32, #tpu.memory_space<hbm>> -> memref<128xi32, #tpu.memory_space<hbm>>
      tpu.wait_dma2 semaphore(%arg14 : memref<!tpu.dma_semaphore, #tpu.memory_space<semaphore_mem>>) src(%dma_wait3A_114 : memref<128xi32, #tpu.memory_space<hbm>>) dst(%arg9 : memref<128xi32, #tpu.memory_space<vmem>>)
      %dma_start3A_115 = arith.constant 0 : i32
      %dma_start3A_116 = arith.constant 0 : i32
      %dma_start3A_117 = tpu.memref_slice %arg2[%dma_start3A_115, %dma_start3A_116] : memref<10000x128xf32, #tpu.memory_space<hbm>> -> memref<10000x128xf32, #tpu.memory_space<hbm>>
      tpu.enqueue_indirect_dma source(%dma_start3A_117 : memref<10000x128xf32, #tpu.memory_space<hbm>>) target(%arg11 : memref<128x128xf32, #tpu.memory_space<vmem>>) offsets(%arg7 : memref<128xi32, #tpu.memory_space<vmem>>) semaphore(%arg16 : memref<!tpu.dma_semaphore, #tpu.memory_space<semaphore_mem>>)
      %dma_wait3A_118 = arith.constant 0 : i32
      %dma_wait3A_119 = arith.constant 0 : i32
      %dma_wait3A_120 = tpu.memref_slice %arg13[%dma_wait3A_118, %dma_wait3A_119] : memref<10240x128xf32, #tpu.memory_space<vmem_shared>> -> memref<10240x128xf32, #tpu.memory_space<vmem_shared>>
      tpu.wait_indirect_dma semaphore(%arg19 : memref<!tpu.dma_semaphore, #tpu.memory_space<semaphore_mem>>) src(%arg12 : memref<128x128xf32, #tpu.memory_space<vmem>>) dst(%dma_wait3A_120 : memref<10240x128xf32, #tpu.memory_space<vmem_shared>>)
      %add3A_121 = arith.constant 2 : i32
      %add3A_122 = arith.addi %mul3A_79, %add3A_121 : i32
      %add3A_123 = arith.constant 1 : i32
      %add3A_124 = arith.addi %add3A_122, %add3A_123 : i32
      %mul3A_125 = arith.constant 128 : i32
      %mul3A_126 = arith.muli %add3A_124, %mul3A_125 : i32
      %add3A_127 = arith.addi %select_n3A, %mul3A_126 : i32
      %multiple_of3A_128 = tpu.assume_multiple %add3A_127, 128 : i32
      %dma_start3A_129 = tpu.memref_slice %arg3[%multiple_of3A_128] : memref<327680xi32, #tpu.memory_space<hbm>> -> memref<128xi32, #tpu.memory_space<hbm>>
      %dma_start3A_130 = tpu.memref_slice %arg3[%multiple_of3A_128] : memref<327680xi32, #tpu.memory_space<hbm>> -> memref<128xi32, #tpu.memory_space<hbm>>
      tpu.enqueue_dma source(%dma_start3A_130 : memref<128xi32, #tpu.memory_space<hbm>>) target(%arg8 : memref<128xi32, #tpu.memory_space<vmem>>) target_semaphore(%arg15 : memref<!tpu.dma_semaphore, #tpu.memory_space<semaphore_mem>>)
      %dma_start3A_131 = tpu.memref_slice %arg4[%multiple_of3A_128] : memref<327680xi32, #tpu.memory_space<hbm>> -> memref<128xi32, #tpu.memory_space<hbm>>
      %dma_start3A_132 = tpu.memref_slice %arg4[%multiple_of3A_128] : memref<327680xi32, #tpu.memory_space<hbm>> -> memref<128xi32, #tpu.memory_space<hbm>>
      tpu.enqueue_dma source(%dma_start3A_132 : memref<128xi32, #tpu.memory_space<hbm>>) target(%arg10 : memref<128xi32, #tpu.memory_space<vmem>>) target_semaphore(%arg15 : memref<!tpu.dma_semaphore, #tpu.memory_space<semaphore_mem>>)
      %dma_wait3A_133 = arith.constant 0 : i32
      %dma_wait3A_134 = tpu.memref_slice %arg3[%dma_wait3A_133] : memref<327680xi32, #tpu.memory_space<hbm>> -> memref<128xi32, #tpu.memory_space<hbm>>
      %dma_wait3A_135 = arith.constant 0 : i32
      %dma_wait3A_136 = tpu.memref_slice %arg3[%dma_wait3A_135] : memref<327680xi32, #tpu.memory_space<hbm>> -> memref<128xi32, #tpu.memory_space<hbm>>
      tpu.wait_dma2 semaphore(%arg15 : memref<!tpu.dma_semaphore, #tpu.memory_space<semaphore_mem>>) src(%dma_wait3A_136 : memref<128xi32, #tpu.memory_space<hbm>>) dst(%arg8 : memref<128xi32, #tpu.memory_space<vmem>>)
      %dma_wait3A_137 = arith.constant 0 : i32
      %dma_wait3A_138 = tpu.memref_slice %arg4[%dma_wait3A_137] : memref<327680xi32, #tpu.memory_space<hbm>> -> memref<128xi32, #tpu.memory_space<hbm>>
      %dma_wait3A_139 = arith.constant 0 : i32
      %dma_wait3A_140 = tpu.memref_slice %arg4[%dma_wait3A_139] : memref<327680xi32, #tpu.memory_space<hbm>> -> memref<128xi32, #tpu.memory_space<hbm>>
      tpu.wait_dma2 semaphore(%arg15 : memref<!tpu.dma_semaphore, #tpu.memory_space<semaphore_mem>>) src(%dma_wait3A_140 : memref<128xi32, #tpu.memory_space<hbm>>) dst(%arg10 : memref<128xi32, #tpu.memory_space<vmem>>)
      %dma_start3A_141 = arith.constant 0 : i32
      %dma_start3A_142 = arith.constant 0 : i32
      %dma_start3A_143 = tpu.memref_slice %arg2[%dma_start3A_141, %dma_start3A_142] : memref<10000x128xf32, #tpu.memory_space<hbm>> -> memref<10000x128xf32, #tpu.memory_space<hbm>>
      tpu.enqueue_indirect_dma source(%dma_start3A_143 : memref<10000x128xf32, #tpu.memory_space<hbm>>) target(%arg12 : memref<128x128xf32, #tpu.memory_space<vmem>>) offsets(%arg8 : memref<128xi32, #tpu.memory_space<vmem>>) semaphore(%arg17 : memref<!tpu.dma_semaphore, #tpu.memory_space<semaphore_mem>>)
    }
    %while3A_57 = arith.constant 1 : i32
    scf.for %while3A_77 = %while3A_55 to %while3A_51 step %while3A_57  : i32 {
      %mul3A_78 = arith.constant 2 : i32
      %mul3A_79 = arith.muli %while3A_77, %mul3A_78 : i32
      %dma_wait3A_80 = arith.constant 0 : i32
      %dma_wait3A_81 = arith.constant 0 : i32
      %dma_wait3A_82 = tpu.memref_slice %arg2[%dma_wait3A_80, %dma_wait3A_81] : memref<10000x128xf32, #tpu.memory_space<hbm>> -> memref<10000x128xf32, #tpu.memory_space<hbm>>
      tpu.wait_indirect_dma semaphore(%arg16 : memref<!tpu.dma_semaphore, #tpu.memory_space<semaphore_mem>>) src(%dma_wait3A_82 : memref<10000x128xf32, #tpu.memory_space<hbm>>) dst(%arg11 : memref<128x128xf32, #tpu.memory_space<vmem>>)
      %dma_start3A_83 = arith.constant 0 : i32
      %dma_start3A_84 = arith.constant 0 : i32
      %dma_start3A_85 = tpu.memref_slice %arg13[%dma_start3A_83, %dma_start3A_84] : memref<10240x128xf32, #tpu.memory_space<vmem_shared>> -> memref<10240x128xf32, #tpu.memory_space<vmem_shared>>
      tpu.enqueue_indirect_dma source(%arg11 : memref<128x128xf32, #tpu.memory_space<vmem>>) target(%dma_start3A_85 : memref<10240x128xf32, #tpu.memory_space<vmem_shared>>) offsets(%arg9 : memref<128xi32, #tpu.memory_space<vmem>>) semaphore(%arg18 : memref<!tpu.dma_semaphore, #tpu.memory_space<semaphore_mem>>) {add = true}
      %dma_wait3A_86 = arith.constant 0 : i32
      %dma_wait3A_87 = arith.constant 0 : i32
      %dma_wait3A_88 = tpu.memref_slice %arg2[%dma_wait3A_86, %dma_wait3A_87] : memref<10000x128xf32, #tpu.memory_space<hbm>> -> memref<10000x128xf32, #tpu.memory_space<hbm>>
      tpu.wait_indirect_dma semaphore(%arg17 : memref<!tpu.dma_semaphore, #tpu.memory_space<semaphore_mem>>) src(%dma_wait3A_88 : memref<10000x128xf32, #tpu.memory_space<hbm>>) dst(%arg12 : memref<128x128xf32, #tpu.memory_space<vmem>>)
      %dma_start3A_89 = arith.constant 0 : i32
      %dma_start3A_90 = arith.constant 0 : i32
      %dma_start3A_91 = tpu.memref_slice %arg13[%dma_start3A_89, %dma_start3A_90] : memref<10240x128xf32, #tpu.memory_space<vmem_shared>> -> memref<10240x128xf32, #tpu.memory_space<vmem_shared>>
      tpu.enqueue_indirect_dma source(%arg12 : memref<128x128xf32, #tpu.memory_space<vmem>>) target(%dma_start3A_91 : memref<10240x128xf32, #tpu.memory_space<vmem_shared>>) offsets(%arg10 : memref<128xi32, #tpu.memory_space<vmem>>) semaphore(%arg19 : memref<!tpu.dma_semaphore, #tpu.memory_space<semaphore_mem>>) {add = true}
      %dma_wait3A_92 = arith.constant 0 : i32
      %dma_wait3A_93 = arith.constant 0 : i32
      %dma_wait3A_94 = tpu.memref_slice %arg13[%dma_wait3A_92, %dma_wait3A_93] : memref<10240x128xf32, #tpu.memory_space<vmem_shared>> -> memref<10240x128xf32, #tpu.memory_space<vmem_shared>>
      tpu.wait_indirect_dma semaphore(%arg18 : memref<!tpu.dma_semaphore, #tpu.memory_space<semaphore_mem>>) src(%arg11 : memref<128x128xf32, #tpu.memory_space<vmem>>) dst(%dma_wait3A_94 : memref<10240x128xf32, #tpu.memory_space<vmem_shared>>)
      %add3A_95 = arith.constant 2 : i32
      %add3A_96 = arith.addi %mul3A_79, %add3A_95 : i32
      %add3A_97 = arith.constant 0 : i32
      %add3A_98 = arith.addi %add3A_96, %add3A_97 : i32
      %mul3A_99 = arith.constant 128 : i32
      %mul3A_100 = arith.muli %add3A_98, %mul3A_99 : i32
      %add3A_101 = arith.addi %select_n3A, %mul3A_100 : i32
      %multiple_of3A_102 = tpu.assume_multiple %add3A_101, 128 : i32
      %dma_start3A_103 = tpu.memref_slice %arg3[%multiple_of3A_102] : memref<327680xi32, #tpu.memory_space<hbm>> -> memref<128xi32, #tpu.memory_space<hbm>>
      %dma_start3A_104 = tpu.memref_slice %arg3[%multiple_of3A_102] : memref<327680xi32, #tpu.memory_space<hbm>> -> memref<128xi32, #tpu.memory_space<hbm>>
      tpu.enqueue_dma source(%dma_start3A_104 : memref<128xi32, #tpu.memory_space<hbm>>) target(%arg7 : memref<128xi32, #tpu.memory_space<vmem>>) target_semaphore(%arg14 : memref<!tpu.dma_semaphore, #tpu.memory_space<semaphore_mem>>)
      %dma_start3A_105 = tpu.memref_slice %arg4[%multiple_of3A_102] : memref<327680xi32, #tpu.memory_space<hbm>> -> memref<128xi32, #tpu.memory_space<hbm>>
      %dma_start3A_106 = tpu.memref_slice %arg4[%multiple_of3A_102] : memref<327680xi32, #tpu.memory_space<hbm>> -> memref<128xi32, #tpu.memory_space<hbm>>
      tpu.enqueue_dma source(%dma_start3A_106 : memref<128xi32, #tpu.memory_space<hbm>>) target(%arg9 : memref<128xi32, #tpu.memory_space<vmem>>) target_semaphore(%arg14 : memref<!tpu.dma_semaphore, #tpu.memory_space<semaphore_mem>>)
      %dma_wait3A_107 = arith.constant 0 : i32
      %dma_wait3A_108 = tpu.memref_slice %arg3[%dma_wait3A_107] : memref<327680xi32, #tpu.memory_space<hbm>> -> memref<128xi32, #tpu.memory_space<hbm>>
      %dma_wait3A_109 = arith.constant 0 : i32
      %dma_wait3A_110 = tpu.memref_slice %arg3[%dma_wait3A_109] : memref<327680xi32, #tpu.memory_space<hbm>> -> memref<128xi32, #tpu.memory_space<hbm>>
      tpu.wait_dma2 semaphore(%arg14 : memref<!tpu.dma_semaphore, #tpu.memory_space<semaphore_mem>>) src(%dma_wait3A_110 : memref<128xi32, #tpu.memory_space<hbm>>) dst(%arg7 : memref<128xi32, #tpu.memory_space<vmem>>)
      %dma_wait3A_111 = arith.constant 0 : i32
      %dma_wait3A_112 = tpu.memref_slice %arg4[%dma_wait3A_111] : memref<327680xi32, #tpu.memory_space<hbm>> -> memref<128xi32, #tpu.memory_space<hbm>>
      %dma_wait3A_113 = arith.constant 0 : i32
      %dma_wait3A_114 = tpu.memref_slice %arg4[%dma_wait3A_113] : memref<327680xi32, #tpu.memory_space<hbm>> -> memref<128xi32, #tpu.memory_space<hbm>>
      tpu.wait_dma2 semaphore(%arg14 : memref<!tpu.dma_semaphore, #tpu.memory_space<semaphore_mem>>) src(%dma_wait3A_114 : memref<128xi32, #tpu.memory_space<hbm>>) dst(%arg9 : memref<128xi32, #tpu.memory_space<vmem>>)
      %dma_start3A_115 = arith.constant 0 : i32
      %dma_start3A_116 = arith.constant 0 : i32
      %dma_start3A_117 = tpu.memref_slice %arg2[%dma_start3A_115, %dma_start3A_116] : memref<10000x128xf32, #tpu.memory_space<hbm>> -> memref<10000x128xf32, #tpu.memory_space<hbm>>
      tpu.enqueue_indirect_dma source(%dma_start3A_117 : memref<10000x128xf32, #tpu.memory_space<hbm>>) target(%arg11 : memref<128x128xf32, #tpu.memory_space<vmem>>) offsets(%arg7 : memref<128xi32, #tpu.memory_space<vmem>>) semaphore(%arg16 : memref<!tpu.dma_semaphore, #tpu.memory_space<semaphore_mem>>)
      %dma_wait3A_118 = arith.constant 0 : i32
      %dma_wait3A_119 = arith.constant 0 : i32
      %dma_wait3A_120 = tpu.memref_slice %arg13[%dma_wait3A_118, %dma_wait3A_119] : memref<10240x128xf32, #tpu.memory_space<vmem_shared>> -> memref<10240x128xf32, #tpu.memory_space<vmem_shared>>
      tpu.wait_indirect_dma semaphore(%arg19 : memref<!tpu.dma_semaphore, #tpu.memory_space<semaphore_mem>>) src(%arg12 : memref<128x128xf32, #tpu.memory_space<vmem>>) dst(%dma_wait3A_120 : memref<10240x128xf32, #tpu.memory_space<vmem_shared>>)
      %add3A_121 = arith.constant 2 : i32
      %add3A_122 = arith.addi %mul3A_79, %add3A_121 : i32
      %add3A_123 = arith.constant 1 : i32
      %add3A_124 = arith.addi %add3A_122, %add3A_123 : i32
      %mul3A_125 = arith.constant 128 : i32
      %mul3A_126 = arith.muli %add3A_124, %mul3A_125 : i32
      %add3A_127 = arith.addi %select_n3A, %mul3A_126 : i32
      %multiple_of3A_128 = tpu.assume_multiple %add3A_127, 128 : i32
      %dma_start3A_129 = tpu.memref_slice %arg3[%multiple_of3A_128] : memref<327680xi32, #tpu.memory_space<hbm>> -> memref<128xi32, #tpu.memory_space<hbm>>
      %dma_start3A_130 = tpu.memref_slice %arg3[%multiple_of3A_128] : memref<327680xi32, #tpu.memory_space<hbm>> -> memref<128xi32, #tpu.memory_space<hbm>>
      tpu.enqueue_dma source(%dma_start3A_130 : memref<128xi32, #tpu.memory_space<hbm>>) target(%arg8 : memref<128xi32, #tpu.memory_space<vmem>>) target_semaphore(%arg15 : memref<!tpu.dma_semaphore, #tpu.memory_space<semaphore_mem>>)
      %dma_start3A_131 = tpu.memref_slice %arg4[%multiple_of3A_128] : memref<327680xi32, #tpu.memory_space<hbm>> -> memref<128xi32, #tpu.memory_space<hbm>>
      %dma_start3A_132 = tpu.memref_slice %arg4[%multiple_of3A_128] : memref<327680xi32, #tpu.memory_space<hbm>> -> memref<128xi32, #tpu.memory_space<hbm>>
      tpu.enqueue_dma source(%dma_start3A_132 : memref<128xi32, #tpu.memory_space<hbm>>) target(%arg10 : memref<128xi32, #tpu.memory_space<vmem>>) target_semaphore(%arg15 : memref<!tpu.dma_semaphore, #tpu.memory_space<semaphore_mem>>)
      %dma_wait3A_133 = arith.constant 0 : i32
      %dma_wait3A_134 = tpu.memref_slice %arg3[%dma_wait3A_133] : memref<327680xi32, #tpu.memory_space<hbm>> -> memref<128xi32, #tpu.memory_space<hbm>>
      %dma_wait3A_135 = arith.constant 0 : i32
      %dma_wait3A_136 = tpu.memref_slice %arg3[%dma_wait3A_135] : memref<327680xi32, #tpu.memory_space<hbm>> -> memref<128xi32, #tpu.memory_space<hbm>>
      tpu.wait_dma2 semaphore(%arg15 : memref<!tpu.dma_semaphore, #tpu.memory_space<semaphore_mem>>) src(%dma_wait3A_136 : memref<128xi32, #tpu.memory_space<hbm>>) dst(%arg8 : memref<128xi32, #tpu.memory_space<vmem>>)
      %dma_wait3A_137 = arith.constant 0 : i32
      %dma_wait3A_138 = tpu.memref_slice %arg4[%dma_wait3A_137] : memref<327680xi32, #tpu.memory_space<hbm>> -> memref<128xi32, #tpu.memory_space<hbm>>
      %dma_wait3A_139 = arith.constant 0 : i32
      %dma_wait3A_140 = tpu.memref_slice %arg4[%dma_wait3A_139] : memref<327680xi32, #tpu.memory_space<hbm>> -> memref<128xi32, #tpu.memory_space<hbm>>
      tpu.wait_dma2 semaphore(%arg15 : memref<!tpu.dma_semaphore, #tpu.memory_space<semaphore_mem>>) src(%dma_wait3A_140 : memref<128xi32, #tpu.memory_space<hbm>>) dst(%arg10 : memref<128xi32, #tpu.memory_space<vmem>>)
      %dma_start3A_141 = arith.constant 0 : i32
      %dma_start3A_142 = arith.constant 0 : i32
      %dma_start3A_143 = tpu.memref_slice %arg2[%dma_start3A_141, %dma_start3A_142] : memref<10000x128xf32, #tpu.memory_space<hbm>> -> memref<10000x128xf32, #tpu.memory_space<hbm>>
      tpu.enqueue_indirect_dma source(%dma_start3A_143 : memref<10000x128xf32, #tpu.memory_space<hbm>>) target(%arg12 : memref<128x128xf32, #tpu.memory_space<vmem>>) offsets(%arg8 : memref<128xi32, #tpu.memory_space<vmem>>) semaphore(%arg17 : memref<!tpu.dma_semaphore, #tpu.memory_space<semaphore_mem>>)
    }
    %dma_wait3A_58 = arith.constant 0 : i32
    %dma_wait3A_59 = arith.constant 0 : i32
    %dma_wait3A_60 = tpu.memref_slice %arg2[%dma_wait3A_58, %dma_wait3A_59] : memref<10000x128xf32, #tpu.memory_space<hbm>> -> memref<10000x128xf32, #tpu.memory_space<hbm>>
    tpu.wait_indirect_dma semaphore(%arg16 : memref<!tpu.dma_semaphore, #tpu.memory_space<semaphore_mem>>) src(%dma_wait3A_60 : memref<10000x128xf32, #tpu.memory_space<hbm>>) dst(%arg11 : memref<128x128xf32, #tpu.memory_space<vmem>>)
    %dma_start3A_61 = arith.constant 0 : i32
    %dma_start3A_62 = arith.constant 0 : i32
    %dma_start3A_63 = tpu.memref_slice %arg13[%dma_start3A_61, %dma_start3A_62] : memref<10240x128xf32, #tpu.memory_space<vmem_shared>> -> memref<10240x128xf32, #tpu.memory_space<vmem_shared>>
    tpu.enqueue_indirect_dma source(%arg11 : memref<128x128xf32, #tpu.memory_space<vmem>>) target(%dma_start3A_63 : memref<10240x128xf32, #tpu.memory_space<vmem_shared>>) offsets(%arg9 : memref<128xi32, #tpu.memory_space<vmem>>) semaphore(%arg18 : memref<!tpu.dma_semaphore, #tpu.memory_space<semaphore_mem>>) {add = true}
    %dma_wait3A_64 = arith.constant 0 : i32
    %dma_wait3A_65 = arith.constant 0 : i32
    %dma_wait3A_66 = tpu.memref_slice %arg2[%dma_wait3A_64, %dma_wait3A_65] : memref<10000x128xf32, #tpu.memory_space<hbm>> -> memref<10000x128xf32, #tpu.memory_space<hbm>>
    tpu.wait_indirect_dma semaphore(%arg17 : memref<!tpu.dma_semaphore, #tpu.memory_space<semaphore_mem>>) src(%dma_wait3A_66 : memref<10000x128xf32, #tpu.memory_space<hbm>>) dst(%arg12 : memref<128x128xf32, #tpu.memory_space<vmem>>)
    %dma_start3A_67 = arith.constant 0 : i32
    %dma_start3A_68 = arith.constant 0 : i32
    %dma_start3A_69 = tpu.memref_slice %arg13[%dma_start3A_67, %dma_start3A_68] : memref<10240x128xf32, #tpu.memory_space<vmem_shared>> -> memref<10240x128xf32, #tpu.memory_space<vmem_shared>>
    tpu.enqueue_indirect_dma source(%arg12 : memref<128x128xf32, #tpu.memory_space<vmem>>) target(%dma_start3A_69 : memref<10240x128xf32, #tpu.memory_space<vmem_shared>>) offsets(%arg10 : memref<128xi32, #tpu.memory_space<vmem>>) semaphore(%arg19 : memref<!tpu.dma_semaphore, #tpu.memory_space<semaphore_mem>>) {add = true}
    %dma_wait3A_70 = arith.constant 0 : i32
    %dma_wait3A_71 = arith.constant 0 : i32
    %dma_wait3A_72 = tpu.memref_slice %arg13[%dma_wait3A_70, %dma_wait3A_71] : memref<10240x128xf32, #tpu.memory_space<vmem_shared>> -> memref<10240x128xf32, #tpu.memory_space<vmem_shared>>
    tpu.wait_indirect_dma semaphore(%arg18 : memref<!tpu.dma_semaphore, #tpu.memory_space<semaphore_mem>>) src(%arg11 : memref<128x128xf32, #tpu.memory_space<vmem>>) dst(%dma_wait3A_72 : memref<10240x128xf32, #tpu.memory_space<vmem_shared>>)
    %dma_wait3A_73 = arith.constant 0 : i32
    %dma_wait3A_74 = arith.constant 0 : i32
    %dma_wait3A_75 = tpu.memref_slice %arg13[%dma_wait3A_73, %dma_wait3A_74] : memref<10240x128xf32, #tpu.memory_space<vmem_shared>> -> memref<10240x128xf32, #tpu.memory_space<vmem_shared>>
    tpu.wait_indirect_dma semaphore(%arg19 : memref<!tpu.dma_semaphore, #tpu.memory_space<semaphore_mem>>) src(%arg12 : memref<128x128xf32, #tpu.memory_space<vmem>>) dst(%dma_wait3A_75 : memref<10240x128xf32, #tpu.memory_space<vmem_shared>>)
    %barrier3A_76 = arith.constant 0 : index
    tpu.barrier barrier_id(%barrier3A_76)
    "tpu.region"() ({
      %run_scoped3A = tpu.sem_alloc : memref<!tpu.dma_semaphore, #tpu.memory_space<semaphore_mem>>
      %dma_start3A_77 = arith.constant 0 : i32
      %dma_start3A_78 = arith.constant 0 : i32
      %dma_start3A_79 = tpu.memref_slice %arg6[%add3A, %dma_start3A_77, %dma_start3A_78] : memref<32x640x128xf32, #tpu.memory_space<hbm>> -> memref<1x640x128xf32, #tpu.memory_space<hbm>>
      %dma_start3A_80 = tpu.memref_squeeze %dma_start3A_79 : memref<1x640x128xf32, #tpu.memory_space<hbm>> -> memref<640x128xf32, #tpu.memory_space<hbm>>
      %dma_start3A_81 = arith.constant 0 : i32
      %dma_start3A_82 = tpu.memref_slice %arg13[%multiple_of3A, %dma_start3A_81] : memref<10240x128xf32, #tpu.memory_space<vmem_shared>> -> memref<640x128xf32, #tpu.memory_space<vmem_shared>>
      tpu.enqueue_dma source(%dma_start3A_82 : memref<640x128xf32, #tpu.memory_space<vmem_shared>>) target(%dma_start3A_80 : memref<640x128xf32, #tpu.memory_space<hbm>>) target_semaphore(%run_scoped3A : memref<!tpu.dma_semaphore, #tpu.memory_space<semaphore_mem>>)
      %dma_wait3A_83 = arith.constant 0 : i32
      %dma_wait3A_84 = arith.constant 0 : i32
      %dma_wait3A_85 = tpu.memref_slice %arg6[%add3A, %dma_wait3A_83, %dma_wait3A_84] : memref<32x640x128xf32, #tpu.memory_space<hbm>> -> memref<1x640x128xf32, #tpu.memory_space<hbm>>
      %dma_wait3A_86 = tpu.memref_squeeze %dma_wait3A_85 : memref<1x640x128xf32, #tpu.memory_space<hbm>> -> memref<640x128xf32, #tpu.memory_space<hbm>>
      %dma_wait3A_87 = arith.constant 0 : i32
      %dma_wait3A_88 = tpu.memref_slice %arg13[%multiple_of3A, %dma_wait3A_87] : memref<10240x128xf32, #tpu.memory_space<vmem_shared>> -> memref<640x128xf32, #tpu.memory_space<vmem_shared>>
      tpu.wait_dma2 semaphore(%run_scoped3A : memref<!tpu.dma_semaphore, #tpu.memory_space<semaphore_mem>>) src(%dma_wait3A_88 : memref<640x128xf32, #tpu.memory_space<vmem_shared>>) dst(%dma_wait3A_86 : memref<640x128xf32, #tpu.memory_space<hbm>>)
      tpu.yield
    }) : () -> ()
    return
  }
}

module attributes {stable_mosaic.version = 14 : i64} {
  func.func @_mm_body(%arg0: i32, %arg1: memref<1024x128xf32, #tpu.memory_space<vmem>>, %arg2: memref<128x128xf32, #tpu.memory_space<vmem>>, %arg3: memref<128x128xf32, #tpu.memory_space<vmem>>, %arg4: memref<1x128xf32, #tpu.memory_space<vmem>>, %arg5: memref<1024x128xf32, #tpu.memory_space<vmem>>, %arg6: memref<1024x128xf32, #tpu.memory_space<vmem>>) attributes {dimension_semantics = [#tpu.dimension_semantics<arbitrary>], iteration_bounds = array<i64: 10>, scalar_prefetch = 0 : i64, scratch_operands = 0 : i64, tpu.core_type = #tpu.core_type<tc>, window_params = [{transform_indices = @transform_0, window_bounds = array<i64: 1024, 128>}, {pipeline_mode = #tpu.pipeline_mode<synchronous>, transform_indices = @transform_1, window_bounds = array<i64: 128, 128>}, {pipeline_mode = #tpu.pipeline_mode<synchronous>, transform_indices = @transform_2, window_bounds = array<i64: 128, 128>}, {pipeline_mode = #tpu.pipeline_mode<synchronous>, transform_indices = @transform_3, window_bounds = array<i64: 1, 128>}, {transform_indices = @transform_4, window_bounds = array<i64: 1024, 128>}, {transform_indices = @transform_5, window_bounds = array<i64: 1024, 128>}]} {
    %get3A = arith.constant 0 : index
    %get3A_0 = arith.constant 0 : index
    %get3A_1 = vector.load %arg1[%get3A, %get3A_0] : memref<1024x128xf32, #tpu.memory_space<vmem>>, vector<1024x128xf32>
    %get3A_2 = arith.constant 0 : index
    %get3A_3 = arith.constant 0 : index
    %get3A_4 = vector.load %arg2[%get3A_2, %get3A_3] : memref<128x128xf32, #tpu.memory_space<vmem>>, vector<128x128xf32>
    %dot_general3A = arith.constant dense<0.000000e+00> : vector<1024x128xf32>
    %dot_general3A_5 = tpu.matmul %get3A_1, %get3A_4, %dot_general3A {dimension_numbers = #tpu.dot_dimension_numbers<[1], [0], [0], [1], [0, 0, 1, 1], [], []>, transpose_lhs_hint = false} : vector<1024x128xf32>, vector<128x128xf32>, vector<1024x128xf32> -> vector<1024x128xf32>
    %swap3A = arith.constant 0 : index
    %swap3A_6 = arith.constant 0 : index
    %swap3A_7 = vector.load %arg5[%swap3A, %swap3A_6] : memref<1024x128xf32, #tpu.memory_space<vmem>>, vector<1024x128xf32>
    tpu.vector_store %arg5[%swap3A, %swap3A_6], %dot_general3A_5 {strides = array<i32>} : memref<1024x128xf32, #tpu.memory_space<vmem>>, vector<1024x128xf32>,
    %get3A_8 = arith.constant 0 : index
    %get3A_9 = arith.constant 0 : index
    %get3A_10 = vector.load %arg3[%get3A_8, %get3A_9] : memref<128x128xf32, #tpu.memory_space<vmem>>, vector<128x128xf32>
    %dot_general3A_11 = arith.constant dense<0.000000e+00> : vector<1024x128xf32>
    %dot_general3A_12 = tpu.matmul %get3A_1, %get3A_10, %dot_general3A_11 {dimension_numbers = #tpu.dot_dimension_numbers<[1], [0], [0], [1], [0, 0, 1, 1], [], []>, transpose_lhs_hint = false} : vector<1024x128xf32>, vector<128x128xf32>, vector<1024x128xf32> -> vector<1024x128xf32>
    %get3A_13 = arith.constant 0 : index
    %get3A_14 = arith.constant 0 : index
    %get3A_15 = vector.load %arg4[%get3A_13, %get3A_14] : memref<1x128xf32, #tpu.memory_space<vmem>>, vector<1x128xf32>
    %add3A = vector.broadcast %get3A_15 : vector<1x128xf32> to vector<1024x128xf32>
    %add3A_16 = arith.addf %dot_general3A_12, %add3A : vector<1024x128xf32>
    %swap3A_17 = arith.constant 0 : index
    %swap3A_18 = arith.constant 0 : index
    %swap3A_19 = vector.load %arg6[%swap3A_17, %swap3A_18] : memref<1024x128xf32, #tpu.memory_space<vmem>>, vector<1024x128xf32>
    tpu.vector_store %arg6[%swap3A_17, %swap3A_18], %add3A_16 {strides = array<i32>} : memref<1024x128xf32, #tpu.memory_space<vmem>>, vector<1024x128xf32>,
    return
  }
  func.func @transform_0(%arg0: i32) -> (i32, i32) {
    %c0_i32 = arith.constant 0 : i32
    %c0_i32_0 = arith.constant 0 : i32
    return %arg0, %c0_i32 : i32, i32
  }
  func.func @transform_1(%arg0: i32) -> (i32, i32) {
    %c0_i32 = arith.constant 0 : i32
    %c0_i32_0 = arith.constant 0 : i32
    %c0_i32_1 = arith.constant 0 : i32
    return %c0_i32, %c0_i32_0 : i32, i32
  }
  func.func @transform_2(%arg0: i32) -> (i32, i32) {
    %c0_i32 = arith.constant 0 : i32
    %c0_i32_0 = arith.constant 0 : i32
    %c0_i32_1 = arith.constant 0 : i32
    return %c0_i32, %c0_i32_0 : i32, i32
  }
  func.func @transform_3(%arg0: i32) -> (i32, i32) {
    %c0_i32 = arith.constant 0 : i32
    %c0_i32_0 = arith.constant 0 : i32
    %c0_i32_1 = arith.constant 0 : i32
    return %c0_i32, %c0_i32_0 : i32, i32
  }
  func.func @transform_4(%arg0: i32) -> (i32, i32) {
    %c0_i32 = arith.constant 0 : i32
    %c0_i32_0 = arith.constant 0 : i32
    return %arg0, %c0_i32 : i32, i32
  }
  func.func @transform_5(%arg0: i32) -> (i32, i32) {
    %c0_i32 = arith.constant 0 : i32
    %c0_i32_0 = arith.constant 0 : i32
    return %arg0, %c0_i32 : i32, i32
  }
}

module attributes {stable_mosaic.version = 14 : i64} {
  func.func @_combine_mm_body(%arg0: i32, %arg1: memref<1024x128xf32, #tpu.memory_space<vmem>>, %arg2: memref<1024x128xf32, #tpu.memory_space<vmem>>, %arg3: memref<1024x128xf32, #tpu.memory_space<vmem>>, %arg4: memref<1024x128xf32, #tpu.memory_space<vmem>>, %arg5: memref<1024x128xf32, #tpu.memory_space<vmem>>, %arg6: memref<128x128xf32, #tpu.memory_space<vmem>>, %arg7: memref<128x128xf32, #tpu.memory_space<vmem>>, %arg8: memref<1x128xf32, #tpu.memory_space<vmem>>, %arg9: memref<1024x128xf32, #tpu.memory_space<vmem>>, %arg10: memref<1024x128xf32, #tpu.memory_space<vmem>>) attributes {dimension_semantics = [#tpu.dimension_semantics<arbitrary>], iteration_bounds = array<i64: 10>, scalar_prefetch = 0 : i64, scratch_operands = 0 : i64, tpu.core_type = #tpu.core_type<tc>, window_params = [{transform_indices = @transform_0, window_bounds = array<i64: 1024, 128>}, {transform_indices = @transform_1, window_bounds = array<i64: 1024, 128>}, {transform_indices = @transform_2, window_bounds = array<i64: 1024, 128>}, {transform_indices = @transform_3, window_bounds = array<i64: 1024, 128>}, {transform_indices = @transform_4, window_bounds = array<i64: 1024, 128>}, {pipeline_mode = #tpu.pipeline_mode<synchronous>, transform_indices = @transform_5, window_bounds = array<i64: 128, 128>}, {pipeline_mode = #tpu.pipeline_mode<synchronous>, transform_indices = @transform_6, window_bounds = array<i64: 128, 128>}, {pipeline_mode = #tpu.pipeline_mode<synchronous>, transform_indices = @transform_7, window_bounds = array<i64: 1, 128>}, {transform_indices = @transform_8, window_bounds = array<i64: 1024, 128>}, {transform_indices = @transform_9, window_bounds = array<i64: 1024, 128>}]} {
    %get3A = arith.constant 0 : index
    %get3A_0 = arith.constant 0 : index
    %get3A_1 = vector.load %arg1[%get3A, %get3A_0] : memref<1024x128xf32, #tpu.memory_space<vmem>>, vector<1024x128xf32>
    %get3A_2 = arith.constant 0 : index
    %get3A_3 = arith.constant 0 : index
    %get3A_4 = vector.load %arg2[%get3A_2, %get3A_3] : memref<1024x128xf32, #tpu.memory_space<vmem>>, vector<1024x128xf32>
    %add3A = arith.addf %get3A_1, %get3A_4 : vector<1024x128xf32>
    %get3A_5 = arith.constant 0 : index
    %get3A_6 = arith.constant 0 : index
    %get3A_7 = vector.load %arg3[%get3A_5, %get3A_6] : memref<1024x128xf32, #tpu.memory_space<vmem>>, vector<1024x128xf32>
    %slice3A = vector.extract_strided_slice %get3A_7 {offsets = [0, 0], sizes = [1024, 1], strides = [1, 1]} : vector<1024x128xf32> to vector<1024x1xf32>
    %get3A_8 = arith.constant 0 : index
    %get3A_9 = arith.constant 0 : index
    %get3A_10 = vector.load %arg4[%get3A_8, %get3A_9] : memref<1024x128xf32, #tpu.memory_space<vmem>>, vector<1024x128xf32>
    %slice3A_11 = vector.extract_strided_slice %get3A_10 {offsets = [0, 0], sizes = [1024, 1], strides = [1, 1]} : vector<1024x128xf32> to vector<1024x1xf32>
    %add3A_12 = arith.addf %slice3A, %slice3A_11 : vector<1024x1xf32>
    %max3A = arith.constant 1.000000e+00 : f32
    %max3A_13 = vector.broadcast %max3A : f32 to vector<1024x1xf32>
    %max3A_14 = arith.maximumf %add3A_12, %max3A_13 : vector<1024x1xf32>
    %div3A = arith.constant 1.000000e+00 : f32
    %div3A_15 = vector.broadcast %div3A : f32 to vector<1024x1xf32>
    %div3A_16 = arith.divf %div3A_15, %max3A_14 : vector<1024x1xf32>
    %mul3A = vector.broadcast %div3A_16 : vector<1024x1xf32> to vector<1024x128xf32>
    %mul3A_17 = arith.mulf %add3A, %mul3A : vector<1024x128xf32>
    %get3A_18 = arith.constant 0 : index
    %get3A_19 = arith.constant 0 : index
    %get3A_20 = vector.load %arg5[%get3A_18, %get3A_19] : memref<1024x128xf32, #tpu.memory_space<vmem>>, vector<1024x128xf32>
    %add3A_21 = arith.addf %mul3A_17, %get3A_20 : vector<1024x128xf32>
    %max3A_22 = arith.constant 0.000000e+00 : f32
    %max3A_23 = vector.broadcast %max3A_22 : f32 to vector<1024x128xf32>
    %max3A_24 = arith.maximumf %add3A_21, %max3A_23 : vector<1024x128xf32>
    %get3A_25 = arith.constant 0 : index
    %get3A_26 = arith.constant 0 : index
    %get3A_27 = vector.load %arg6[%get3A_25, %get3A_26] : memref<128x128xf32, #tpu.memory_space<vmem>>, vector<128x128xf32>
    %dot_general3A = arith.constant dense<0.000000e+00> : vector<1024x128xf32>
    %dot_general3A_28 = tpu.matmul %max3A_24, %get3A_27, %dot_general3A {dimension_numbers = #tpu.dot_dimension_numbers<[1], [0], [0], [1], [0, 0, 1, 1], [], []>, transpose_lhs_hint = false} : vector<1024x128xf32>, vector<128x128xf32>, vector<1024x128xf32> -> vector<1024x128xf32>
    %swap3A = arith.constant 0 : index
    %swap3A_29 = arith.constant 0 : index
    %swap3A_30 = vector.load %arg9[%swap3A, %swap3A_29] : memref<1024x128xf32, #tpu.memory_space<vmem>>, vector<1024x128xf32>
    tpu.vector_store %arg9[%swap3A, %swap3A_29], %dot_general3A_28 {strides = array<i32>} : memref<1024x128xf32, #tpu.memory_space<vmem>>, vector<1024x128xf32>,
    %get3A_31 = arith.constant 0 : index
    %get3A_32 = arith.constant 0 : index
    %get3A_33 = vector.load %arg7[%get3A_31, %get3A_32] : memref<128x128xf32, #tpu.memory_space<vmem>>, vector<128x128xf32>
    %dot_general3A_34 = arith.constant dense<0.000000e+00> : vector<1024x128xf32>
    %dot_general3A_35 = tpu.matmul %max3A_24, %get3A_33, %dot_general3A_34 {dimension_numbers = #tpu.dot_dimension_numbers<[1], [0], [0], [1], [0, 0, 1, 1], [], []>, transpose_lhs_hint = false} : vector<1024x128xf32>, vector<128x128xf32>, vector<1024x128xf32> -> vector<1024x128xf32>
    %get3A_36 = arith.constant 0 : index
    %get3A_37 = arith.constant 0 : index
    %get3A_38 = vector.load %arg8[%get3A_36, %get3A_37] : memref<1x128xf32, #tpu.memory_space<vmem>>, vector<1x128xf32>
    %add3A_39 = vector.broadcast %get3A_38 : vector<1x128xf32> to vector<1024x128xf32>
    %add3A_40 = arith.addf %dot_general3A_35, %add3A_39 : vector<1024x128xf32>
    %swap3A_41 = arith.constant 0 : index
    %swap3A_42 = arith.constant 0 : index
    %swap3A_43 = vector.load %arg10[%swap3A_41, %swap3A_42] : memref<1024x128xf32, #tpu.memory_space<vmem>>, vector<1024x128xf32>
    tpu.vector_store %arg10[%swap3A_41, %swap3A_42], %add3A_40 {strides = array<i32>} : memref<1024x128xf32, #tpu.memory_space<vmem>>, vector<1024x128xf32>,
    return
  }
  func.func @transform_0(%arg0: i32) -> (i32, i32) {
    %c0_i32 = arith.constant 0 : i32
    %c0_i32_0 = arith.constant 0 : i32
    return %arg0, %c0_i32 : i32, i32
  }
  func.func @transform_1(%arg0: i32) -> (i32, i32) {
    %c0_i32 = arith.constant 0 : i32
    %c0_i32_0 = arith.constant 0 : i32
    return %arg0, %c0_i32 : i32, i32
  }
  func.func @transform_2(%arg0: i32) -> (i32, i32) {
    %c0_i32 = arith.constant 0 : i32
    %c0_i32_0 = arith.constant 0 : i32
    return %arg0, %c0_i32 : i32, i32
  }
  func.func @transform_3(%arg0: i32) -> (i32, i32) {
    %c0_i32 = arith.constant 0 : i32
    %c0_i32_0 = arith.constant 0 : i32
    return %arg0, %c0_i32 : i32, i32
  }
  func.func @transform_4(%arg0: i32) -> (i32, i32) {
    %c0_i32 = arith.constant 0 : i32
    %c0_i32_0 = arith.constant 0 : i32
    return %arg0, %c0_i32 : i32, i32
  }
  func.func @transform_5(%arg0: i32) -> (i32, i32) {
    %c0_i32 = arith.constant 0 : i32
    %c0_i32_0 = arith.constant 0 : i32
    %c0_i32_1 = arith.constant 0 : i32
    return %c0_i32, %c0_i32_0 : i32, i32
  }
  func.func @transform_6(%arg0: i32) -> (i32, i32) {
    %c0_i32 = arith.constant 0 : i32
    %c0_i32_0 = arith.constant 0 : i32
    %c0_i32_1 = arith.constant 0 : i32
    return %c0_i32, %c0_i32_0 : i32, i32
  }
  func.func @transform_7(%arg0: i32) -> (i32, i32) {
    %c0_i32 = arith.constant 0 : i32
    %c0_i32_0 = arith.constant 0 : i32
    %c0_i32_1 = arith.constant 0 : i32
    return %c0_i32, %c0_i32_0 : i32, i32
  }
  func.func @transform_8(%arg0: i32) -> (i32, i32) {
    %c0_i32 = arith.constant 0 : i32
    %c0_i32_0 = arith.constant 0 : i32
    return %arg0, %c0_i32 : i32, i32
  }
  func.func @transform_9(%arg0: i32) -> (i32, i32) {
    %c0_i32 = arith.constant 0 : i32
    %c0_i32_0 = arith.constant 0 : i32
    return %arg0, %c0_i32 : i32, i32
  }
}

module attributes {stable_mosaic.version = 14 : i64} {
  func.func @_final_body(%arg0: i32, %arg1: memref<1024x128xf32, #tpu.memory_space<vmem>>, %arg2: memref<1024x128xf32, #tpu.memory_space<vmem>>, %arg3: memref<1024x128xf32, #tpu.memory_space<vmem>>, %arg4: memref<1024x128xf32, #tpu.memory_space<vmem>>, %arg5: memref<1024x128xf32, #tpu.memory_space<vmem>>, %arg6: memref<1024x128xf32, #tpu.memory_space<vmem>>) attributes {dimension_semantics = [#tpu.dimension_semantics<arbitrary>], iteration_bounds = array<i64: 10>, scalar_prefetch = 0 : i64, scratch_operands = 0 : i64, tpu.core_type = #tpu.core_type<tc>, window_params = [{transform_indices = @transform_0, window_bounds = array<i64: 1024, 128>}, {transform_indices = @transform_1, window_bounds = array<i64: 1024, 128>}, {transform_indices = @transform_2, window_bounds = array<i64: 1024, 128>}, {transform_indices = @transform_3, window_bounds = array<i64: 1024, 128>}, {transform_indices = @transform_4, window_bounds = array<i64: 1024, 128>}, {transform_indices = @transform_5, window_bounds = array<i64: 1024, 128>}]} {
    %get3A = arith.constant 0 : index
    %get3A_0 = arith.constant 0 : index
    %get3A_1 = vector.load %arg1[%get3A, %get3A_0] : memref<1024x128xf32, #tpu.memory_space<vmem>>, vector<1024x128xf32>
    %get3A_2 = arith.constant 0 : index
    %get3A_3 = arith.constant 0 : index
    %get3A_4 = vector.load %arg2[%get3A_2, %get3A_3] : memref<1024x128xf32, #tpu.memory_space<vmem>>, vector<1024x128xf32>
    %add3A = arith.addf %get3A_1, %get3A_4 : vector<1024x128xf32>
    %get3A_5 = arith.constant 0 : index
    %get3A_6 = arith.constant 0 : index
    %get3A_7 = vector.load %arg3[%get3A_5, %get3A_6] : memref<1024x128xf32, #tpu.memory_space<vmem>>, vector<1024x128xf32>
    %slice3A = vector.extract_strided_slice %get3A_7 {offsets = [0, 0], sizes = [1024, 1], strides = [1, 1]} : vector<1024x128xf32> to vector<1024x1xf32>
    %get3A_8 = arith.constant 0 : index
    %get3A_9 = arith.constant 0 : index
    %get3A_10 = vector.load %arg4[%get3A_8, %get3A_9] : memref<1024x128xf32, #tpu.memory_space<vmem>>, vector<1024x128xf32>
    %slice3A_11 = vector.extract_strided_slice %get3A_10 {offsets = [0, 0], sizes = [1024, 1], strides = [1, 1]} : vector<1024x128xf32> to vector<1024x1xf32>
    %add3A_12 = arith.addf %slice3A, %slice3A_11 : vector<1024x1xf32>
    %max3A = arith.constant 1.000000e+00 : f32
    %max3A_13 = vector.broadcast %max3A : f32 to vector<1024x1xf32>
    %max3A_14 = arith.maximumf %add3A_12, %max3A_13 : vector<1024x1xf32>
    %div3A = arith.constant 1.000000e+00 : f32
    %div3A_15 = vector.broadcast %div3A : f32 to vector<1024x1xf32>
    %div3A_16 = arith.divf %div3A_15, %max3A_14 : vector<1024x1xf32>
    %mul3A = vector.broadcast %div3A_16 : vector<1024x1xf32> to vector<1024x128xf32>
    %mul3A_17 = arith.mulf %add3A, %mul3A : vector<1024x128xf32>
    %get3A_18 = arith.constant 0 : index
    %get3A_19 = arith.constant 0 : index
    %get3A_20 = vector.load %arg5[%get3A_18, %get3A_19] : memref<1024x128xf32, #tpu.memory_space<vmem>>, vector<1024x128xf32>
    %add3A_21 = arith.addf %mul3A_17, %get3A_20 : vector<1024x128xf32>
    %swap3A = arith.constant 0 : index
    %swap3A_22 = arith.constant 0 : index
    %swap3A_23 = vector.load %arg6[%swap3A, %swap3A_22] : memref<1024x128xf32, #tpu.memory_space<vmem>>, vector<1024x128xf32>
    tpu.vector_store %arg6[%swap3A, %swap3A_22], %add3A_21 {strides = array<i32>} : memref<1024x128xf32, #tpu.memory_space<vmem>>, vector<1024x128xf32>,
    return
  }
  func.func @transform_0(%arg0: i32) -> (i32, i32) {
    %c0_i32 = arith.constant 0 : i32
    %c0_i32_0 = arith.constant 0 : i32
    return %arg0, %c0_i32 : i32, i32
  }
  func.func @transform_1(%arg0: i32) -> (i32, i32) {
    %c0_i32 = arith.constant 0 : i32
    %c0_i32_0 = arith.constant 0 : i32
    return %arg0, %c0_i32 : i32, i32
  }
  func.func @transform_2(%arg0: i32) -> (i32, i32) {
    %c0_i32 = arith.constant 0 : i32
    %c0_i32_0 = arith.constant 0 : i32
    return %arg0, %c0_i32 : i32, i32
  }
  func.func @transform_3(%arg0: i32) -> (i32, i32) {
    %c0_i32 = arith.constant 0 : i32
    %c0_i32_0 = arith.constant 0 : i32
    return %arg0, %c0_i32 : i32, i32
  }
  func.func @transform_4(%arg0: i32) -> (i32, i32) {
    %c0_i32 = arith.constant 0 : i32
    %c0_i32_0 = arith.constant 0 : i32
    return %arg0, %c0_i32 : i32, i32
  }
  func.func @transform_5(%arg0: i32) -> (i32, i32) {
    %c0_i32 = arith.constant 0 : i32
    %c0_i32_0 = arith.constant 0 : i32
    return %arg0, %c0_i32 : i32, i32
  }
}

</mosaic_0001>

<sc_bundles>
// kernel: kernel.10.cloned.1.call-start
scs
__scs_entry_jumppad:
0x0: {  	(pc) =	sbr.rel $0x88, $3  }
0x1: {  	(tag) =	ssettag $0x0;
	lr =	simm.s32 $0x1  }
0x2: {  	[smem:$0x3F96] =	sst lr;
	_ =	strace $0xD0000000  }
0x3: {  	_ = 	snop  }
0x4: {  	_ = 	snop  }
0x5: {  	_ = 	snop  }
0x6: {  	_ = 	snop  }
0x7: {  	_ = 	snop  }
__scs_overlays_trampoline_lowered:
0x8: {  	[smem:$0x3FA5] =	sst s0  }
0x9: {  	[smem:$0x3FA6] =	sst s1  }
0xa: {  	[smem:$0x3FA7] =	sst s2  }
0xb: {  	[smem:$0x3FA8] =	sst s3  }
0xc: {  	[smem:$0x3FA9] =	sst s4  }
0xd: {  	[smem:$0x3FAA] =	sst s5  }
0xe: {  	[smem:$0x3FAB] =	sst s6  }
0xf: {  	[smem:$0x3FAC] =	sst s7  }
0x10: {  	[smem:$0x3FAD] =	sst s8  }
0x11: {  	[smem:$0x3FAE] =	sst s9;
	s0 =	simm.s32 @!p0 $0x0  }
0x12: {  	s1 =	sld [smem:$0x3F94];
	s0 =	simm.s32 @p0 $0x1  }
0x13: {  	[smem:$0x3FAF] =	sst s0;
	s0 =	simm.s32 @!p1 $0x0  }
0x14: {  	s2 =	sld [smem:$0x3F93];
	s0 =	simm.s32 @p1 $0x1  }
0x15: {  	[smem:$0x3FB0] =	sst s0;
	s0 =	simm.s32 @!p2 $0x0  }
0x16: {  	s3 =	sld [smem:$0x3FDB];
	s0 =	simm.s32 @p2 $0x1  }
0x17: {  	s4 =	simm.s32 $0x1BF5;
	[smem:$0x3FB2] =	sst s0  }
0x18: {  	s0 =	sld [smem:$0x3F95];
	_ =	swait.ge [sflag:s4], $0x0  }
0x19: {  	s7 =	sld [smem:$0x3F96]  }
0x1a: {  	s8 =	sadd.s32 $0xFFFFE003, lr  }
0x1b: {  	s9 =	sadd.s32 $0xFFFFFEF7, lr;
	s5 =	simm.s32 $0xFFFFFFFF;
	p2 =	slt.u32 s8, $0xFFFFF086  }
0x1c: {  	p1 =	slt.u32 s9, $0xF7A;
	s5 =	simm.s32 @!p2 $0x0  }
0x1d: {  	s5 =	simm.s32 @p1 $0x1;
	p0 =	seq.s32 s7, s2  }
0x1e: {  	s7 =	smul.u32 @!p0 $0xF7A, s2;
	p2 =	seq.s32 @!p0 s5, $0x0  }
0x1f: {  	s9 =	smul.u32 $0xF7A, s1;
	s8 =	simm.s32 @!p0 $0x1BF5;
	p2 =	por !p2, p0  }
0x20: {  	[sflag:s8] =	ssyncset.s32 @!p0 $0xFFFFF086;
	s6 =	sadd.s32 @!p0 s3, s7;
	s7 =	simm.s32 @!p0 $0x108  }
0x21: {  	s3 =	sadd.s32 s3, s9;
	s6 =	sadd.s32 @!p0 $0x88, s6;
	s7 =	simm.s32 @p2 $0x1082  }
0x22: {  	[simem:s7], [sflag:s8] =	dma.local @!p0 [hbm:s6], $0xF7A  }
0x23: {  	s9 =	sor.u32 $0xD0000000, s2;
	s6 =	simm.s32 $0x108;
	_ =	swait.ge @!p0 [sflag:s8], $0x0  }
0x24: {  	s3 =	sadd.s32 $0x88, s3;
	s6 =	simm.s32 @!p1 $0x1082;
	[sflag:s4] =	ssyncset.s32 $0xFFFFF086  }
0x25: {  	[simem:s6], [sflag:s4] =	dma.local [hbm:s3], $0xF7A  }
0x26: {  	[smem:$0x3F96] =	sst s1;
	(tag) =	ssettag s2;
	_ =	strace s9  }
0x27: {  	s1 =	sld [smem:$0x3FA6]  }
0x28: {  	s2 =	sld [smem:$0x3FA7]  }
0x29: {  	s4 =	sld [smem:$0x3FA9]  }
0x2a: {  	p0 =	seq.s32 s5, $0x0;
	s5 =	sld [smem:$0x3FAA]  }
0x2b: {  	s6 =	sld [smem:$0x3FAB]  }
0x2c: {  	s7 =	sld [smem:$0x3FAC]  }
0x2d: {  	s3 =	simm.s32 $0x108;
	s8 =	sld [smem:$0x3FAD]  }
0x2e: {  	s3 =	simm.s32 @!p0 $0x1082;
	s9 =	sld [smem:$0x3FAE]  }
0x2f: {  	lr =	sadd.s32 s0, s3;
	s0 =	sld [smem:$0x3FA5]  }
0x30: {  	s3 =	sld [smem:$0x3FA8]  }
0x31: {  	[smem:$0x3FB1] =	sst s10  }
0x32: {  	s10 =	sld [smem:$0x3FAF];
	_ =	sdelay $0x3  }
0x33: {  	p0 =	seq.s32 s10, $0x1;
	s10 =	sld [smem:$0x3FB1];
	_ =	sdelay $0x3  }
0x34: {  	[smem:$0x3FB1] =	sst s10  }
0x35: {  	s10 =	sld [smem:$0x3FB0];
	_ =	sdelay $0x3  }
0x36: {  	p1 =	seq.s32 s10, $0x1;
	s10 =	sld [smem:$0x3FB1];
	_ =	sdelay $0x3  }
0x37: {  	[smem:$0x3FB1] =	sst s10  }
0x38: {  	s10 =	sld [smem:$0x3FB2]  }
0x39: {  	_ = 	snop;
	(pc) =	sbr.ind lr, $3  }
0x3a: {  	_ = 	snop  }
0x3b: {  	_ = 	snop  }
0x3c: {  	p2 =	seq.s32 s10, $0x1;
	s10 =	sld [smem:$0x3FB1]  }
0x3d: {  	_ =	shalt  }
0x3e: {  	_ =	shalt  }
0x3f: {  	_ =	shalt  }
0x40: {  	_ =	shalt  }
0x41: {  	_ =	shalt  }
0x42: {  	_ =	shalt  }
0x43: {  	_ =	shalt  }
0x44: {  	_ =	shalt  }
0x45: {  	_ =	shalt  }
0x46: {  	_ =	shalt  }
0x47: {  	_ =	shalt  }
0x48: {  	_ =	shalt  }
0x49: {  	_ =	shalt  }
0x4a: {  	_ =	shalt  }
0x4b: {  	_ =	shalt  }
0x4c: {  	_ =	shalt  }
0x4d: {  	_ =	shalt  }
0x4e: {  	_ =	shalt  }
0x4f: {  	_ =	shalt  }
0x50: {  	_ =	shalt  }
0x51: {  	_ =	shalt  }
0x52: {  	_ =	shalt  }
0x53: {  	_ =	shalt  }
0x54: {  	_ =	shalt  }
0x55: {  	_ =	shalt  }
0x56: {  	_ =	shalt  }
0x57: {  	_ =	shalt  }
0x58: {  	_ =	shalt  }
0x59: {  	_ =	shalt  }
0x5a: {  	_ =	shalt  }
0x5b: {  	_ =	shalt  }
0x5c: {  	_ =	shalt  }
0x5d: {  	_ =	shalt  }
0x5e: {  	_ =	shalt  }
0x5f: {  	_ =	shalt  }
0x60: {  	_ =	shalt  }
0x61: {  	_ =	shalt  }
0x62: {  	_ =	shalt  }
0x63: {  	_ =	shalt  }
0x64: {  	_ =	shalt  }
0x65: {  	_ =	shalt  }
0x66: {  	_ =	shalt  }
0x67: {  	_ =	shalt  }
0x68: {  	_ =	shalt  }
0x69: {  	_ =	shalt  }
0x6a: {  	_ =	shalt  }
0x6b: {  	_ =	shalt  }
0x6c: {  	_ =	shalt  }
0x6d: {  	_ =	shalt  }
0x6e: {  	_ =	shalt  }
0x6f: {  	_ =	shalt  }
0x70: {  	_ =	shalt  }
0x71: {  	_ =	shalt  }
0x72: {  	_ =	shalt  }
0x73: {  	_ =	shalt  }
0x74: {  	_ =	shalt  }
0x75: {  	_ =	shalt  }
0x76: {  	_ =	shalt  }
0x77: {  	_ =	shalt  }
0x78: {  	_ =	shalt  }
0x79: {  	_ =	shalt  }
0x7a: {  	_ =	shalt  }
0x7b: {  	_ =	shalt  }
0x7c: {  	_ =	shalt  }
0x7d: {  	_ =	shalt  }
0x7e: {  	_ =	shalt  }
0x7f: {  	_ =	shalt  }
0x80: {  	_ =	shalt  }
0x81: {  	_ =	shalt  }
0x82: {  	_ =	shalt  }
0x83: {  	_ =	shalt  }
0x84: {  	_ =	shalt  }
0x85: {  	_ =	shalt  }
0x86: {  	_ =	shalt  }
0x87: {  	_ =	shalt  }
.Lfunc_end0:
.L_simem_size_0:
called_computation_lowered:
.L_overlay_start_0:
0x88: {  	s2 =	sld [smem:$0x3FD9]  }
0x89: {  	s3 =	sld [smem:$0x3FFE];
	_ =	sdelay $0x1  }
0x8a: {  	s1 =	srdreg.scid  }
0x8b: {  	s0 =	sand.u32 $0x1, s1  }
0x8c: {  	s17 =	sshll.u32 s0, $0xA;
	s2 =	sadd.s32 s3, s2  }
0x8d: {  	s2 =	sadd.s32 s2, s17  }
0x8e: {  	[smem:$0x3FBD] =	sst s2  }
0x8f: {  	_ = 	snop  }
0x90: {  	(tm) =	ssettm $0x1  }
0x91: {  	s18 =	sld [smem:$0x3FFB];
	_ =	sdelay $0x3  }
0x92: {  	_ =	strace s18  }
0x93: {  	s2 =	sld [smem:$0x3FFC];
	_ =	sdelay $0x3  }
0x94: {  	_ =	strace s2  }
0x95: {  	s2 =	sld [smem:$0x3FFD];
	_ =	sdelay $0x3  }
0x96: {  	_ =	strace s2  }
0x97: {  	_ =	strace $0x8FFFFFFF  }
0x98: {  	s19 =	sld [smem:$0x3FDB];
	_ =	sdelay $0x1  }
0x99: {  	s20 =	simm.s32 $_scs_section_size  }
0x9a: {  	s4 =	simm.s32 $_size__tile_overlayer_lowered;
	s5 =	simm.s32 $_tile_overlayer_lowered  }
0x9b: {  	s6 =	simm.s32 $0x1BFF;
	s21 =	sshll.u32 s5, $0x1;
	s3 =	sadd.s32 s20, s19  }
0x9c: {  	s22 =	simm.s32 $0x0;
	s4 =	sshll.u32 s4, $0x1;
	s5 =	sadd.s32 s21, s3  }
0x9d: {  	[timem:s22], [sflag:s6] =	dma.local [hbm:s5], s4  }
0x9e: {  	_ =	swait.ge [sflag:s6], s4  }
0x9f: {  	s4 =	ssub.s32 $0x0, s4;
	[sflag:s6] =	ssyncset.done $0x0  }
0xa0: {  	[sflag:s6] =	ssyncadd.s32 s4;
	_ =	sdelay $0x1  }
0xa1: {  	s23 =	simm.s32 $0x1B8B  }
0xa2: {  	_ =	swait.ge [sflag:s23], $0x1  }
0xa3: {  	[sflag:s23] =	ssyncset.done $0x0  }
0xa4: {  	[sflag:s23] =	ssyncadd.s32 $0xFFFFFFFF  }
0xa5: {  	s4 =	sld [smem:$0x0]  }
0xa6: {  	s5 =	sand.u32 $0xFFFFFFFE, s1  }
0xa7: {  	p0 =	sne.s32 s1, s5  }
0xa8: {  	s5 =	sshll.u32 @p0 s5, $0xE  }
0xa9: {  	s5 =	sadd.s32 @p0 $0x11B8D, s5;
	s6 =	sshll.u32 @p0 s4, $0x11  }
0xaa: {  	s5 =	sor.u32 @p0 s6, s5  }
0xab: {  	[sflag:s5] =	ssyncadd.remote.s32 @p0 $0x1;
	_ =	sdelay $0x1  }
0xac: {  	s5 =	simm.s32 @p0 $0x1B8D  }
0xad: {  	_ =	swait.eq @p0 [sflag:s5], $0x1  }
0xae: {  	[sflag:s5] =	ssyncadd.s32 @p0 $0xFFFFFFFF  }
0xaf: {  	s6 =	sshll.u32 @!p0 s1, $0xE  }
0xb0: {  	s6 =	sor.u32 @!p0 $0x4000, s6;
	s5 =	simm.s32 @!p0 $0x1B8D  }
0xb1: {  	s4 =	sshll.u32 @!p0 s4, $0x11;
	s6 =	sadd.s32 @!p0 $0x11B8D, s6;
	_ =	swait.eq @!p0 [sflag:s5], $0x1  }
0xb2: {  	s4 =	sor.u32 @!p0 s4, s6;
	[sflag:s5] =	ssyncadd.s32 @!p0 $0xFFFFFFFF  }
0xb3: {  	s25 =	simm.s32 $0x1B8E;
	s24 =	sld [smem:$0x3FFE];
	[sflag:s4] =	ssyncadd.remote.s32 @!p0 $0x1  }
0xb4: {  	s26 =	simm.s32 $execute0_lowered;
	[smem:$0x3FD2] =	sst s25  }
0xb5: {  	s5 =	sshll.u32 s26, $0x1;
	_ =	strace $0x80000049;
	[dreg:$0x1] =	wrdreg $0xFFFFFFFF  }
0xb6: {  	s28 =	simm.s32 $_size_execute0_lowered;
	s3 =	sadd.s32 s3, s5;
	[dreg:$0x0] =	wrdreg $0x0  }
0xb7: {  	s5 =	sshll.u32 s28, $0x1;
	[dreg:$0x2] =	wrdreg s3  }
0xb8: {  	[dreg:$0x3] =	wrdreg s5  }
0xb9: {  	[dreg:$0x4] =	wrdreg $0xC0  }
0xba: {  	_ =	task [dreg:s22], $0x5FFFF  }
0xbb: {  	[dreg:$0x1] =	wrdreg $0xFFFFFFFF  }
0xbc: {  	[dreg:$0x0] =	wrdreg $0x60  }
0xbd: {  	[dreg:$0x2] =	wrdreg s24  }
0xbe: {  	[dreg:$0x3] =	wrdreg $0x42000  }
0xbf: {  	[dreg:$0x4] =	wrdreg $0x9  }
0xc0: {  	_ =	task.clear_ibuf [dreg:s22], $0x5FFFF;
	_ =	strace $0x90000049  }
0xc1: {  	s29 =	simm.s32 $0x9;
	_ =	strace $0x8000004B  }
0xc2: {  	_ =	swait.ge [sflag:s29], $0x1  }
0xc3: {  	[sflag:s29] =	ssyncadd.s32 $0xFFFFFFFF  }
0xc4: {  	_ =	strace $0x9000004B  }
0xc5: {  	_ =	sfence  }
0xc6: {  	s30 =	sld [smem:$0x0];
	_ =	sdelay $0x2  }
0xc7: {  	s31 =	sshll.u32 s1, $0xD;
	s1 =	sshrl.u32 s1, $0x2  }
0xc8: {  	s4 =	sand.u32 $0x4000, s31;
	s1 =	sadd.s32 s1, s30  }
0xc9: {  	s0 =	sor.u32 s4, s0;
	s1 =	sshll.u32 s1, $0x11  }
0xca: {  	s0 =	sor.u32 s1, s0  }
0xcb: {  	s0 =	sadd.s32 $0x8F2B, s0  }
0xcc: {  	[sflag:s0] =	ssyncadd.remote.s32 $0x1  }
0xcd: {  	_ =	sfence.sel $0xFFFF  }
0xce: {  	[dreg:$0x0] =	wrdreg $0xFFFFFFFF;
	(pc) =	sbr.abs _section_cstart, $3  }
0xcf: {  	[dreg:$0x1] =	wrdreg $0xFFFFFFFF  }
0xd0: {  	_ =	task.clear_ibuf [dreg:s22], $0x2FFFF;
	_ =	strace $0x9FFFFFFF  }
0xd1: {  	(tm) =	ssettm $0x7FFFFFFF  }
tec
execute0_lowered:
.L_overlay_start_1:
0x0: {  	(tag) =	ssettag $0x1  }
0x1: {  	s0 =	rddreg [dreg:$0x0]  }
0x2: {  	s1 =	rddreg [dreg:$0x1]  }
0x3: {  	s2 =	srdreg.scid;
	s3 =	simm.s32 $0x0;
	s5 =	stileid.u32  }
0x4: {  	s16 =	simm.s32 $0x200;
	s17 =	simm.s32 $0x9;
	s28 =	simm.s32 $0x5  }
0x5: {  	s29 =	simm.s32 $0x6;
	s30 =	simm.s32 $0x7;
	s31 =	simm.s32 $0x8  }
0x6: {  	s2 =	sand.u32 $0x1, s2;
	[smem:$0x7FF] =	sst s3;
	s15 =	sadd.s32 $0x3600, s0  }
0x7: {  	s6 =	sadd.s32 $0x17600, s0;
	s19 =	sadd.s32 $0x69E00, s0;
	s20 =	smul.u32 $0x50000, s5  }
0x8: {  	s9 =	smul.u32 $0x2800, s5;
	_ =	strace $0x8000004A;
	[dreg:$0x3] =	wrdreg s6  }
0x9: {  	s26 =	sshll.u32 s5, $0x6;
	s4 =	sshll.u32 s2, $0x4;
	[dreg:$0x4] =	wrdreg s19  }
0xa: {  	s7 =	ssub.s32 $0x2, s2;
	s2 =	smul.u32 $0x28000, s2;
	s18 =	sor.u32 $0x1C09, s26  }
0xb: {  	s26 =	simm.s32 $0x4;
	s4 =	sor.u32 s5, s4;
	s8 =	sshrl.u32 s7, $0x1  }
0xc: {  	s21 =	sshrl.u32 s20, $0x2;
	s20 =	simm.s32 $0x80;
	s4 =	smul.u32 $0x2800, s4  }
0xd: {  	s11 =	ssub.s32 s7, s8;
	s22 =	sadd.s32 s21, s1;
	s2 =	sadd.s32 s9, s2  }
0xe: {  	s21 =	simm.s32 $0x100;
	s12 =	sor.u32 $0x380, s2;
	s11 =	smax.u32 s11, $0x1  }
0xf: {  	s24 =	sor.u32 $0x300, s2;
	s13 =	sor.u32 $0x280, s2;
	s2 =	sor.u32 $0x200, s2  }
0x10: {  	s19 =	sshrl.u32 s22, $0x3;
	s22 =	simm.s32 $0x180;
	s0 =	sadd.s32 s4, s0  }
0x11: {  	s4 =	sshrl.u32 s4, $0x3;
	s23 =	sshrl.u32 s12, $0x3;
	s14 =	sshrl.u32 s13, $0x3  }
0x12: {  	s25 =	sshrl.u32 s2, $0x3;
	s6 =	sadd.s32 s15, s4;
	s10 =	sadd.s32 $0x6A600, s0  }
0x13: {  	s12 =	sadd.s32 s23, s15;
	s0 =	sshrl.u32 s24, $0x3;
	s14 =	sadd.s32 s14, s15  }
0x14: {  	s23 =	simm.s32 $0x1;
	s24 =	simm.s32 $0x2;
	s7 =	sadd.s32 $0x10, s6  }
0x15: {  	s8 =	sadd.s32 $0x20, s6;
	s9 =	sadd.s32 $0x30, s6;
	s13 =	sadd.s32 s0, s15  }
0x16: {  	s15 =	sadd.s32 s25, s15;
	s25 =	simm.s32 $0x3;
	s0 =	simm.s32 $0x0  }
.LBB2_1:
0x17: {  	s2 =	rddreg [dreg:$0x4]  }
0x18: {  	[tilespmem:s16], [sflag:$0x9] =	stream.linear.gather [hbm4b:s2+s3], $0x4000, $0x38;
	[tilespmem:$0x18200] =	vst v63  }
0x19: {  	_ =	swait.ge [sflag:s17], $0x4000  }
0x1a: {  	[sflag:s17] =	ssyncset.done $0x0  }
0x1b: {  	s4 =	rddreg [dreg:$0x3];
	[sflag:s17] =	ssyncadd.s32 $0xFFFFC000  }
0x1c: {  	[spmem:s19], [sflag:s18] =	dma.local [hbm:s4], $0x2800  }
0x1d: {  	_ =	swait.ge [sflag:s17], $0x2800  }
0x1e: {  	[sflag:s17] =	ssyncset.done $0x0  }
0x1f: {  	[sflag:s17] =	ssyncadd.s32 $0xFFFFD800  }
0x20: {  	[bflag:$0x0] =	sbarrier.arrive $0xFFFF  }
0x21: {  	[tilespmem:s3], [sflag:$0x1] =	stream.linear.gather [hbm4b:s6+s3], $0x80, $0x38;
	[tilespmem:$0x18200] =	vst v63  }
0x22: {  	_ = 	snop  }
0x23: {  	[tilespmem:s20], [sflag:$0x2] =	stream.linear.gather [hbm4b:s7+s3], $0x80, $0x38;
	[tilespmem:$0x18200] =	vst v63  }
0x24: {  	_ = 	snop  }
0x25: {  	[tilespmem:s21], [sflag:$0x3] =	stream.linear.gather [hbm4b:s8+s3], $0x80, $0x38;
	[tilespmem:$0x18200] =	vst v63  }
0x26: {  	_ = 	snop  }
0x27: {  	[tilespmem:s22], [sflag:$0x4] =	stream.linear.gather [hbm4b:s9+s3], $0x80, $0x38;
	[tilespmem:$0x18200] =	vst v63  }
0x28: {  	_ =	swait.ge [sflag:s23], $0x80  }
0x29: {  	[sflag:s23] =	ssyncset.done $0x0  }
0x2a: {  	[sflag:s23] =	ssyncadd.s32 $0xFFFFFF80  }
0x2b: {  	[spmem:s1] =	stream.indirect.scatter.add.f32 [tilespmem:s16], [sflag:$0x5], $0x80, s3, s20, $0xb8;
	[tilespmem:$0x18200] =	vst v63  }
0x2c: {  	_ =	swait.ge [sflag:s24], $0x80  }
0x2d: {  	[sflag:s24] =	ssyncset.done $0x0  }
0x2e: {  	[sflag:s24] =	ssyncadd.s32 $0xFFFFFF80  }
0x2f: {  	[spmem:s1] =	stream.indirect.scatter.add.f32 [tilespmem:s16], [sflag:$0x6], $0x80, s20, s20, $0xb8;
	[tilespmem:$0x18200] =	vst v63  }
0x30: {  	_ =	swait.ge [sflag:s25], $0x80  }
0x31: {  	[sflag:s25] =	ssyncset.done $0x0  }
0x32: {  	[sflag:s25] =	ssyncadd.s32 $0xFFFFFF80  }
0x33: {  	[spmem:s1] =	stream.indirect.scatter.add.f32 [tilespmem:s16], [sflag:$0x7], $0x80, s21, s20, $0xb8;
	[tilespmem:$0x18200] =	vst v63  }
0x34: {  	_ =	swait.ge [sflag:s26], $0x80  }
0x35: {  	[sflag:s26] =	ssyncset.done $0x0  }
0x36: {  	[sflag:s26] =	ssyncadd.s32 $0xFFFFFF80  }
0x37: {  	[spmem:s1] =	stream.indirect.scatter.add.f32 [tilespmem:s16], [sflag:$0x8], $0x80, s22, s20, $0xb8;
	[tilespmem:$0x18200] =	vst v63  }
0x38: {  	_ =	swait.ge [sflag:s28], $0x4000  }
0x39: {  	[sflag:s28] =	ssyncset.done $0x0  }
0x3a: {  	s5 =	sadd.s32 $0x0, s15;
	[sflag:s28] =	ssyncadd.s32 $0xFFFFC000  }
0x3b: {  	[tilespmem:s3], [sflag:$0x1] =	stream.linear.gather [hbm4b:s5+s3], $0x80, $0x38;
	[tilespmem:$0x18200] =	vst v63  }
0x3c: {  	_ =	swait.ge [sflag:s29], $0x4000  }
0x3d: {  	[sflag:s29] =	ssyncset.done $0x0  }
0x3e: {  	s4 =	sadd.s32 $0x0, s14;
	[sflag:s29] =	ssyncadd.s32 $0xFFFFC000  }
0x3f: {  	[tilespmem:s20], [sflag:$0x2] =	stream.linear.gather [hbm4b:s4+s3], $0x80, $0x38;
	[tilespmem:$0x18200] =	vst v63  }
0x40: {  	_ =	swait.ge [sflag:s30], $0x4000  }
0x41: {  	[sflag:s30] =	ssyncset.done $0x0  }
0x42: {  	s5 =	sadd.s32 $0x0, s13;
	[sflag:s30] =	ssyncadd.s32 $0xFFFFC000  }
0x43: {  	[tilespmem:s21], [sflag:$0x3] =	stream.linear.gather [hbm4b:s5+s3], $0x80, $0x38;
	[tilespmem:$0x18200] =	vst v63  }
0x44: {  	_ =	swait.ge [sflag:s31], $0x4000  }
0x45: {  	[sflag:s31] =	ssyncset.done $0x0  }
0x46: {  	s2 =	simm.s32 $0x40;
	s4 =	sadd.s32 $0x0, s12;
	[sflag:s31] =	ssyncadd.s32 $0xFFFFC000  }
.LBB2_2:
0x47: {  	[tilespmem:s22], [sflag:$0x4] =	stream.linear.gather [hbm4b:s4+s3], $0x80, $0x38;
	[tilespmem:$0x18200] =	vst v63  }
0x48: {  	s4 =	smov.u32 s2  }
0x49: {  	p0 =	sne.s32 s2, $0x480;
	s2 =	sadd.s32 $0x40, s2;
	_ =	swait.ge [sflag:s23], $0x80  }
0x4a: {  	[sflag:s23] =	ssyncset.done $0x0  }
0x4b: {  	[sflag:s23] =	ssyncadd.s32 $0xFFFFFF80  }
0x4c: {  	[spmem:s1] =	stream.indirect.scatter.add.f32 [tilespmem:s16], [sflag:$0x5], $0x80, s3, s20, $0xb8;
	[tilespmem:$0x18200] =	vst v63  }
0x4d: {  	_ =	swait.ge [sflag:s24], $0x80  }
0x4e: {  	[sflag:s24] =	ssyncset.done $0x0  }
0x4f: {  	[sflag:s24] =	ssyncadd.s32 $0xFFFFFF80  }
0x50: {  	[spmem:s1] =	stream.indirect.scatter.add.f32 [tilespmem:s16], [sflag:$0x6], $0x80, s20, s20, $0xb8;
	[tilespmem:$0x18200] =	vst v63  }
0x51: {  	_ =	swait.ge [sflag:s25], $0x80  }
0x52: {  	[sflag:s25] =	ssyncset.done $0x0  }
0x53: {  	[sflag:s25] =	ssyncadd.s32 $0xFFFFFF80  }
0x54: {  	[spmem:s1] =	stream.indirect.scatter.add.f32 [tilespmem:s16], [sflag:$0x7], $0x80, s21, s20, $0xb8;
	[tilespmem:$0x18200] =	vst v63  }
0x55: {  	_ =	swait.ge [sflag:s26], $0x80  }
0x56: {  	[sflag:s26] =	ssyncset.done $0x0  }
0x57: {  	[sflag:s26] =	ssyncadd.s32 $0xFFFFFF80  }
0x58: {  	[spmem:s1] =	stream.indirect.scatter.add.f32 [tilespmem:s16], [sflag:$0x8], $0x80, s22, s20, $0xb8;
	[tilespmem:$0x18200] =	vst v63  }
0x59: {  	_ =	swait.ge [sflag:s28], $0x4000  }
0x5a: {  	[sflag:s28] =	ssyncset.done $0x0  }
0x5b: {  	s5 =	sadd.s32 s4, s15;
	[sflag:s28] =	ssyncadd.s32 $0xFFFFC000  }
0x5c: {  	[tilespmem:s3], [sflag:$0x1] =	stream.linear.gather [hbm4b:s5+s3], $0x80, $0x38;
	[tilespmem:$0x18200] =	vst v63  }
0x5d: {  	_ =	swait.ge [sflag:s29], $0x4000  }
0x5e: {  	[sflag:s29] =	ssyncset.done $0x0  }
0x5f: {  	s5 =	sadd.s32 s4, s14;
	[sflag:s29] =	ssyncadd.s32 $0xFFFFC000  }
0x60: {  	[tilespmem:s20], [sflag:$0x2] =	stream.linear.gather [hbm4b:s5+s3], $0x80, $0x38;
	[tilespmem:$0x18200] =	vst v63  }
0x61: {  	_ =	swait.ge [sflag:s30], $0x4000  }
0x62: {  	[sflag:s30] =	ssyncset.done $0x0  }
.Ltmp0:
0x63: {  	s5 =	sadd.s32 s4, s13;
	[sflag:s30] =	ssyncadd.s32 $0xFFFFC000;
	(pc) =	sbr.rel @p0 .LBB2_2-.Ltmp0, $4  }
0x64: {  	[tilespmem:s21], [sflag:$0x3] =	stream.linear.gather [hbm4b:s5+s3], $0x80, $0x38;
	[tilespmem:$0x18200] =	vst v63  }
0x65: {  	_ =	swait.ge [sflag:s31], $0x4000  }
0x66: {  	[sflag:s31] =	ssyncset.done $0x0  }
0x67: {  	s4 =	sadd.s32 s4, s12;
	[sflag:s31] =	ssyncadd.s32 $0xFFFFC000  }
0x68: {  	[tilespmem:s22], [sflag:$0x4] =	stream.linear.gather [hbm4b:s4+s3], $0x80, $0x38;
	[tilespmem:$0x18200] =	vst v63  }
0x69: {  	_ =	swait.ge [sflag:s23], $0x80  }
0x6a: {  	[sflag:s23] =	ssyncset.done $0x0  }
0x6b: {  	[sflag:s23] =	ssyncadd.s32 $0xFFFFFF80  }
0x6c: {  	[spmem:s1] =	stream.indirect.scatter.add.f32 [tilespmem:s16], [sflag:$0x5], $0x80, s3, s20, $0xb8;
	[tilespmem:$0x18200] =	vst v63  }
0x6d: {  	_ =	swait.ge [sflag:s24], $0x80  }
0x6e: {  	[sflag:s24] =	ssyncset.done $0x0  }
0x6f: {  	[sflag:s24] =	ssyncadd.s32 $0xFFFFFF80  }
0x70: {  	[spmem:s1] =	stream.indirect.scatter.add.f32 [tilespmem:s16], [sflag:$0x6], $0x80, s20, s20, $0xb8;
	[tilespmem:$0x18200] =	vst v63  }
0x71: {  	_ =	swait.ge [sflag:s25], $0x80  }
0x72: {  	[sflag:s25] =	ssyncset.done $0x0  }
0x73: {  	[sflag:s25] =	ssyncadd.s32 $0xFFFFFF80  }
0x74: {  	[spmem:s1] =	stream.indirect.scatter.add.f32 [tilespmem:s16], [sflag:$0x7], $0x80, s21, s20, $0xb8;
	[tilespmem:$0x18200] =	vst v63  }
0x75: {  	_ =	swait.ge [sflag:s26], $0x80  }
0x76: {  	[sflag:s26] =	ssyncset.done $0x0  }
0x77: {  	[sflag:s26] =	ssyncadd.s32 $0xFFFFFF80  }
0x78: {  	[spmem:s1] =	stream.indirect.scatter.add.f32 [tilespmem:s16], [sflag:$0x8], $0x80, s22, s20, $0xb8;
	[tilespmem:$0x18200] =	vst v63  }
0x79: {  	_ =	swait.ge [sflag:s28], $0x4000  }
0x7a: {  	[sflag:s28] =	ssyncset.done $0x0  }
0x7b: {  	[sflag:s28] =	ssyncadd.s32 $0xFFFFC000  }
0x7c: {  	_ =	swait.ge [sflag:s29], $0x4000  }
0x7d: {  	[sflag:s29] =	ssyncset.done $0x0  }
0x7e: {  	[sflag:s29] =	ssyncadd.s32 $0xFFFFC000  }
0x7f: {  	_ =	swait.ge [sflag:s30], $0x4000  }
0x80: {  	[sflag:s30] =	ssyncset.done $0x0  }
0x81: {  	[sflag:s30] =	ssyncadd.s32 $0xFFFFC000  }
0x82: {  	_ =	swait.ge [sflag:s31], $0x4000  }
0x83: {  	s0 =	sadd.s32 $0x1, s0;
	[sflag:s31] =	ssyncset.done $0x0  }
0x84: {  	p0 =	sne.s32 s0, s11;
	[sflag:s31] =	ssyncadd.s32 $0xFFFFC000  }
.Ltmp1:
0x85: {  	[bflag:$0x0] =	sbarrier.arrive $0xFFFF;
	(pc) =	sbr.rel @p0 .LBB2_1-.Ltmp1, $4  }
0x86: {  	[hbm:s10], [sflag:s18] =	dma.local [spmem:s19], $0x2800  }
0x87: {  	_ =	swait.ge [sflag:s17], $0x2800  }
0x88: {  	[sflag:s17] =	ssyncset.done $0x0  }
0x89: {  	[sflag:s17] =	ssyncadd.s32 $0xFFFFD800  }
0x8a: {  	_ =	sfence.sel $0x180000  }
0x8b: {  	[bflag:$0x0] =	sbarrier.arrive $0xFFFF  }
0x8c: {  	_ =	strace $0x9000004A  }
0x8d: {  	s0 =	stileid.u32;
	[bflag:$0x2] =	sbarrier.arrive $0xFFFF  }
0x8e: {  	p0 =	sne.s32 s0, $0x0;
	s0 =	rddreg [dreg:$0x2]  }
0x8f: {  	s0 =	sadd.s32 @!p0 $0x100000, s0  }
0x90: {  	[sflag:s0] =	ssyncadd.tile.s32 @!p0 $0x1;
	_ =	shalt  }
.Lfunc_end2:
_tile_overlayer_lowered:
.L_overlay_start_2:
0x91: {  	(tag) =	ssettag $0x2  }
0x92: {  	s0 =	rddreg [dreg:$0x0];
	s2 =	stileid.u32  }
0x93: {  	s1 =	rddreg [dreg:$0x1];
	p0 =	sne.s32 s2, $0x0  }
0x94: {  	s3 =	rddreg [dreg:$0x2];
	[bflag:$0x3] =	sbarrier.arrive $0xFFFF;
	s2 =	simm.s32 @!p0 $0x1C09  }
0x95: {  	[timem:s3], [sflag:s2] =	dma.local @!p0 [hbm:s0], s1  }
0x96: {  	s0 =	simm.s32 @!p0 $0x9  }
0x97: {  	_ =	swait.ge @!p0 [sflag:s0], s1  }
0x98: {  	s1 =	ssub.s32 @!p0 $0x0, s1;
	[sflag:s0] =	ssyncset.done @!p0 $0x0  }
0x99: {  	[sflag:s0] =	ssyncadd.s32 @!p0 s1  }
0x9a: {  	[bflag:$0x3] =	sbarrier.arrive $0xFFFF  }
0x9b: {  	_ =	shalt  }

// kernel: kernel.13.cloned.1.call-start
scs
__scs_entry_jumppad:
0x0: {  	(pc) =	sbr.rel $0x88, $3  }
0x1: {  	(tag) =	ssettag $0x0;
	lr =	simm.s32 $0x1  }
0x2: {  	[smem:$0x3F96] =	sst lr;
	_ =	strace $0xD0000000  }
0x3: {  	_ = 	snop  }
0x4: {  	_ = 	snop  }
0x5: {  	_ = 	snop  }
0x6: {  	_ = 	snop  }
0x7: {  	_ = 	snop  }
__scs_overlays_trampoline_lowered:
0x8: {  	[smem:$0x3FA5] =	sst s0  }
0x9: {  	[smem:$0x3FA6] =	sst s1  }
0xa: {  	[smem:$0x3FA7] =	sst s2  }
0xb: {  	[smem:$0x3FA8] =	sst s3  }
0xc: {  	[smem:$0x3FA9] =	sst s4  }
0xd: {  	[smem:$0x3FAA] =	sst s5  }
0xe: {  	[smem:$0x3FAB] =	sst s6  }
0xf: {  	[smem:$0x3FAC] =	sst s7  }
0x10: {  	[smem:$0x3FAD] =	sst s8  }
0x11: {  	[smem:$0x3FAE] =	sst s9;
	s0 =	simm.s32 @!p0 $0x0  }
0x12: {  	s1 =	sld [smem:$0x3F94];
	s0 =	simm.s32 @p0 $0x1  }
0x13: {  	[smem:$0x3FAF] =	sst s0;
	s0 =	simm.s32 @!p1 $0x0  }
0x14: {  	s2 =	sld [smem:$0x3F93];
	s0 =	simm.s32 @p1 $0x1  }
0x15: {  	[smem:$0x3FB0] =	sst s0;
	s0 =	simm.s32 @!p2 $0x0  }
0x16: {  	s3 =	sld [smem:$0x3FDB];
	s0 =	simm.s32 @p2 $0x1  }
0x17: {  	s4 =	simm.s32 $0x1BF5;
	[smem:$0x3FB2] =	sst s0  }
0x18: {  	s0 =	sld [smem:$0x3F95];
	_ =	swait.ge [sflag:s4], $0x0  }
0x19: {  	s7 =	sld [smem:$0x3F96]  }
0x1a: {  	s8 =	sadd.s32 $0xFFFFE003, lr  }
0x1b: {  	s9 =	sadd.s32 $0xFFFFFEF7, lr;
	s5 =	simm.s32 $0xFFFFFFFF;
	p2 =	slt.u32 s8, $0xFFFFF086  }
0x1c: {  	p1 =	slt.u32 s9, $0xF7A;
	s5 =	simm.s32 @!p2 $0x0  }
0x1d: {  	s5 =	simm.s32 @p1 $0x1;
	p0 =	seq.s32 s7, s2  }
0x1e: {  	s7 =	smul.u32 @!p0 $0xF7A, s2;
	p2 =	seq.s32 @!p0 s5, $0x0  }
0x1f: {  	s9 =	smul.u32 $0xF7A, s1;
	s8 =	simm.s32 @!p0 $0x1BF5;
	p2 =	por !p2, p0  }
0x20: {  	[sflag:s8] =	ssyncset.s32 @!p0 $0xFFFFF086;
	s6 =	sadd.s32 @!p0 s3, s7;
	s7 =	simm.s32 @!p0 $0x108  }
0x21: {  	s3 =	sadd.s32 s3, s9;
	s6 =	sadd.s32 @!p0 $0x88, s6;
	s7 =	simm.s32 @p2 $0x1082  }
0x22: {  	[simem:s7], [sflag:s8] =	dma.local @!p0 [hbm:s6], $0xF7A  }
0x23: {  	s9 =	sor.u32 $0xD0000000, s2;
	s6 =	simm.s32 $0x108;
	_ =	swait.ge @!p0 [sflag:s8], $0x0  }
0x24: {  	s3 =	sadd.s32 $0x88, s3;
	s6 =	simm.s32 @!p1 $0x1082;
	[sflag:s4] =	ssyncset.s32 $0xFFFFF086  }
0x25: {  	[simem:s6], [sflag:s4] =	dma.local [hbm:s3], $0xF7A  }
0x26: {  	[smem:$0x3F96] =	sst s1;
	(tag) =	ssettag s2;
	_ =	strace s9  }
0x27: {  	s1 =	sld [smem:$0x3FA6]  }
0x28: {  	s2 =	sld [smem:$0x3FA7]  }
0x29: {  	s4 =	sld [smem:$0x3FA9]  }
0x2a: {  	p0 =	seq.s32 s5, $0x0;
	s5 =	sld [smem:$0x3FAA]  }
0x2b: {  	s6 =	sld [smem:$0x3FAB]  }
0x2c: {  	s7 =	sld [smem:$0x3FAC]  }
0x2d: {  	s3 =	simm.s32 $0x108;
	s8 =	sld [smem:$0x3FAD]  }
0x2e: {  	s3 =	simm.s32 @!p0 $0x1082;
	s9 =	sld [smem:$0x3FAE]  }
0x2f: {  	lr =	sadd.s32 s0, s3;
	s0 =	sld [smem:$0x3FA5]  }
0x30: {  	s3 =	sld [smem:$0x3FA8]  }
0x31: {  	[smem:$0x3FB1] =	sst s10  }
0x32: {  	s10 =	sld [smem:$0x3FAF];
	_ =	sdelay $0x3  }
0x33: {  	p0 =	seq.s32 s10, $0x1;
	s10 =	sld [smem:$0x3FB1];
	_ =	sdelay $0x3  }
0x34: {  	[smem:$0x3FB1] =	sst s10  }
0x35: {  	s10 =	sld [smem:$0x3FB0];
	_ =	sdelay $0x3  }
0x36: {  	p1 =	seq.s32 s10, $0x1;
	s10 =	sld [smem:$0x3FB1];
	_ =	sdelay $0x3  }
0x37: {  	[smem:$0x3FB1] =	sst s10  }
0x38: {  	s10 =	sld [smem:$0x3FB2]  }
0x39: {  	_ = 	snop;
	(pc) =	sbr.ind lr, $3  }
0x3a: {  	_ = 	snop  }
0x3b: {  	_ = 	snop  }
0x3c: {  	p2 =	seq.s32 s10, $0x1;
	s10 =	sld [smem:$0x3FB1]  }
0x3d: {  	_ =	shalt  }
0x3e: {  	_ =	shalt  }
0x3f: {  	_ =	shalt  }
0x40: {  	_ =	shalt  }
0x41: {  	_ =	shalt  }
0x42: {  	_ =	shalt  }
0x43: {  	_ =	shalt  }
0x44: {  	_ =	shalt  }
0x45: {  	_ =	shalt  }
0x46: {  	_ =	shalt  }
0x47: {  	_ =	shalt  }
0x48: {  	_ =	shalt  }
0x49: {  	_ =	shalt  }
0x4a: {  	_ =	shalt  }
0x4b: {  	_ =	shalt  }
0x4c: {  	_ =	shalt  }
0x4d: {  	_ =	shalt  }
0x4e: {  	_ =	shalt  }
0x4f: {  	_ =	shalt  }
0x50: {  	_ =	shalt  }
0x51: {  	_ =	shalt  }
0x52: {  	_ =	shalt  }
0x53: {  	_ =	shalt  }
0x54: {  	_ =	shalt  }
0x55: {  	_ =	shalt  }
0x56: {  	_ =	shalt  }
0x57: {  	_ =	shalt  }
0x58: {  	_ =	shalt  }
0x59: {  	_ =	shalt  }
0x5a: {  	_ =	shalt  }
0x5b: {  	_ =	shalt  }
0x5c: {  	_ =	shalt  }
0x5d: {  	_ =	shalt  }
0x5e: {  	_ =	shalt  }
0x5f: {  	_ =	shalt  }
0x60: {  	_ =	shalt  }
0x61: {  	_ =	shalt  }
0x62: {  	_ =	shalt  }
0x63: {  	_ =	shalt  }
0x64: {  	_ =	shalt  }
0x65: {  	_ =	shalt  }
0x66: {  	_ =	shalt  }
0x67: {  	_ =	shalt  }
0x68: {  	_ =	shalt  }
0x69: {  	_ =	shalt  }
0x6a: {  	_ =	shalt  }
0x6b: {  	_ =	shalt  }
0x6c: {  	_ =	shalt  }
0x6d: {  	_ =	shalt  }
0x6e: {  	_ =	shalt  }
0x6f: {  	_ =	shalt  }
0x70: {  	_ =	shalt  }
0x71: {  	_ =	shalt  }
0x72: {  	_ =	shalt  }
0x73: {  	_ =	shalt  }
0x74: {  	_ =	shalt  }
0x75: {  	_ =	shalt  }
0x76: {  	_ =	shalt  }
0x77: {  	_ =	shalt  }
0x78: {  	_ =	shalt  }
0x79: {  	_ =	shalt  }
0x7a: {  	_ =	shalt  }
0x7b: {  	_ =	shalt  }
0x7c: {  	_ =	shalt  }
0x7d: {  	_ =	shalt  }
0x7e: {  	_ =	shalt  }
0x7f: {  	_ =	shalt  }
0x80: {  	_ =	shalt  }
0x81: {  	_ =	shalt  }
0x82: {  	_ =	shalt  }
0x83: {  	_ =	shalt  }
0x84: {  	_ =	shalt  }
0x85: {  	_ =	shalt  }
0x86: {  	_ =	shalt  }
0x87: {  	_ =	shalt  }
.Lfunc_end0:
.L_simem_size_0:
called_computation.1_lowered:
.L_overlay_start_0:
0x88: {  	s2 =	sld [smem:$0x3FD9]  }
0x89: {  	s3 =	sld [smem:$0x3FFE];
	_ =	sdelay $0x1  }
0x8a: {  	s1 =	srdreg.scid  }
0x8b: {  	s0 =	sand.u32 $0x1, s1  }
0x8c: {  	s17 =	sshll.u32 s0, $0xA;
	s2 =	sadd.s32 s3, s2  }
0x8d: {  	s2 =	sadd.s32 s2, s17  }
0x8e: {  	[smem:$0x3FBD] =	sst s2  }
0x8f: {  	_ = 	snop  }
0x90: {  	s2 =	sld [smem:$0x3FD0];
	(tm) =	ssettm $0x1  }
0x91: {  	s18 =	sld [smem:$0x3FFB];
	_ =	sdelay $0x3  }
0x92: {  	_ =	strace s18  }
0x93: {  	s3 =	sld [smem:$0x3FFC];
	_ =	sdelay $0x3  }
0x94: {  	_ =	strace s3  }
0x95: {  	s3 =	sld [smem:$0x3FFD];
	_ =	sdelay $0x3  }
0x96: {  	_ =	strace s3  }
0x97: {  	_ =	strace $0x8FFFFFFF  }
0x98: {  	s19 =	sld [smem:$0x3FDB];
	_ =	sdelay $0x1  }
0x99: {  	s4 =	simm.s32 $_scs_section_size  }
0x9a: {  	s5 =	simm.s32 $_size__tile_overlayer_lowered;
	s6 =	simm.s32 $_tile_overlayer_lowered  }
0x9b: {  	s22 =	simm.s32 $0x1BFF;
	s21 =	sshll.u32 s6, $0x1;
	s3 =	sadd.s32 s4, s19  }
0x9c: {  	s7 =	simm.s32 $0x0;
	s20 =	sshll.u32 s5, $0x1;
	s5 =	sadd.s32 s21, s3  }
0x9d: {  	[timem:s7], [sflag:s22] =	dma.local [hbm:s5], s20  }
0x9e: {  	_ =	swait.ge [sflag:s22], s20  }
0x9f: {  	s4 =	ssub.s32 $0x0, s20;
	[sflag:s22] =	ssyncset.done $0x0  }
0xa0: {  	[sflag:s22] =	ssyncadd.s32 s4;
	_ =	sdelay $0x1  }
0xa1: {  	s23 =	simm.s32 $0x1B8B  }
0xa2: {  	_ =	swait.ge [sflag:s23], $0x1  }
0xa3: {  	[sflag:s23] =	ssyncset.done $0x0  }
0xa4: {  	s25 =	simm.s32 $0x1B8E;
	s24 =	sld [smem:$0x3FFE];
	[sflag:s23] =	ssyncadd.s32 $0xFFFFFFFF  }
0xa5: {  	s26 =	simm.s32 $execute0_lowered;
	[smem:$0x3FD2] =	sst s25  }
0xa6: {  	s5 =	sshll.u32 s26, $0x1;
	_ =	strace $0x80000046;
	[dreg:$0x1] =	wrdreg $0xFFFFFFFF  }
0xa7: {  	s28 =	simm.s32 $_size_execute0_lowered;
	s3 =	sadd.s32 s3, s5;
	[dreg:$0x0] =	wrdreg $0x0  }
0xa8: {  	s5 =	sshll.u32 s28, $0x1;
	[dreg:$0x2] =	wrdreg s3  }
0xa9: {  	[dreg:$0x3] =	wrdreg s5  }
0xaa: {  	[dreg:$0x4] =	wrdreg $0xC0  }
0xab: {  	_ =	task [dreg:s7], $0x5FFFF  }
0xac: {  	[dreg:$0x1] =	wrdreg $0xFFFFFFFF  }
0xad: {  	[dreg:$0x0] =	wrdreg $0x60  }
0xae: {  	[dreg:$0x2] =	wrdreg s2  }
0xaf: {  	[dreg:$0x3] =	wrdreg s24  }
0xb0: {  	[dreg:$0x4] =	wrdreg $0x82000  }
0xb1: {  	[dreg:$0x5] =	wrdreg $0xA  }
0xb2: {  	_ =	task.clear_ibuf [dreg:s7], $0x6FFFF;
	_ =	strace $0x90000046  }
0xb3: {  	s29 =	simm.s32 $0xA;
	_ =	strace $0x80000048  }
0xb4: {  	_ =	swait.ge [sflag:s29], $0x1  }
0xb5: {  	[sflag:s29] =	ssyncadd.s32 $0xFFFFFFFF  }
0xb6: {  	_ =	strace $0x90000048  }
0xb7: {  	_ =	sfence  }
0xb8: {  	s30 =	sld [smem:$0x0];
	_ =	sdelay $0x2  }
0xb9: {  	s31 =	sshll.u32 s1, $0xD;
	s1 =	sshrl.u32 s1, $0x2  }
0xba: {  	s3 =	sand.u32 $0x4000, s31;
	s1 =	sadd.s32 s1, s30  }
0xbb: {  	s0 =	sor.u32 s3, s0;
	s1 =	sshll.u32 s1, $0x11  }
0xbc: {  	s0 =	sor.u32 s1, s0  }
0xbd: {  	s0 =	sadd.s32 $0x8F2B, s0  }
0xbe: {  	[sflag:s0] =	ssyncadd.remote.s32 $0x1  }
0xbf: {  	_ =	sfence.sel $0xFFFF  }
0xc0: {  	[dreg:$0x0] =	wrdreg $0xFFFFFFFF;
	(pc) =	sbr.abs _section_cstart, $3  }
0xc1: {  	[dreg:$0x1] =	wrdreg $0xFFFFFFFF  }
0xc2: {  	_ =	task.clear_ibuf [dreg:s7], $0x2FFFF;
	_ =	strace $0x9FFFFFFF  }
0xc3: {  	(tm) =	ssettm $0x7FFFFFFF  }
tec
execute0_lowered:
.L_overlay_start_1:
0x0: {  	(tag) =	ssettag $0x1  }
0x1: {  	s1 =	rddreg [dreg:$0x0]  }
0x2: {  	s0 =	rddreg [dreg:$0x1]  }
0x3: {  	s2 =	rddreg [dreg:$0x2];
	s3 =	srdreg.scid  }
0x4: {  	s4 =	simm.s32 $0x0;
	s13 =	stileid.u32;
	s19 =	simm.s32 $0x7  }
0x5: {  	s28 =	simm.s32 $0x3;
	s29 =	simm.s32 $0x4;
	s30 =	simm.s32 $0x5  }
0x6: {  	s31 =	simm.s32 $0x6;
	s3 =	sand.u32 $0x1, s3;
	s9 =	smul.u32 $0x1400, s13  }
0x7: {  	[smem:$0x7FF] =	sst s4;
	s10 =	sadd.s32 $0x17600, s0;
	s11 =	smul.u32 $0x3C00, s13  }
0x8: {  	s12 =	smul.u32 $0x50000, s13;
	s23 =	sshll.u32 s13, $0x6;
	s5 =	sshll.u32 s3, $0x4  }
0x9: {  	_ =	strace $0x80000047;
	s8 =	ssub.s32 $0x2, s3;
	[dreg:$0x4] =	wrdreg s10  }
0xa: {  	p0 =	seq.s32 s3, $0x0;
	s6 =	sor.u32 s13, s5;
	s5 =	sadd.s32 $0xD600, s0  }
0xb: {  	s20 =	sshrl.u32 s8, $0x1;
	s3 =	sadd.s32 $0x3C000, s9;
	s22 =	sshrl.u32 s12, $0x2  }
0xc: {  	s7 =	smul.u32 $0x2800, s6;
	s6 =	sadd.s32 $0x3600, s0;
	s21 =	ssub.s32 s8, s20  }
0xd: {  	s3 =	smov.u32 @p0 s11;
	s18 =	sadd.s32 s22, s2;
	s8 =	sor.u32 $0x1C07, s23  }
0xe: {  	s11 =	simm.s32 $0x3B;
	s20 =	simm.s32 $0x100;
	s22 =	simm.s32 $0x180  }
0xf: {  	s23 =	simm.s32 $0x1;
	s3 =	sshrl.u32 s3, $0x3;
	s11 =	simm.s32 @!p0 $0x13  }
0x10: {  	s15 =	smax.u32 s21, $0x1;
	s18 =	sshrl.u32 s18, $0x3;
	s21 =	simm.s32 $0x80  }
0x11: {  	s0 =	sadd.s32 s7, s0;
	s24 =	sadd.s32 s5, s3;
	s25 =	sadd.s32 s6, s3  }
0x12: {  	s26 =	sor.u32 $0x10, s3;
	s16 =	sor.u32 $0x30, s3;
	[dreg:$0x5] =	wrdreg s24  }
0x13: {  	s17 =	sor.u32 $0x20, s3;
	[dreg:$0x6] =	wrdreg s25;
	s12 =	sadd.s32 s5, s26  }
0x14: {  	s13 =	sadd.s32 s6, s26;
	s14 =	sadd.s32 $0x19E00, s0;
	s24 =	simm.s32 $0x200  }
0x15: {  	s25 =	simm.s32 $0x2;
	s26 =	simm.s32 $0x4200;
	s0 =	simm.s32 $0x0  }
.LBB2_1:
0x16: {  	s3 =	rddreg [dreg:$0x4]  }
0x17: {  	[spmem:s18], [sflag:s8] =	dma.local [hbm:s3], $0x2800  }
0x18: {  	_ =	swait.ge [sflag:s19], $0x2800  }
0x19: {  	[sflag:s19] =	ssyncset.done $0x0  }
0x1a: {  	[sflag:s19] =	ssyncadd.s32 $0xFFFFD800  }
0x1b: {  	[bflag:$0x0] =	sbarrier.arrive $0xFFFF  }
0x1c: {  	s7 =	rddreg [dreg:$0x5]  }
0x1d: {  	[tilespmem:s4], [sflag:$0x1] =	stream.linear.gather [hbm4b:s7+s4], $0x80, $0x38;
	[tilespmem:$0x1C200] =	vst v63  }
0x1e: {  	s9 =	rddreg [dreg:$0x6]  }
0x1f: {  	[tilespmem:s20], [sflag:$0x1] =	stream.linear.gather [hbm4b:s9+s4], $0x80, $0x38;
	[tilespmem:$0x1C200] =	vst v63  }
0x20: {  	_ = 	snop  }
0x21: {  	[tilespmem:s21], [sflag:$0x2] =	stream.linear.gather [hbm4b:s12+s4], $0x80, $0x38;
	[tilespmem:$0x1C200] =	vst v63  }
0x22: {  	_ = 	snop  }
0x23: {  	[tilespmem:s22], [sflag:$0x2] =	stream.linear.gather [hbm4b:s13+s4], $0x80, $0x38;
	[tilespmem:$0x1C200] =	vst v63  }
0x24: {  	_ =	swait.ge [sflag:s23], $0x80  }
0x25: {  	[sflag:s23] =	ssyncset.done $0x0  }
0x26: {  	[sflag:s23] =	ssyncadd.s32 $0xFFFFFF80  }
0x27: {  	_ =	swait.ge [sflag:s23], $0x80  }
0x28: {  	[sflag:s23] =	ssyncset.done $0x0  }
0x29: {  	[sflag:s23] =	ssyncadd.s32 $0xFFFFFF80  }
0x2a: {  	[tilespmem:s24], [sflag:$0x3] =	stream.indirect.gather [hbm4b:s1+s21], $0x80, s4, s21, $0xb8;
	[tilespmem:$0x1C200] =	vst v63  }
0x2b: {  	_ =	swait.ge [sflag:s25], $0x80  }
0x2c: {  	[sflag:s25] =	ssyncset.done $0x0  }
0x2d: {  	[sflag:s25] =	ssyncadd.s32 $0xFFFFFF80  }
0x2e: {  	_ =	swait.ge [sflag:s25], $0x80  }
0x2f: {  	[sflag:s25] =	ssyncset.done $0x0  }
0x30: {  	[sflag:s25] =	ssyncadd.s32 $0xFFFFFF80  }
0x31: {  	[tilespmem:s26], [sflag:$0x4] =	stream.indirect.gather [hbm4b:s1+s21], $0x80, s21, s21, $0xb8;
	[tilespmem:$0x1C200] =	vst v63  }
0x32: {  	_ =	swait.ge [sflag:s28], $0x4000  }
0x33: {  	[sflag:s28] =	ssyncset.done $0x0  }
0x34: {  	[sflag:s28] =	ssyncadd.s32 $0xFFFFC000  }
0x35: {  	[spmem:s2] =	stream.indirect.scatter.add.f32 [tilespmem:s24], [sflag:$0x5], $0x80, s20, s21, $0xb8;
	[tilespmem:$0x1C200] =	vst v63  }
0x36: {  	_ =	swait.ge [sflag:s29], $0x4000  }
0x37: {  	[sflag:s29] =	ssyncset.done $0x0  }
0x38: {  	[sflag:s29] =	ssyncadd.s32 $0xFFFFC000  }
0x39: {  	[spmem:s2] =	stream.indirect.scatter.add.f32 [tilespmem:s26], [sflag:$0x6], $0x80, s22, s21, $0xb8;
	[tilespmem:$0x1C200] =	vst v63  }
0x3a: {  	_ =	swait.ge [sflag:s30], $0x4000  }
0x3b: {  	[sflag:s30] =	ssyncset.done $0x0  }
0x3c: {  	s10 =	sadd.s32 s5, s17;
	[sflag:s30] =	ssyncadd.s32 $0xFFFFC000  }
0x3d: {  	[tilespmem:s4], [sflag:$0x1] =	stream.linear.gather [hbm4b:s10+s4], $0x80, $0x38;
	[tilespmem:$0x1C200] =	vst v63  }
0x3e: {  	s7 =	sadd.s32 s6, s17  }
0x3f: {  	[tilespmem:s20], [sflag:$0x1] =	stream.linear.gather [hbm4b:s7+s4], $0x80, $0x38;
	[tilespmem:$0x1C200] =	vst v63  }
0x40: {  	_ =	swait.ge [sflag:s23], $0x80  }
0x41: {  	[sflag:s23] =	ssyncset.done $0x0  }
0x42: {  	[sflag:s23] =	ssyncadd.s32 $0xFFFFFF80  }
0x43: {  	_ =	swait.ge [sflag:s23], $0x80  }
0x44: {  	[sflag:s23] =	ssyncset.done $0x0  }
0x45: {  	[sflag:s23] =	ssyncadd.s32 $0xFFFFFF80  }
0x46: {  	[tilespmem:s24], [sflag:$0x3] =	stream.indirect.gather [hbm4b:s1+s21], $0x80, s4, s21, $0xb8;
	[tilespmem:$0x1C200] =	vst v63  }
0x47: {  	_ =	swait.ge [sflag:s31], $0x4000  }
0x48: {  	[sflag:s31] =	ssyncset.done $0x0  }
0x49: {  	s9 =	sadd.s32 s5, s16;
	[sflag:s31] =	ssyncadd.s32 $0xFFFFC000  }
0x4a: {  	[tilespmem:s21], [sflag:$0x2] =	stream.linear.gather [hbm4b:s9+s4], $0x80, $0x38;
	[tilespmem:$0x1C200] =	vst v63  }
0x4b: {  	s10 =	sadd.s32 s6, s16  }
0x4c: {  	[tilespmem:s22], [sflag:$0x2] =	stream.linear.gather [hbm4b:s10+s4], $0x80, $0x38;
	[tilespmem:$0x1C200] =	vst v63  }
0x4d: {  	p0 =	sne.s32 s11, $0x1;
	_ =	swait.ge [sflag:s25], $0x80  }
.Ltmp0:
0x4e: {  	[sflag:s25] =	ssyncset.done $0x0;
	(pc) =	sbr.rel @!p0 .LBB2_3-.Ltmp0, $4  }
0x4f: {  	[sflag:s25] =	ssyncadd.s32 $0xFFFFFF80  }
0x50: {  	_ =	swait.ge [sflag:s25], $0x80  }
0x51: {  	s3 =	sadd.s32 $0xFFFFFFFF, s11;
	[sflag:s25] =	ssyncset.done $0x0  }
0x52: {  	s7 =	sadd.s32 $0x20, s6;
	s9 =	sadd.s32 $0x20, s5;
	[sflag:s25] =	ssyncadd.s32 $0xFFFFFF80  }
.LBB2_2:
0x53: {  	[tilespmem:s26], [sflag:$0x4] =	stream.indirect.gather [hbm4b:s1+s21], $0x80, s21, s21, $0xb8;
	[tilespmem:$0x1C200] =	vst v63  }
0x54: {  	p0 =	sne.s32 s3, $0x1;
	s3 =	sadd.s32 $0xFFFFFFFF, s3;
	_ =	swait.ge [sflag:s28], $0x4000  }
0x55: {  	[sflag:s28] =	ssyncset.done $0x0  }
0x56: {  	[sflag:s28] =	ssyncadd.s32 $0xFFFFC000  }
0x57: {  	[spmem:s2] =	stream.indirect.scatter.add.f32 [tilespmem:s24], [sflag:$0x5], $0x80, s20, s21, $0xb8;
	[tilespmem:$0x1C200] =	vst v63  }
0x58: {  	_ =	swait.ge [sflag:s29], $0x4000  }
0x59: {  	[sflag:s29] =	ssyncset.done $0x0  }
0x5a: {  	[sflag:s29] =	ssyncadd.s32 $0xFFFFC000  }
0x5b: {  	[spmem:s2] =	stream.indirect.scatter.add.f32 [tilespmem:s26], [sflag:$0x6], $0x80, s22, s21, $0xb8;
	[tilespmem:$0x1C200] =	vst v63  }
0x5c: {  	_ =	swait.ge [sflag:s30], $0x4000  }
0x5d: {  	[sflag:s30] =	ssyncset.done $0x0  }
0x5e: {  	s10 =	sadd.s32 s9, s17;
	[sflag:s30] =	ssyncadd.s32 $0xFFFFC000  }
0x5f: {  	[tilespmem:s4], [sflag:$0x1] =	stream.linear.gather [hbm4b:s10+s4], $0x80, $0x38;
	[tilespmem:$0x1C200] =	vst v63  }
0x60: {  	s10 =	sadd.s32 s7, s17  }
0x61: {  	[tilespmem:s20], [sflag:$0x1] =	stream.linear.gather [hbm4b:s10+s4], $0x80, $0x38;
	[tilespmem:$0x1C200] =	vst v63  }
0x62: {  	_ =	swait.ge [sflag:s23], $0x80  }
0x63: {  	[sflag:s23] =	ssyncset.done $0x0  }
0x64: {  	[sflag:s23] =	ssyncadd.s32 $0xFFFFFF80  }
0x65: {  	_ =	swait.ge [sflag:s23], $0x80  }
0x66: {  	[sflag:s23] =	ssyncset.done $0x0  }
0x67: {  	[sflag:s23] =	ssyncadd.s32 $0xFFFFFF80  }
0x68: {  	[tilespmem:s24], [sflag:$0x3] =	stream.indirect.gather [hbm4b:s1+s21], $0x80, s4, s21, $0xb8;
	[tilespmem:$0x1C200] =	vst v63  }
0x69: {  	_ =	swait.ge [sflag:s31], $0x4000  }
0x6a: {  	[sflag:s31] =	ssyncset.done $0x0  }
0x6b: {  	s10 =	sadd.s32 s9, s16;
	[sflag:s31] =	ssyncadd.s32 $0xFFFFC000  }
0x6c: {  	[tilespmem:s21], [sflag:$0x2] =	stream.linear.gather [hbm4b:s10+s4], $0x80, $0x38;
	[tilespmem:$0x1C200] =	vst v63  }
0x6d: {  	s10 =	sadd.s32 s7, s16  }
0x6e: {  	[tilespmem:s22], [sflag:$0x2] =	stream.linear.gather [hbm4b:s10+s4], $0x80, $0x38;
	[tilespmem:$0x1C200] =	vst v63  }
0x6f: {  	_ =	swait.ge [sflag:s25], $0x80  }
.Ltmp1:
0x70: {  	[sflag:s25] =	ssyncset.done $0x0;
	(pc) =	sbr.rel @p0 .LBB2_2-.Ltmp1, $4  }
0x71: {  	[sflag:s25] =	ssyncadd.s32 $0xFFFFFF80  }
0x72: {  	_ =	swait.ge [sflag:s25], $0x80  }
0x73: {  	[sflag:s25] =	ssyncset.done $0x0  }
0x74: {  	s9 =	sadd.s32 $0x20, s9;
	s7 =	sadd.s32 $0x20, s7;
	[sflag:s25] =	ssyncadd.s32 $0xFFFFFF80  }
.LBB2_3:
0x75: {  	[tilespmem:s26], [sflag:$0x4] =	stream.indirect.gather [hbm4b:s1+s21], $0x80, s21, s21, $0xb8;
	[tilespmem:$0x1C200] =	vst v63  }
0x76: {  	_ =	swait.ge [sflag:s28], $0x4000  }
0x77: {  	[sflag:s28] =	ssyncset.done $0x0  }
0x78: {  	[sflag:s28] =	ssyncadd.s32 $0xFFFFC000  }
0x79: {  	[spmem:s2] =	stream.indirect.scatter.add.f32 [tilespmem:s24], [sflag:$0x5], $0x80, s20, s21, $0xb8;
	[tilespmem:$0x1C200] =	vst v63  }
0x7a: {  	_ =	swait.ge [sflag:s29], $0x4000  }
0x7b: {  	[sflag:s29] =	ssyncset.done $0x0  }
0x7c: {  	[sflag:s29] =	ssyncadd.s32 $0xFFFFC000  }
0x7d: {  	[spmem:s2] =	stream.indirect.scatter.add.f32 [tilespmem:s26], [sflag:$0x6], $0x80, s22, s21, $0xb8;
	[tilespmem:$0x1C200] =	vst v63  }
0x7e: {  	_ =	swait.ge [sflag:s30], $0x4000  }
0x7f: {  	[sflag:s30] =	ssyncset.done $0x0  }
0x80: {  	[sflag:s30] =	ssyncadd.s32 $0xFFFFC000  }
0x81: {  	_ =	swait.ge [sflag:s31], $0x4000  }
0x82: {  	s0 =	sadd.s32 $0x1, s0;
	[sflag:s31] =	ssyncset.done $0x0  }
0x83: {  	p0 =	sne.s32 s0, s15;
	[sflag:s31] =	ssyncadd.s32 $0xFFFFC000  }
.Ltmp2:
0x84: {  	[bflag:$0x0] =	sbarrier.arrive $0xFFFF;
	(pc) =	sbr.rel @p0 .LBB2_1-.Ltmp2, $4  }
0x85: {  	[hbm:s14], [sflag:s8] =	dma.local [spmem:s18], $0x2800  }
0x86: {  	_ =	swait.ge [sflag:s19], $0x2800  }
0x87: {  	[sflag:s19] =	ssyncset.done $0x0  }
0x88: {  	[sflag:s19] =	ssyncadd.s32 $0xFFFFD800  }
0x89: {  	_ =	sfence.sel $0x180000  }
0x8a: {  	[bflag:$0x0] =	sbarrier.arrive $0xFFFF  }
0x8b: {  	_ =	strace $0x90000047  }
0x8c: {  	s0 =	stileid.u32;
	[bflag:$0x2] =	sbarrier.arrive $0xFFFF  }
0x8d: {  	p0 =	sne.s32 s0, $0x0;
	s0 =	rddreg [dreg:$0x3]  }
0x8e: {  	s0 =	sadd.s32 @!p0 $0x100000, s0  }
0x8f: {  	[sflag:s0] =	ssyncadd.tile.s32 @!p0 $0x1;
	_ =	shalt  }
.Lfunc_end2:
_tile_overlayer_lowered:
.L_overlay_start_2:
0x90: {  	(tag) =	ssettag $0x2  }
0x91: {  	s0 =	rddreg [dreg:$0x0];
	s2 =	stileid.u32  }
0x92: {  	s1 =	rddreg [dreg:$0x1];
	p0 =	sne.s32 s2, $0x0  }
0x93: {  	s3 =	rddreg [dreg:$0x2];
	[bflag:$0x3] =	sbarrier.arrive $0xFFFF;
	s2 =	simm.s32 @!p0 $0x1C07  }
0x94: {  	[timem:s3], [sflag:s2] =	dma.local @!p0 [hbm:s0], s1  }
0x95: {  	s0 =	simm.s32 @!p0 $0x7  }
0x96: {  	_ =	swait.ge @!p0 [sflag:s0], s1  }
0x97: {  	s1 =	ssub.s32 @!p0 $0x0, s1;
	[sflag:s0] =	ssyncset.done @!p0 $0x0  }
0x98: {  	[sflag:s0] =	ssyncadd.s32 @!p0 s1  }
0x99: {  	[bflag:$0x3] =	sbarrier.arrive $0xFFFF  }
0x9a: {  	_ =	shalt  }

// kernel: kernel.16.cloned.1.call-start
scs
__scs_entry_jumppad:
0x0: {  	(pc) =	sbr.rel $0x88, $3  }
0x1: {  	(tag) =	ssettag $0x0;
	lr =	simm.s32 $0x1  }
0x2: {  	[smem:$0x3F96] =	sst lr;
	_ =	strace $0xD0000000  }
0x3: {  	_ = 	snop  }
0x4: {  	_ = 	snop  }
0x5: {  	_ = 	snop  }
0x6: {  	_ = 	snop  }
0x7: {  	_ = 	snop  }
__scs_overlays_trampoline_lowered:
0x8: {  	[smem:$0x3FA5] =	sst s0  }
0x9: {  	[smem:$0x3FA6] =	sst s1  }
0xa: {  	[smem:$0x3FA7] =	sst s2  }
0xb: {  	[smem:$0x3FA8] =	sst s3  }
0xc: {  	[smem:$0x3FA9] =	sst s4  }
0xd: {  	[smem:$0x3FAA] =	sst s5  }
0xe: {  	[smem:$0x3FAB] =	sst s6  }
0xf: {  	[smem:$0x3FAC] =	sst s7  }
0x10: {  	[smem:$0x3FAD] =	sst s8  }
0x11: {  	[smem:$0x3FAE] =	sst s9;
	s0 =	simm.s32 @!p0 $0x0  }
0x12: {  	s1 =	sld [smem:$0x3F94];
	s0 =	simm.s32 @p0 $0x1  }
0x13: {  	[smem:$0x3FAF] =	sst s0;
	s0 =	simm.s32 @!p1 $0x0  }
0x14: {  	s2 =	sld [smem:$0x3F93];
	s0 =	simm.s32 @p1 $0x1  }
0x15: {  	[smem:$0x3FB0] =	sst s0;
	s0 =	simm.s32 @!p2 $0x0  }
0x16: {  	s3 =	sld [smem:$0x3FDB];
	s0 =	simm.s32 @p2 $0x1  }
0x17: {  	s4 =	simm.s32 $0x1BF5;
	[smem:$0x3FB2] =	sst s0  }
0x18: {  	s0 =	sld [smem:$0x3F95];
	_ =	swait.ge [sflag:s4], $0x0  }
0x19: {  	s7 =	sld [smem:$0x3F96]  }
0x1a: {  	s8 =	sadd.s32 $0xFFFFE003, lr  }
0x1b: {  	s9 =	sadd.s32 $0xFFFFFEF7, lr;
	s5 =	simm.s32 $0xFFFFFFFF;
	p2 =	slt.u32 s8, $0xFFFFF086  }
0x1c: {  	p1 =	slt.u32 s9, $0xF7A;
	s5 =	simm.s32 @!p2 $0x0  }
0x1d: {  	s5 =	simm.s32 @p1 $0x1;
	p0 =	seq.s32 s7, s2  }
0x1e: {  	s7 =	smul.u32 @!p0 $0xF7A, s2;
	p2 =	seq.s32 @!p0 s5, $0x0  }
0x1f: {  	s9 =	smul.u32 $0xF7A, s1;
	s8 =	simm.s32 @!p0 $0x1BF5;
	p2 =	por !p2, p0  }
0x20: {  	[sflag:s8] =	ssyncset.s32 @!p0 $0xFFFFF086;
	s6 =	sadd.s32 @!p0 s3, s7;
	s7 =	simm.s32 @!p0 $0x108  }
0x21: {  	s3 =	sadd.s32 s3, s9;
	s6 =	sadd.s32 @!p0 $0x88, s6;
	s7 =	simm.s32 @p2 $0x1082  }
0x22: {  	[simem:s7], [sflag:s8] =	dma.local @!p0 [hbm:s6], $0xF7A  }
0x23: {  	s9 =	sor.u32 $0xD0000000, s2;
	s6 =	simm.s32 $0x108;
	_ =	swait.ge @!p0 [sflag:s8], $0x0  }
0x24: {  	s3 =	sadd.s32 $0x88, s3;
	s6 =	simm.s32 @!p1 $0x1082;
	[sflag:s4] =	ssyncset.s32 $0xFFFFF086  }
0x25: {  	[simem:s6], [sflag:s4] =	dma.local [hbm:s3], $0xF7A  }
0x26: {  	[smem:$0x3F96] =	sst s1;
	(tag) =	ssettag s2;
	_ =	strace s9  }
0x27: {  	s1 =	sld [smem:$0x3FA6]  }
0x28: {  	s2 =	sld [smem:$0x3FA7]  }
0x29: {  	s4 =	sld [smem:$0x3FA9]  }
0x2a: {  	p0 =	seq.s32 s5, $0x0;
	s5 =	sld [smem:$0x3FAA]  }
0x2b: {  	s6 =	sld [smem:$0x3FAB]  }
0x2c: {  	s7 =	sld [smem:$0x3FAC]  }
0x2d: {  	s3 =	simm.s32 $0x108;
	s8 =	sld [smem:$0x3FAD]  }
0x2e: {  	s3 =	simm.s32 @!p0 $0x1082;
	s9 =	sld [smem:$0x3FAE]  }
0x2f: {  	lr =	sadd.s32 s0, s3;
	s0 =	sld [smem:$0x3FA5]  }
0x30: {  	s3 =	sld [smem:$0x3FA8]  }
0x31: {  	[smem:$0x3FB1] =	sst s10  }
0x32: {  	s10 =	sld [smem:$0x3FAF];
	_ =	sdelay $0x3  }
0x33: {  	p0 =	seq.s32 s10, $0x1;
	s10 =	sld [smem:$0x3FB1];
	_ =	sdelay $0x3  }
0x34: {  	[smem:$0x3FB1] =	sst s10  }
0x35: {  	s10 =	sld [smem:$0x3FB0];
	_ =	sdelay $0x3  }
0x36: {  	p1 =	seq.s32 s10, $0x1;
	s10 =	sld [smem:$0x3FB1];
	_ =	sdelay $0x3  }
0x37: {  	[smem:$0x3FB1] =	sst s10  }
0x38: {  	s10 =	sld [smem:$0x3FB2]  }
0x39: {  	_ = 	snop;
	(pc) =	sbr.ind lr, $3  }
0x3a: {  	_ = 	snop  }
0x3b: {  	_ = 	snop  }
0x3c: {  	p2 =	seq.s32 s10, $0x1;
	s10 =	sld [smem:$0x3FB1]  }
0x3d: {  	_ =	shalt  }
0x3e: {  	_ =	shalt  }
0x3f: {  	_ =	shalt  }
0x40: {  	_ =	shalt  }
0x41: {  	_ =	shalt  }
0x42: {  	_ =	shalt  }
0x43: {  	_ =	shalt  }
0x44: {  	_ =	shalt  }
0x45: {  	_ =	shalt  }
0x46: {  	_ =	shalt  }
0x47: {  	_ =	shalt  }
0x48: {  	_ =	shalt  }
0x49: {  	_ =	shalt  }
0x4a: {  	_ =	shalt  }
0x4b: {  	_ =	shalt  }
0x4c: {  	_ =	shalt  }
0x4d: {  	_ =	shalt  }
0x4e: {  	_ =	shalt  }
0x4f: {  	_ =	shalt  }
0x50: {  	_ =	shalt  }
0x51: {  	_ =	shalt  }
0x52: {  	_ =	shalt  }
0x53: {  	_ =	shalt  }
0x54: {  	_ =	shalt  }
0x55: {  	_ =	shalt  }
0x56: {  	_ =	shalt  }
0x57: {  	_ =	shalt  }
0x58: {  	_ =	shalt  }
0x59: {  	_ =	shalt  }
0x5a: {  	_ =	shalt  }
0x5b: {  	_ =	shalt  }
0x5c: {  	_ =	shalt  }
0x5d: {  	_ =	shalt  }
0x5e: {  	_ =	shalt  }
0x5f: {  	_ =	shalt  }
0x60: {  	_ =	shalt  }
0x61: {  	_ =	shalt  }
0x62: {  	_ =	shalt  }
0x63: {  	_ =	shalt  }
0x64: {  	_ =	shalt  }
0x65: {  	_ =	shalt  }
0x66: {  	_ =	shalt  }
0x67: {  	_ =	shalt  }
0x68: {  	_ =	shalt  }
0x69: {  	_ =	shalt  }
0x6a: {  	_ =	shalt  }
0x6b: {  	_ =	shalt  }
0x6c: {  	_ =	shalt  }
0x6d: {  	_ =	shalt  }
0x6e: {  	_ =	shalt  }
0x6f: {  	_ =	shalt  }
0x70: {  	_ =	shalt  }
0x71: {  	_ =	shalt  }
0x72: {  	_ =	shalt  }
0x73: {  	_ =	shalt  }
0x74: {  	_ =	shalt  }
0x75: {  	_ =	shalt  }
0x76: {  	_ =	shalt  }
0x77: {  	_ =	shalt  }
0x78: {  	_ =	shalt  }
0x79: {  	_ =	shalt  }
0x7a: {  	_ =	shalt  }
0x7b: {  	_ =	shalt  }
0x7c: {  	_ =	shalt  }
0x7d: {  	_ =	shalt  }
0x7e: {  	_ =	shalt  }
0x7f: {  	_ =	shalt  }
0x80: {  	_ =	shalt  }
0x81: {  	_ =	shalt  }
0x82: {  	_ =	shalt  }
0x83: {  	_ =	shalt  }
0x84: {  	_ =	shalt  }
0x85: {  	_ =	shalt  }
0x86: {  	_ =	shalt  }
0x87: {  	_ =	shalt  }
.Lfunc_end0:
.L_simem_size_0:
called_computation.2_lowered:
.L_overlay_start_0:
0x88: {  	s2 =	sld [smem:$0x3FD9]  }
0x89: {  	s3 =	sld [smem:$0x3FFE];
	_ =	sdelay $0x1  }
0x8a: {  	s1 =	srdreg.scid  }
0x8b: {  	s0 =	sand.u32 $0x1, s1  }
0x8c: {  	s17 =	sshll.u32 s0, $0xA;
	s2 =	sadd.s32 s3, s2  }
0x8d: {  	s2 =	sadd.s32 s2, s17  }
0x8e: {  	[smem:$0x3FBD] =	sst s2  }
0x8f: {  	_ = 	snop  }
0x90: {  	s2 =	sld [smem:$0x3FD0];
	(tm) =	ssettm $0x1  }
0x91: {  	s18 =	sld [smem:$0x3FFB];
	_ =	sdelay $0x3  }
0x92: {  	_ =	strace s18  }
0x93: {  	s3 =	sld [smem:$0x3FFC];
	_ =	sdelay $0x3  }
0x94: {  	_ =	strace s3  }
0x95: {  	s3 =	sld [smem:$0x3FFD];
	_ =	sdelay $0x3  }
0x96: {  	_ =	strace s3  }
0x97: {  	_ =	strace $0x8FFFFFFF  }
0x98: {  	s19 =	sld [smem:$0x3FDB];
	_ =	sdelay $0x1  }
0x99: {  	s4 =	simm.s32 $_scs_section_size  }
0x9a: {  	s5 =	simm.s32 $_size__tile_overlayer_lowered;
	s6 =	simm.s32 $_tile_overlayer_lowered  }
0x9b: {  	s22 =	simm.s32 $0x1BFF;
	s21 =	sshll.u32 s6, $0x1;
	s3 =	sadd.s32 s4, s19  }
0x9c: {  	s7 =	simm.s32 $0x0;
	s20 =	sshll.u32 s5, $0x1;
	s5 =	sadd.s32 s21, s3  }
0x9d: {  	[timem:s7], [sflag:s22] =	dma.local [hbm:s5], s20  }
0x9e: {  	_ =	swait.ge [sflag:s22], s20  }
0x9f: {  	s4 =	ssub.s32 $0x0, s20;
	[sflag:s22] =	ssyncset.done $0x0  }
0xa0: {  	[sflag:s22] =	ssyncadd.s32 s4;
	_ =	sdelay $0x1  }
0xa1: {  	s23 =	simm.s32 $0x1B8B  }
0xa2: {  	_ =	swait.ge [sflag:s23], $0x1  }
0xa3: {  	[sflag:s23] =	ssyncset.done $0x0  }
0xa4: {  	s25 =	simm.s32 $0x1B8E;
	s24 =	sld [smem:$0x3FFE];
	[sflag:s23] =	ssyncadd.s32 $0xFFFFFFFF  }
0xa5: {  	s26 =	simm.s32 $execute0_lowered;
	[smem:$0x3FD2] =	sst s25  }
0xa6: {  	s5 =	sshll.u32 s26, $0x1;
	_ =	strace $0x8000004C;
	[dreg:$0x1] =	wrdreg $0xFFFFFFFF  }
0xa7: {  	s28 =	simm.s32 $_size_execute0_lowered;
	s3 =	sadd.s32 s3, s5;
	[dreg:$0x0] =	wrdreg $0x0  }
0xa8: {  	s5 =	sshll.u32 s28, $0x1;
	[dreg:$0x2] =	wrdreg s3  }
0xa9: {  	[dreg:$0x3] =	wrdreg s5  }
0xaa: {  	[dreg:$0x4] =	wrdreg $0xC0  }
0xab: {  	_ =	task [dreg:s7], $0x5FFFF  }
0xac: {  	[dreg:$0x1] =	wrdreg $0xFFFFFFFF  }
0xad: {  	[dreg:$0x0] =	wrdreg $0x60  }
0xae: {  	[dreg:$0x2] =	wrdreg s2  }
0xaf: {  	[dreg:$0x3] =	wrdreg s24  }
0xb0: {  	[dreg:$0x4] =	wrdreg $0x82000  }
0xb1: {  	[dreg:$0x5] =	wrdreg $0x9  }
0xb2: {  	_ =	task.clear_ibuf [dreg:s7], $0x6FFFF;
	_ =	strace $0x9000004C  }
0xb3: {  	s29 =	simm.s32 $0x9;
	_ =	strace $0x8000004E  }
0xb4: {  	_ =	swait.ge [sflag:s29], $0x1  }
0xb5: {  	[sflag:s29] =	ssyncadd.s32 $0xFFFFFFFF  }
0xb6: {  	_ =	strace $0x9000004E  }
0xb7: {  	_ =	sfence  }
0xb8: {  	s30 =	sld [smem:$0x0];
	_ =	sdelay $0x2  }
0xb9: {  	s31 =	sshll.u32 s1, $0xD;
	s1 =	sshrl.u32 s1, $0x2  }
0xba: {  	s3 =	sand.u32 $0x4000, s31;
	s1 =	sadd.s32 s1, s30  }
0xbb: {  	s0 =	sor.u32 s3, s0;
	s1 =	sshll.u32 s1, $0x11  }
0xbc: {  	s0 =	sor.u32 s1, s0  }
0xbd: {  	s0 =	sadd.s32 $0x8F2B, s0  }
0xbe: {  	[sflag:s0] =	ssyncadd.remote.s32 $0x1  }
0xbf: {  	_ =	sfence.sel $0xFFFF  }
0xc0: {  	[dreg:$0x0] =	wrdreg $0xFFFFFFFF;
	(pc) =	sbr.abs _section_cstart, $3  }
0xc1: {  	[dreg:$0x1] =	wrdreg $0xFFFFFFFF  }
0xc2: {  	_ =	task.clear_ibuf [dreg:s7], $0x2FFFF;
	_ =	strace $0x9FFFFFFF  }
0xc3: {  	(tm) =	ssettm $0x7FFFFFFF  }
tec
execute0_lowered:
.L_overlay_start_1:
0x0: {  	(tag) =	ssettag $0x1  }
0x1: {  	s1 =	rddreg [dreg:$0x0]  }
0x2: {  	s0 =	rddreg [dreg:$0x1]  }
0x3: {  	s2 =	rddreg [dreg:$0x2];
	s3 =	srdreg.scid  }
0x4: {  	s4 =	simm.s32 $0x0;
	s13 =	stileid.u32;
	s19 =	simm.s32 $0x7  }
0x5: {  	s28 =	simm.s32 $0x3;
	s29 =	simm.s32 $0x4;
	s30 =	simm.s32 $0x5  }
0x6: {  	s31 =	simm.s32 $0x6;
	s3 =	sand.u32 $0x1, s3;
	s9 =	smul.u32 $0x1400, s13  }
0x7: {  	[smem:$0x7FF] =	sst s4;
	s10 =	sadd.s32 $0x17600, s0;
	s11 =	smul.u32 $0x3C00, s13  }
0x8: {  	s12 =	smul.u32 $0x50000, s13;
	s23 =	sshll.u32 s13, $0x6;
	s5 =	sshll.u32 s3, $0x4  }
0x9: {  	_ =	strace $0x8000004D;
	s8 =	ssub.s32 $0x2, s3;
	[dreg:$0x4] =	wrdreg s10  }
0xa: {  	p0 =	seq.s32 s3, $0x0;
	s6 =	sor.u32 s13, s5;
	s5 =	sadd.s32 $0xD600, s0  }
0xb: {  	s20 =	sshrl.u32 s8, $0x1;
	s3 =	sadd.s32 $0x3C000, s9;
	s22 =	sshrl.u32 s12, $0x2  }
0xc: {  	s7 =	smul.u32 $0x2800, s6;
	s6 =	sadd.s32 $0x3600, s0;
	s21 =	ssub.s32 s8, s20  }
0xd: {  	s3 =	smov.u32 @p0 s11;
	s18 =	sadd.s32 s22, s2;
	s8 =	sor.u32 $0x1C07, s23  }
0xe: {  	s11 =	simm.s32 $0x3B;
	s20 =	simm.s32 $0x100;
	s22 =	simm.s32 $0x180  }
0xf: {  	s23 =	simm.s32 $0x1;
	s3 =	sshrl.u32 s3, $0x3;
	s11 =	simm.s32 @!p0 $0x13  }
0x10: {  	s15 =	smax.u32 s21, $0x1;
	s18 =	sshrl.u32 s18, $0x3;
	s21 =	simm.s32 $0x80  }
0x11: {  	s0 =	sadd.s32 s7, s0;
	s24 =	sadd.s32 s5, s3;
	s25 =	sadd.s32 s6, s3  }
0x12: {  	s26 =	sor.u32 $0x10, s3;
	s16 =	sor.u32 $0x30, s3;
	[dreg:$0x5] =	wrdreg s24  }
0x13: {  	s17 =	sor.u32 $0x20, s3;
	[dreg:$0x6] =	wrdreg s25;
	s12 =	sadd.s32 s5, s26  }
0x14: {  	s13 =	sadd.s32 s6, s26;
	s14 =	sadd.s32 $0x41E00, s0;
	s24 =	simm.s32 $0x200  }
0x15: {  	s25 =	simm.s32 $0x2;
	s26 =	simm.s32 $0x4200;
	s0 =	simm.s32 $0x0  }
.LBB2_1:
0x16: {  	s3 =	rddreg [dreg:$0x4]  }
0x17: {  	[spmem:s18], [sflag:s8] =	dma.local [hbm:s3], $0x2800  }
0x18: {  	_ =	swait.ge [sflag:s19], $0x2800  }
0x19: {  	[sflag:s19] =	ssyncset.done $0x0  }
0x1a: {  	[sflag:s19] =	ssyncadd.s32 $0xFFFFD800  }
0x1b: {  	[bflag:$0x0] =	sbarrier.arrive $0xFFFF  }
0x1c: {  	s7 =	rddreg [dreg:$0x5]  }
0x1d: {  	[tilespmem:s4], [sflag:$0x1] =	stream.linear.gather [hbm4b:s7+s4], $0x80, $0x38;
	[tilespmem:$0x1C200] =	vst v63  }
0x1e: {  	s9 =	rddreg [dreg:$0x6]  }
0x1f: {  	[tilespmem:s20], [sflag:$0x1] =	stream.linear.gather [hbm4b:s9+s4], $0x80, $0x38;
	[tilespmem:$0x1C200] =	vst v63  }
0x20: {  	_ = 	snop  }
0x21: {  	[tilespmem:s21], [sflag:$0x2] =	stream.linear.gather [hbm4b:s12+s4], $0x80, $0x38;
	[tilespmem:$0x1C200] =	vst v63  }
0x22: {  	_ = 	snop  }
0x23: {  	[tilespmem:s22], [sflag:$0x2] =	stream.linear.gather [hbm4b:s13+s4], $0x80, $0x38;
	[tilespmem:$0x1C200] =	vst v63  }
0x24: {  	_ =	swait.ge [sflag:s23], $0x80  }
0x25: {  	[sflag:s23] =	ssyncset.done $0x0  }
0x26: {  	[sflag:s23] =	ssyncadd.s32 $0xFFFFFF80  }
0x27: {  	_ =	swait.ge [sflag:s23], $0x80  }
0x28: {  	[sflag:s23] =	ssyncset.done $0x0  }
0x29: {  	[sflag:s23] =	ssyncadd.s32 $0xFFFFFF80  }
0x2a: {  	[tilespmem:s24], [sflag:$0x3] =	stream.indirect.gather [hbm4b:s1+s21], $0x80, s4, s21, $0xb8;
	[tilespmem:$0x1C200] =	vst v63  }
0x2b: {  	_ =	swait.ge [sflag:s25], $0x80  }
0x2c: {  	[sflag:s25] =	ssyncset.done $0x0  }
0x2d: {  	[sflag:s25] =	ssyncadd.s32 $0xFFFFFF80  }
0x2e: {  	_ =	swait.ge [sflag:s25], $0x80  }
0x2f: {  	[sflag:s25] =	ssyncset.done $0x0  }
0x30: {  	[sflag:s25] =	ssyncadd.s32 $0xFFFFFF80  }
0x31: {  	[tilespmem:s26], [sflag:$0x4] =	stream.indirect.gather [hbm4b:s1+s21], $0x80, s21, s21, $0xb8;
	[tilespmem:$0x1C200] =	vst v63  }
0x32: {  	_ =	swait.ge [sflag:s28], $0x4000  }
0x33: {  	[sflag:s28] =	ssyncset.done $0x0  }
0x34: {  	[sflag:s28] =	ssyncadd.s32 $0xFFFFC000  }
0x35: {  	[spmem:s2] =	stream.indirect.scatter.add.f32 [tilespmem:s24], [sflag:$0x5], $0x80, s20, s21, $0xb8;
	[tilespmem:$0x1C200] =	vst v63  }
0x36: {  	_ =	swait.ge [sflag:s29], $0x4000  }
0x37: {  	[sflag:s29] =	ssyncset.done $0x0  }
0x38: {  	[sflag:s29] =	ssyncadd.s32 $0xFFFFC000  }
0x39: {  	[spmem:s2] =	stream.indirect.scatter.add.f32 [tilespmem:s26], [sflag:$0x6], $0x80, s22, s21, $0xb8;
	[tilespmem:$0x1C200] =	vst v63  }
0x3a: {  	_ =	swait.ge [sflag:s30], $0x4000  }
0x3b: {  	[sflag:s30] =	ssyncset.done $0x0  }
0x3c: {  	s10 =	sadd.s32 s5, s17;
	[sflag:s30] =	ssyncadd.s32 $0xFFFFC000  }
0x3d: {  	[tilespmem:s4], [sflag:$0x1] =	stream.linear.gather [hbm4b:s10+s4], $0x80, $0x38;
	[tilespmem:$0x1C200] =	vst v63  }
0x3e: {  	s7 =	sadd.s32 s6, s17  }
0x3f: {  	[tilespmem:s20], [sflag:$0x1] =	stream.linear.gather [hbm4b:s7+s4], $0x80, $0x38;
	[tilespmem:$0x1C200] =	vst v63  }
0x40: {  	_ =	swait.ge [sflag:s23], $0x80  }
0x41: {  	[sflag:s23] =	ssyncset.done $0x0  }
0x42: {  	[sflag:s23] =	ssyncadd.s32 $0xFFFFFF80  }
0x43: {  	_ =	swait.ge [sflag:s23], $0x80  }
0x44: {  	[sflag:s23] =	ssyncset.done $0x0  }
0x45: {  	[sflag:s23] =	ssyncadd.s32 $0xFFFFFF80  }
0x46: {  	[tilespmem:s24], [sflag:$0x3] =	stream.indirect.gather [hbm4b:s1+s21], $0x80, s4, s21, $0xb8;
	[tilespmem:$0x1C200] =	vst v63  }
0x47: {  	_ =	swait.ge [sflag:s31], $0x4000  }
0x48: {  	[sflag:s31] =	ssyncset.done $0x0  }
0x49: {  	s9 =	sadd.s32 s5, s16;
	[sflag:s31] =	ssyncadd.s32 $0xFFFFC000  }
0x4a: {  	[tilespmem:s21], [sflag:$0x2] =	stream.linear.gather [hbm4b:s9+s4], $0x80, $0x38;
	[tilespmem:$0x1C200] =	vst v63  }
0x4b: {  	s10 =	sadd.s32 s6, s16  }
0x4c: {  	[tilespmem:s22], [sflag:$0x2] =	stream.linear.gather [hbm4b:s10+s4], $0x80, $0x38;
	[tilespmem:$0x1C200] =	vst v63  }
0x4d: {  	p0 =	sne.s32 s11, $0x1;
	_ =	swait.ge [sflag:s25], $0x80  }
.Ltmp0:
0x4e: {  	[sflag:s25] =	ssyncset.done $0x0;
	(pc) =	sbr.rel @!p0 .LBB2_3-.Ltmp0, $4  }
0x4f: {  	[sflag:s25] =	ssyncadd.s32 $0xFFFFFF80  }
0x50: {  	_ =	swait.ge [sflag:s25], $0x80  }
0x51: {  	s3 =	sadd.s32 $0xFFFFFFFF, s11;
	[sflag:s25] =	ssyncset.done $0x0  }
0x52: {  	s7 =	sadd.s32 $0x20, s6;
	s9 =	sadd.s32 $0x20, s5;
	[sflag:s25] =	ssyncadd.s32 $0xFFFFFF80  }
.LBB2_2:
0x53: {  	[tilespmem:s26], [sflag:$0x4] =	stream.indirect.gather [hbm4b:s1+s21], $0x80, s21, s21, $0xb8;
	[tilespmem:$0x1C200] =	vst v63  }
0x54: {  	p0 =	sne.s32 s3, $0x1;
	s3 =	sadd.s32 $0xFFFFFFFF, s3;
	_ =	swait.ge [sflag:s28], $0x4000  }
0x55: {  	[sflag:s28] =	ssyncset.done $0x0  }
0x56: {  	[sflag:s28] =	ssyncadd.s32 $0xFFFFC000  }
0x57: {  	[spmem:s2] =	stream.indirect.scatter.add.f32 [tilespmem:s24], [sflag:$0x5], $0x80, s20, s21, $0xb8;
	[tilespmem:$0x1C200] =	vst v63  }
0x58: {  	_ =	swait.ge [sflag:s29], $0x4000  }
0x59: {  	[sflag:s29] =	ssyncset.done $0x0  }
0x5a: {  	[sflag:s29] =	ssyncadd.s32 $0xFFFFC000  }
0x5b: {  	[spmem:s2] =	stream.indirect.scatter.add.f32 [tilespmem:s26], [sflag:$0x6], $0x80, s22, s21, $0xb8;
	[tilespmem:$0x1C200] =	vst v63  }
0x5c: {  	_ =	swait.ge [sflag:s30], $0x4000  }
0x5d: {  	[sflag:s30] =	ssyncset.done $0x0  }
0x5e: {  	s10 =	sadd.s32 s9, s17;
	[sflag:s30] =	ssyncadd.s32 $0xFFFFC000  }
0x5f: {  	[tilespmem:s4], [sflag:$0x1] =	stream.linear.gather [hbm4b:s10+s4], $0x80, $0x38;
	[tilespmem:$0x1C200] =	vst v63  }
0x60: {  	s10 =	sadd.s32 s7, s17  }
0x61: {  	[tilespmem:s20], [sflag:$0x1] =	stream.linear.gather [hbm4b:s10+s4], $0x80, $0x38;
	[tilespmem:$0x1C200] =	vst v63  }
0x62: {  	_ =	swait.ge [sflag:s23], $0x80  }
0x63: {  	[sflag:s23] =	ssyncset.done $0x0  }
0x64: {  	[sflag:s23] =	ssyncadd.s32 $0xFFFFFF80  }
0x65: {  	_ =	swait.ge [sflag:s23], $0x80  }
0x66: {  	[sflag:s23] =	ssyncset.done $0x0  }
0x67: {  	[sflag:s23] =	ssyncadd.s32 $0xFFFFFF80  }
0x68: {  	[tilespmem:s24], [sflag:$0x3] =	stream.indirect.gather [hbm4b:s1+s21], $0x80, s4, s21, $0xb8;
	[tilespmem:$0x1C200] =	vst v63  }
0x69: {  	_ =	swait.ge [sflag:s31], $0x4000  }
0x6a: {  	[sflag:s31] =	ssyncset.done $0x0  }
0x6b: {  	s10 =	sadd.s32 s9, s16;
	[sflag:s31] =	ssyncadd.s32 $0xFFFFC000  }
0x6c: {  	[tilespmem:s21], [sflag:$0x2] =	stream.linear.gather [hbm4b:s10+s4], $0x80, $0x38;
	[tilespmem:$0x1C200] =	vst v63  }
0x6d: {  	s10 =	sadd.s32 s7, s16  }
0x6e: {  	[tilespmem:s22], [sflag:$0x2] =	stream.linear.gather [hbm4b:s10+s4], $0x80, $0x38;
	[tilespmem:$0x1C200] =	vst v63  }
0x6f: {  	_ =	swait.ge [sflag:s25], $0x80  }
.Ltmp1:
0x70: {  	[sflag:s25] =	ssyncset.done $0x0;
	(pc) =	sbr.rel @p0 .LBB2_2-.Ltmp1, $4  }
0x71: {  	[sflag:s25] =	ssyncadd.s32 $0xFFFFFF80  }
0x72: {  	_ =	swait.ge [sflag:s25], $0x80  }
0x73: {  	[sflag:s25] =	ssyncset.done $0x0  }
0x74: {  	s9 =	sadd.s32 $0x20, s9;
	s7 =	sadd.s32 $0x20, s7;
	[sflag:s25] =	ssyncadd.s32 $0xFFFFFF80  }
.LBB2_3:
0x75: {  	[tilespmem:s26], [sflag:$0x4] =	stream.indirect.gather [hbm4b:s1+s21], $0x80, s21, s21, $0xb8;
	[tilespmem:$0x1C200] =	vst v63  }
0x76: {  	_ =	swait.ge [sflag:s28], $0x4000  }
0x77: {  	[sflag:s28] =	ssyncset.done $0x0  }
0x78: {  	[sflag:s28] =	ssyncadd.s32 $0xFFFFC000  }
0x79: {  	[spmem:s2] =	stream.indirect.scatter.add.f32 [tilespmem:s24], [sflag:$0x5], $0x80, s20, s21, $0xb8;
	[tilespmem:$0x1C200] =	vst v63  }
0x7a: {  	_ =	swait.ge [sflag:s29], $0x4000  }
0x7b: {  	[sflag:s29] =	ssyncset.done $0x0  }
0x7c: {  	[sflag:s29] =	ssyncadd.s32 $0xFFFFC000  }
0x7d: {  	[spmem:s2] =	stream.indirect.scatter.add.f32 [tilespmem:s26], [sflag:$0x6], $0x80, s22, s21, $0xb8;
	[tilespmem:$0x1C200] =	vst v63  }
0x7e: {  	_ =	swait.ge [sflag:s30], $0x4000  }
0x7f: {  	[sflag:s30] =	ssyncset.done $0x0  }
0x80: {  	[sflag:s30] =	ssyncadd.s32 $0xFFFFC000  }
0x81: {  	_ =	swait.ge [sflag:s31], $0x4000  }
0x82: {  	s0 =	sadd.s32 $0x1, s0;
	[sflag:s31] =	ssyncset.done $0x0  }
0x83: {  	p0 =	sne.s32 s0, s15;
	[sflag:s31] =	ssyncadd.s32 $0xFFFFC000  }
.Ltmp2:
0x84: {  	[bflag:$0x0] =	sbarrier.arrive $0xFFFF;
	(pc) =	sbr.rel @p0 .LBB2_1-.Ltmp2, $4  }
0x85: {  	[hbm:s14], [sflag:s8] =	dma.local [spmem:s18], $0x2800  }
0x86: {  	_ =	swait.ge [sflag:s19], $0x2800  }
0x87: {  	[sflag:s19] =	ssyncset.done $0x0  }
0x88: {  	[sflag:s19] =	ssyncadd.s32 $0xFFFFD800  }
0x89: {  	_ =	sfence.sel $0x180000  }
0x8a: {  	[bflag:$0x0] =	sbarrier.arrive $0xFFFF  }
0x8b: {  	_ =	strace $0x9000004D  }
0x8c: {  	s0 =	stileid.u32;
	[bflag:$0x2] =	sbarrier.arrive $0xFFFF  }
0x8d: {  	p0 =	sne.s32 s0, $0x0;
	s0 =	rddreg [dreg:$0x3]  }
0x8e: {  	s0 =	sadd.s32 @!p0 $0x100000, s0  }
0x8f: {  	[sflag:s0] =	ssyncadd.tile.s32 @!p0 $0x1;
	_ =	shalt  }
.Lfunc_end2:
_tile_overlayer_lowered:
.L_overlay_start_2:
0x90: {  	(tag) =	ssettag $0x2  }
0x91: {  	s0 =	rddreg [dreg:$0x0];
	s2 =	stileid.u32  }
0x92: {  	s1 =	rddreg [dreg:$0x1];
	p0 =	sne.s32 s2, $0x0  }
0x93: {  	s3 =	rddreg [dreg:$0x2];
	[bflag:$0x3] =	sbarrier.arrive $0xFFFF;
	s2 =	simm.s32 @!p0 $0x1C07  }
0x94: {  	[timem:s3], [sflag:s2] =	dma.local @!p0 [hbm:s0], s1  }
0x95: {  	s0 =	simm.s32 @!p0 $0x7  }
0x96: {  	_ =	swait.ge @!p0 [sflag:s0], s1  }
0x97: {  	s1 =	ssub.s32 @!p0 $0x0, s1;
	[sflag:s0] =	ssyncset.done @!p0 $0x0  }
0x98: {  	[sflag:s0] =	ssyncadd.s32 @!p0 s1  }
0x99: {  	[bflag:$0x3] =	sbarrier.arrive $0xFFFF  }
0x9a: {  	_ =	shalt  }

// kernel: kernel.19.cloned.1.call-start
scs
__scs_entry_jumppad:
0x0: {  	(pc) =	sbr.rel $0x88, $3  }
0x1: {  	(tag) =	ssettag $0x0;
	lr =	simm.s32 $0x1  }
0x2: {  	[smem:$0x3F96] =	sst lr;
	_ =	strace $0xD0000000  }
0x3: {  	_ = 	snop  }
0x4: {  	_ = 	snop  }
0x5: {  	_ = 	snop  }
0x6: {  	_ = 	snop  }
0x7: {  	_ = 	snop  }
__scs_overlays_trampoline_lowered:
0x8: {  	[smem:$0x3FA5] =	sst s0  }
0x9: {  	[smem:$0x3FA6] =	sst s1  }
0xa: {  	[smem:$0x3FA7] =	sst s2  }
0xb: {  	[smem:$0x3FA8] =	sst s3  }
0xc: {  	[smem:$0x3FA9] =	sst s4  }
0xd: {  	[smem:$0x3FAA] =	sst s5  }
0xe: {  	[smem:$0x3FAB] =	sst s6  }
0xf: {  	[smem:$0x3FAC] =	sst s7  }
0x10: {  	[smem:$0x3FAD] =	sst s8  }
0x11: {  	[smem:$0x3FAE] =	sst s9;
	s0 =	simm.s32 @!p0 $0x0  }
0x12: {  	s1 =	sld [smem:$0x3F94];
	s0 =	simm.s32 @p0 $0x1  }
0x13: {  	[smem:$0x3FAF] =	sst s0;
	s0 =	simm.s32 @!p1 $0x0  }
0x14: {  	s2 =	sld [smem:$0x3F93];
	s0 =	simm.s32 @p1 $0x1  }
0x15: {  	[smem:$0x3FB0] =	sst s0;
	s0 =	simm.s32 @!p2 $0x0  }
0x16: {  	s3 =	sld [smem:$0x3FDB];
	s0 =	simm.s32 @p2 $0x1  }
0x17: {  	s4 =	simm.s32 $0x1BF5;
	[smem:$0x3FB2] =	sst s0  }
0x18: {  	s0 =	sld [smem:$0x3F95];
	_ =	swait.ge [sflag:s4], $0x0  }
0x19: {  	s7 =	sld [smem:$0x3F96]  }
0x1a: {  	s8 =	sadd.s32 $0xFFFFE003, lr  }
0x1b: {  	s9 =	sadd.s32 $0xFFFFFEF7, lr;
	s5 =	simm.s32 $0xFFFFFFFF;
	p2 =	slt.u32 s8, $0xFFFFF086  }
0x1c: {  	p1 =	slt.u32 s9, $0xF7A;
	s5 =	simm.s32 @!p2 $0x0  }
0x1d: {  	s5 =	simm.s32 @p1 $0x1;
	p0 =	seq.s32 s7, s2  }
0x1e: {  	s7 =	smul.u32 @!p0 $0xF7A, s2;
	p2 =	seq.s32 @!p0 s5, $0x0  }
0x1f: {  	s9 =	smul.u32 $0xF7A, s1;
	s8 =	simm.s32 @!p0 $0x1BF5;
	p2 =	por !p2, p0  }
0x20: {  	[sflag:s8] =	ssyncset.s32 @!p0 $0xFFFFF086;
	s6 =	sadd.s32 @!p0 s3, s7;
	s7 =	simm.s32 @!p0 $0x108  }
0x21: {  	s3 =	sadd.s32 s3, s9;
	s6 =	sadd.s32 @!p0 $0x88, s6;
	s7 =	simm.s32 @p2 $0x1082  }
0x22: {  	[simem:s7], [sflag:s8] =	dma.local @!p0 [hbm:s6], $0xF7A  }
0x23: {  	s9 =	sor.u32 $0xD0000000, s2;
	s6 =	simm.s32 $0x108;
	_ =	swait.ge @!p0 [sflag:s8], $0x0  }
0x24: {  	s3 =	sadd.s32 $0x88, s3;
	s6 =	simm.s32 @!p1 $0x1082;
	[sflag:s4] =	ssyncset.s32 $0xFFFFF086  }
0x25: {  	[simem:s6], [sflag:s4] =	dma.local [hbm:s3], $0xF7A  }
0x26: {  	[smem:$0x3F96] =	sst s1;
	(tag) =	ssettag s2;
	_ =	strace s9  }
0x27: {  	s1 =	sld [smem:$0x3FA6]  }
0x28: {  	s2 =	sld [smem:$0x3FA7]  }
0x29: {  	s4 =	sld [smem:$0x3FA9]  }
0x2a: {  	p0 =	seq.s32 s5, $0x0;
	s5 =	sld [smem:$0x3FAA]  }
0x2b: {  	s6 =	sld [smem:$0x3FAB]  }
0x2c: {  	s7 =	sld [smem:$0x3FAC]  }
0x2d: {  	s3 =	simm.s32 $0x108;
	s8 =	sld [smem:$0x3FAD]  }
0x2e: {  	s3 =	simm.s32 @!p0 $0x1082;
	s9 =	sld [smem:$0x3FAE]  }
0x2f: {  	lr =	sadd.s32 s0, s3;
	s0 =	sld [smem:$0x3FA5]  }
0x30: {  	s3 =	sld [smem:$0x3FA8]  }
0x31: {  	[smem:$0x3FB1] =	sst s10  }
0x32: {  	s10 =	sld [smem:$0x3FAF];
	_ =	sdelay $0x3  }
0x33: {  	p0 =	seq.s32 s10, $0x1;
	s10 =	sld [smem:$0x3FB1];
	_ =	sdelay $0x3  }
0x34: {  	[smem:$0x3FB1] =	sst s10  }
0x35: {  	s10 =	sld [smem:$0x3FB0];
	_ =	sdelay $0x3  }
0x36: {  	p1 =	seq.s32 s10, $0x1;
	s10 =	sld [smem:$0x3FB1];
	_ =	sdelay $0x3  }
0x37: {  	[smem:$0x3FB1] =	sst s10  }
0x38: {  	s10 =	sld [smem:$0x3FB2]  }
0x39: {  	_ = 	snop;
	(pc) =	sbr.ind lr, $3  }
0x3a: {  	_ = 	snop  }
0x3b: {  	_ = 	snop  }
0x3c: {  	p2 =	seq.s32 s10, $0x1;
	s10 =	sld [smem:$0x3FB1]  }
0x3d: {  	_ =	shalt  }
0x3e: {  	_ =	shalt  }
0x3f: {  	_ =	shalt  }
0x40: {  	_ =	shalt  }
0x41: {  	_ =	shalt  }
0x42: {  	_ =	shalt  }
0x43: {  	_ =	shalt  }
0x44: {  	_ =	shalt  }
0x45: {  	_ =	shalt  }
0x46: {  	_ =	shalt  }
0x47: {  	_ =	shalt  }
0x48: {  	_ =	shalt  }
0x49: {  	_ =	shalt  }
0x4a: {  	_ =	shalt  }
0x4b: {  	_ =	shalt  }
0x4c: {  	_ =	shalt  }
0x4d: {  	_ =	shalt  }
0x4e: {  	_ =	shalt  }
0x4f: {  	_ =	shalt  }
0x50: {  	_ =	shalt  }
0x51: {  	_ =	shalt  }
0x52: {  	_ =	shalt  }
0x53: {  	_ =	shalt  }
0x54: {  	_ =	shalt  }
0x55: {  	_ =	shalt  }
0x56: {  	_ =	shalt  }
0x57: {  	_ =	shalt  }
0x58: {  	_ =	shalt  }
0x59: {  	_ =	shalt  }
0x5a: {  	_ =	shalt  }
0x5b: {  	_ =	shalt  }
0x5c: {  	_ =	shalt  }
0x5d: {  	_ =	shalt  }
0x5e: {  	_ =	shalt  }
0x5f: {  	_ =	shalt  }
0x60: {  	_ =	shalt  }
0x61: {  	_ =	shalt  }
0x62: {  	_ =	shalt  }
0x63: {  	_ =	shalt  }
0x64: {  	_ =	shalt  }
0x65: {  	_ =	shalt  }
0x66: {  	_ =	shalt  }
0x67: {  	_ =	shalt  }
0x68: {  	_ =	shalt  }
0x69: {  	_ =	shalt  }
0x6a: {  	_ =	shalt  }
0x6b: {  	_ =	shalt  }
0x6c: {  	_ =	shalt  }
0x6d: {  	_ =	shalt  }
0x6e: {  	_ =	shalt  }
0x6f: {  	_ =	shalt  }
0x70: {  	_ =	shalt  }
0x71: {  	_ =	shalt  }
0x72: {  	_ =	shalt  }
0x73: {  	_ =	shalt  }
0x74: {  	_ =	shalt  }
0x75: {  	_ =	shalt  }
0x76: {  	_ =	shalt  }
0x77: {  	_ =	shalt  }
0x78: {  	_ =	shalt  }
0x79: {  	_ =	shalt  }
0x7a: {  	_ =	shalt  }
0x7b: {  	_ =	shalt  }
0x7c: {  	_ =	shalt  }
0x7d: {  	_ =	shalt  }
0x7e: {  	_ =	shalt  }
0x7f: {  	_ =	shalt  }
0x80: {  	_ =	shalt  }
0x81: {  	_ =	shalt  }
0x82: {  	_ =	shalt  }
0x83: {  	_ =	shalt  }
0x84: {  	_ =	shalt  }
0x85: {  	_ =	shalt  }
0x86: {  	_ =	shalt  }
0x87: {  	_ =	shalt  }
.Lfunc_end0:
.L_simem_size_0:
called_computation.3_lowered:
.L_overlay_start_0:
0x88: {  	s2 =	sld [smem:$0x3FD9]  }
0x89: {  	s3 =	sld [smem:$0x3FFE];
	_ =	sdelay $0x1  }
0x8a: {  	s1 =	srdreg.scid  }
0x8b: {  	s0 =	sand.u32 $0x1, s1  }
0x8c: {  	s17 =	sshll.u32 s0, $0xA;
	s2 =	sadd.s32 s3, s2  }
0x8d: {  	s2 =	sadd.s32 s2, s17  }
0x8e: {  	[smem:$0x3FBD] =	sst s2  }
0x8f: {  	_ = 	snop  }
0x90: {  	s2 =	sld [smem:$0x3FD0];
	(tm) =	ssettm $0x1  }
0x91: {  	s18 =	sld [smem:$0x3FFB];
	_ =	sdelay $0x3  }
0x92: {  	_ =	strace s18  }
0x93: {  	s3 =	sld [smem:$0x3FFC];
	_ =	sdelay $0x3  }
0x94: {  	_ =	strace s3  }
0x95: {  	s3 =	sld [smem:$0x3FFD];
	_ =	sdelay $0x3  }
0x96: {  	_ =	strace s3  }
0x97: {  	_ =	strace $0x8FFFFFFF  }
0x98: {  	s19 =	sld [smem:$0x3FDB];
	_ =	sdelay $0x1  }
0x99: {  	s4 =	simm.s32 $_scs_section_size  }
0x9a: {  	s5 =	simm.s32 $_size__tile_overlayer_lowered;
	s6 =	simm.s32 $_tile_overlayer_lowered  }
0x9b: {  	s22 =	simm.s32 $0x1BFF;
	s21 =	sshll.u32 s6, $0x1;
	s3 =	sadd.s32 s4, s19  }
0x9c: {  	s7 =	simm.s32 $0x0;
	s20 =	sshll.u32 s5, $0x1;
	s5 =	sadd.s32 s21, s3  }
0x9d: {  	[timem:s7], [sflag:s22] =	dma.local [hbm:s5], s20  }
0x9e: {  	_ =	swait.ge [sflag:s22], s20  }
0x9f: {  	s4 =	ssub.s32 $0x0, s20;
	[sflag:s22] =	ssyncset.done $0x0  }
0xa0: {  	[sflag:s22] =	ssyncadd.s32 s4;
	_ =	sdelay $0x1  }
0xa1: {  	s23 =	simm.s32 $0x1B8B  }
0xa2: {  	_ =	swait.ge [sflag:s23], $0x1  }
0xa3: {  	[sflag:s23] =	ssyncset.done $0x0  }
0xa4: {  	s25 =	simm.s32 $0x1B8E;
	s24 =	sld [smem:$0x3FFE];
	[sflag:s23] =	ssyncadd.s32 $0xFFFFFFFF  }
0xa5: {  	s26 =	simm.s32 $execute0_lowered;
	[smem:$0x3FD2] =	sst s25  }
0xa6: {  	s5 =	sshll.u32 s26, $0x1;
	_ =	strace $0x8000004F;
	[dreg:$0x1] =	wrdreg $0xFFFFFFFF  }
0xa7: {  	s28 =	simm.s32 $_size_execute0_lowered;
	s3 =	sadd.s32 s3, s5;
	[dreg:$0x0] =	wrdreg $0x0  }
0xa8: {  	s5 =	sshll.u32 s28, $0x1;
	[dreg:$0x2] =	wrdreg s3  }
0xa9: {  	[dreg:$0x3] =	wrdreg s5  }
0xaa: {  	[dreg:$0x4] =	wrdreg $0xC0  }
0xab: {  	_ =	task [dreg:s7], $0x5FFFF  }
0xac: {  	[dreg:$0x1] =	wrdreg $0xFFFFFFFF  }
0xad: {  	[dreg:$0x0] =	wrdreg $0x60  }
0xae: {  	[dreg:$0x2] =	wrdreg s2  }
0xaf: {  	[dreg:$0x3] =	wrdreg s24  }
0xb0: {  	[dreg:$0x4] =	wrdreg $0x82000  }
0xb1: {  	[dreg:$0x5] =	wrdreg $0x9  }
0xb2: {  	_ =	task.clear_ibuf [dreg:s7], $0x6FFFF;
	_ =	strace $0x9000004F  }
0xb3: {  	s29 =	simm.s32 $0x9;
	_ =	strace $0x80000051  }
0xb4: {  	_ =	swait.ge [sflag:s29], $0x1  }
0xb5: {  	[sflag:s29] =	ssyncadd.s32 $0xFFFFFFFF  }
0xb6: {  	_ =	strace $0x90000051  }
0xb7: {  	_ =	sfence  }
0xb8: {  	s30 =	sld [smem:$0x0];
	_ =	sdelay $0x2  }
0xb9: {  	s31 =	sshll.u32 s1, $0xD;
	s1 =	sshrl.u32 s1, $0x2  }
0xba: {  	s3 =	sand.u32 $0x4000, s31;
	s1 =	sadd.s32 s1, s30  }
0xbb: {  	s0 =	sor.u32 s3, s0;
	s1 =	sshll.u32 s1, $0x11  }
0xbc: {  	s0 =	sor.u32 s1, s0  }
0xbd: {  	s0 =	sadd.s32 $0x8F2B, s0  }
0xbe: {  	[sflag:s0] =	ssyncadd.remote.s32 $0x1  }
0xbf: {  	_ =	sfence.sel $0xFFFF  }
0xc0: {  	[dreg:$0x0] =	wrdreg $0xFFFFFFFF;
	(pc) =	sbr.abs _section_cstart, $3  }
0xc1: {  	[dreg:$0x1] =	wrdreg $0xFFFFFFFF  }
0xc2: {  	_ =	task.clear_ibuf [dreg:s7], $0x2FFFF;
	_ =	strace $0x9FFFFFFF  }
0xc3: {  	(tm) =	ssettm $0x7FFFFFFF  }
tec
execute0_lowered:
.L_overlay_start_1:
0x0: {  	(tag) =	ssettag $0x1  }
0x1: {  	s1 =	rddreg [dreg:$0x0]  }
0x2: {  	s0 =	rddreg [dreg:$0x1]  }
0x3: {  	s2 =	rddreg [dreg:$0x2];
	s3 =	srdreg.scid  }
0x4: {  	s4 =	simm.s32 $0x0;
	s13 =	stileid.u32;
	s19 =	simm.s32 $0x7  }
0x5: {  	s28 =	simm.s32 $0x3;
	s29 =	simm.s32 $0x4;
	s30 =	simm.s32 $0x5  }
0x6: {  	s31 =	simm.s32 $0x6;
	s3 =	sand.u32 $0x1, s3;
	s9 =	smul.u32 $0x1400, s13  }
0x7: {  	[smem:$0x7FF] =	sst s4;
	s10 =	sadd.s32 $0x17600, s0;
	s11 =	smul.u32 $0x3C00, s13  }
0x8: {  	s12 =	smul.u32 $0x50000, s13;
	s23 =	sshll.u32 s13, $0x6;
	s5 =	sshll.u32 s3, $0x4  }
0x9: {  	_ =	strace $0x80000050;
	s8 =	ssub.s32 $0x2, s3;
	[dreg:$0x4] =	wrdreg s10  }
0xa: {  	p0 =	seq.s32 s3, $0x0;
	s6 =	sor.u32 s13, s5;
	s5 =	sadd.s32 $0xD600, s0  }
0xb: {  	s20 =	sshrl.u32 s8, $0x1;
	s3 =	sadd.s32 $0x3C000, s9;
	s22 =	sshrl.u32 s12, $0x2  }
0xc: {  	s7 =	smul.u32 $0x2800, s6;
	s6 =	sadd.s32 $0x3600, s0;
	s21 =	ssub.s32 s8, s20  }
0xd: {  	s3 =	smov.u32 @p0 s11;
	s18 =	sadd.s32 s22, s2;
	s8 =	sor.u32 $0x1C07, s23  }
0xe: {  	s11 =	simm.s32 $0x3B;
	s20 =	simm.s32 $0x100;
	s22 =	simm.s32 $0x180  }
0xf: {  	s23 =	simm.s32 $0x1;
	s3 =	sshrl.u32 s3, $0x3;
	s11 =	simm.s32 @!p0 $0x13  }
0x10: {  	s15 =	smax.u32 s21, $0x1;
	s18 =	sshrl.u32 s18, $0x3;
	s21 =	simm.s32 $0x80  }
0x11: {  	s0 =	sadd.s32 s7, s0;
	s24 =	sadd.s32 s5, s3;
	s25 =	sadd.s32 s6, s3  }
0x12: {  	s26 =	sor.u32 $0x10, s3;
	s16 =	sor.u32 $0x30, s3;
	[dreg:$0x5] =	wrdreg s24  }
0x13: {  	s17 =	sor.u32 $0x20, s3;
	[dreg:$0x6] =	wrdreg s25;
	s12 =	sadd.s32 s5, s26  }
0x14: {  	s13 =	sadd.s32 s6, s26;
	s14 =	sadd.s32 $0x41E00, s0;
	s24 =	simm.s32 $0x200  }
0x15: {  	s25 =	simm.s32 $0x2;
	s26 =	simm.s32 $0x4200;
	s0 =	simm.s32 $0x0  }
.LBB2_1:
0x16: {  	s3 =	rddreg [dreg:$0x4]  }
0x17: {  	[spmem:s18], [sflag:s8] =	dma.local [hbm:s3], $0x2800  }
0x18: {  	_ =	swait.ge [sflag:s19], $0x2800  }
0x19: {  	[sflag:s19] =	ssyncset.done $0x0  }
0x1a: {  	[sflag:s19] =	ssyncadd.s32 $0xFFFFD800  }
0x1b: {  	[bflag:$0x0] =	sbarrier.arrive $0xFFFF  }
0x1c: {  	s7 =	rddreg [dreg:$0x5]  }
0x1d: {  	[tilespmem:s4], [sflag:$0x1] =	stream.linear.gather [hbm4b:s7+s4], $0x80, $0x38;
	[tilespmem:$0x1C200] =	vst v63  }
0x1e: {  	s9 =	rddreg [dreg:$0x6]  }
0x1f: {  	[tilespmem:s20], [sflag:$0x1] =	stream.linear.gather [hbm4b:s9+s4], $0x80, $0x38;
	[tilespmem:$0x1C200] =	vst v63  }
0x20: {  	_ = 	snop  }
0x21: {  	[tilespmem:s21], [sflag:$0x2] =	stream.linear.gather [hbm4b:s12+s4], $0x80, $0x38;
	[tilespmem:$0x1C200] =	vst v63  }
0x22: {  	_ = 	snop  }
0x23: {  	[tilespmem:s22], [sflag:$0x2] =	stream.linear.gather [hbm4b:s13+s4], $0x80, $0x38;
	[tilespmem:$0x1C200] =	vst v63  }
0x24: {  	_ =	swait.ge [sflag:s23], $0x80  }
0x25: {  	[sflag:s23] =	ssyncset.done $0x0  }
0x26: {  	[sflag:s23] =	ssyncadd.s32 $0xFFFFFF80  }
0x27: {  	_ =	swait.ge [sflag:s23], $0x80  }
0x28: {  	[sflag:s23] =	ssyncset.done $0x0  }
0x29: {  	[sflag:s23] =	ssyncadd.s32 $0xFFFFFF80  }
0x2a: {  	[tilespmem:s24], [sflag:$0x3] =	stream.indirect.gather [hbm4b:s1+s21], $0x80, s4, s21, $0xb8;
	[tilespmem:$0x1C200] =	vst v63  }
0x2b: {  	_ =	swait.ge [sflag:s25], $0x80  }
0x2c: {  	[sflag:s25] =	ssyncset.done $0x0  }
0x2d: {  	[sflag:s25] =	ssyncadd.s32 $0xFFFFFF80  }
0x2e: {  	_ =	swait.ge [sflag:s25], $0x80  }
0x2f: {  	[sflag:s25] =	ssyncset.done $0x0  }
0x30: {  	[sflag:s25] =	ssyncadd.s32 $0xFFFFFF80  }
0x31: {  	[tilespmem:s26], [sflag:$0x4] =	stream.indirect.gather [hbm4b:s1+s21], $0x80, s21, s21, $0xb8;
	[tilespmem:$0x1C200] =	vst v63  }
0x32: {  	_ =	swait.ge [sflag:s28], $0x4000  }
0x33: {  	[sflag:s28] =	ssyncset.done $0x0  }
0x34: {  	[sflag:s28] =	ssyncadd.s32 $0xFFFFC000  }
0x35: {  	[spmem:s2] =	stream.indirect.scatter.add.f32 [tilespmem:s24], [sflag:$0x5], $0x80, s20, s21, $0xb8;
	[tilespmem:$0x1C200] =	vst v63  }
0x36: {  	_ =	swait.ge [sflag:s29], $0x4000  }
0x37: {  	[sflag:s29] =	ssyncset.done $0x0  }
0x38: {  	[sflag:s29] =	ssyncadd.s32 $0xFFFFC000  }
0x39: {  	[spmem:s2] =	stream.indirect.scatter.add.f32 [tilespmem:s26], [sflag:$0x6], $0x80, s22, s21, $0xb8;
	[tilespmem:$0x1C200] =	vst v63  }
0x3a: {  	_ =	swait.ge [sflag:s30], $0x4000  }
0x3b: {  	[sflag:s30] =	ssyncset.done $0x0  }
0x3c: {  	s10 =	sadd.s32 s5, s17;
	[sflag:s30] =	ssyncadd.s32 $0xFFFFC000  }
0x3d: {  	[tilespmem:s4], [sflag:$0x1] =	stream.linear.gather [hbm4b:s10+s4], $0x80, $0x38;
	[tilespmem:$0x1C200] =	vst v63  }
0x3e: {  	s7 =	sadd.s32 s6, s17  }
0x3f: {  	[tilespmem:s20], [sflag:$0x1] =	stream.linear.gather [hbm4b:s7+s4], $0x80, $0x38;
	[tilespmem:$0x1C200] =	vst v63  }
0x40: {  	_ =	swait.ge [sflag:s23], $0x80  }
0x41: {  	[sflag:s23] =	ssyncset.done $0x0  }
0x42: {  	[sflag:s23] =	ssyncadd.s32 $0xFFFFFF80  }
0x43: {  	_ =	swait.ge [sflag:s23], $0x80  }
0x44: {  	[sflag:s23] =	ssyncset.done $0x0  }
0x45: {  	[sflag:s23] =	ssyncadd.s32 $0xFFFFFF80  }
0x46: {  	[tilespmem:s24], [sflag:$0x3] =	stream.indirect.gather [hbm4b:s1+s21], $0x80, s4, s21, $0xb8;
	[tilespmem:$0x1C200] =	vst v63  }
0x47: {  	_ =	swait.ge [sflag:s31], $0x4000  }
0x48: {  	[sflag:s31] =	ssyncset.done $0x0  }
0x49: {  	s9 =	sadd.s32 s5, s16;
	[sflag:s31] =	ssyncadd.s32 $0xFFFFC000  }
0x4a: {  	[tilespmem:s21], [sflag:$0x2] =	stream.linear.gather [hbm4b:s9+s4], $0x80, $0x38;
	[tilespmem:$0x1C200] =	vst v63  }
0x4b: {  	s10 =	sadd.s32 s6, s16  }
0x4c: {  	[tilespmem:s22], [sflag:$0x2] =	stream.linear.gather [hbm4b:s10+s4], $0x80, $0x38;
	[tilespmem:$0x1C200] =	vst v63  }
0x4d: {  	p0 =	sne.s32 s11, $0x1;
	_ =	swait.ge [sflag:s25], $0x80  }
.Ltmp0:
0x4e: {  	[sflag:s25] =	ssyncset.done $0x0;
	(pc) =	sbr.rel @!p0 .LBB2_3-.Ltmp0, $4  }
0x4f: {  	[sflag:s25] =	ssyncadd.s32 $0xFFFFFF80  }
0x50: {  	_ =	swait.ge [sflag:s25], $0x80  }
0x51: {  	s3 =	sadd.s32 $0xFFFFFFFF, s11;
	[sflag:s25] =	ssyncset.done $0x0  }
0x52: {  	s7 =	sadd.s32 $0x20, s6;
	s9 =	sadd.s32 $0x20, s5;
	[sflag:s25] =	ssyncadd.s32 $0xFFFFFF80  }
.LBB2_2:
0x53: {  	[tilespmem:s26], [sflag:$0x4] =	stream.indirect.gather [hbm4b:s1+s21], $0x80, s21, s21, $0xb8;
	[tilespmem:$0x1C200] =	vst v63  }
0x54: {  	p0 =	sne.s32 s3, $0x1;
	s3 =	sadd.s32 $0xFFFFFFFF, s3;
	_ =	swait.ge [sflag:s28], $0x4000  }
0x55: {  	[sflag:s28] =	ssyncset.done $0x0  }
0x56: {  	[sflag:s28] =	ssyncadd.s32 $0xFFFFC000  }
0x57: {  	[spmem:s2] =	stream.indirect.scatter.add.f32 [tilespmem:s24], [sflag:$0x5], $0x80, s20, s21, $0xb8;
	[tilespmem:$0x1C200] =	vst v63  }
0x58: {  	_ =	swait.ge [sflag:s29], $0x4000  }
0x59: {  	[sflag:s29] =	ssyncset.done $0x0  }
0x5a: {  	[sflag:s29] =	ssyncadd.s32 $0xFFFFC000  }
0x5b: {  	[spmem:s2] =	stream.indirect.scatter.add.f32 [tilespmem:s26], [sflag:$0x6], $0x80, s22, s21, $0xb8;
	[tilespmem:$0x1C200] =	vst v63  }
0x5c: {  	_ =	swait.ge [sflag:s30], $0x4000  }
0x5d: {  	[sflag:s30] =	ssyncset.done $0x0  }
0x5e: {  	s10 =	sadd.s32 s9, s17;
	[sflag:s30] =	ssyncadd.s32 $0xFFFFC000  }
0x5f: {  	[tilespmem:s4], [sflag:$0x1] =	stream.linear.gather [hbm4b:s10+s4], $0x80, $0x38;
	[tilespmem:$0x1C200] =	vst v63  }
0x60: {  	s10 =	sadd.s32 s7, s17  }
0x61: {  	[tilespmem:s20], [sflag:$0x1] =	stream.linear.gather [hbm4b:s10+s4], $0x80, $0x38;
	[tilespmem:$0x1C200] =	vst v63  }
0x62: {  	_ =	swait.ge [sflag:s23], $0x80  }
0x63: {  	[sflag:s23] =	ssyncset.done $0x0  }
0x64: {  	[sflag:s23] =	ssyncadd.s32 $0xFFFFFF80  }
0x65: {  	_ =	swait.ge [sflag:s23], $0x80  }
0x66: {  	[sflag:s23] =	ssyncset.done $0x0  }
0x67: {  	[sflag:s23] =	ssyncadd.s32 $0xFFFFFF80  }
0x68: {  	[tilespmem:s24], [sflag:$0x3] =	stream.indirect.gather [hbm4b:s1+s21], $0x80, s4, s21, $0xb8;
	[tilespmem:$0x1C200] =	vst v63  }
0x69: {  	_ =	swait.ge [sflag:s31], $0x4000  }
0x6a: {  	[sflag:s31] =	ssyncset.done $0x0  }
0x6b: {  	s10 =	sadd.s32 s9, s16;
	[sflag:s31] =	ssyncadd.s32 $0xFFFFC000  }
0x6c: {  	[tilespmem:s21], [sflag:$0x2] =	stream.linear.gather [hbm4b:s10+s4], $0x80, $0x38;
	[tilespmem:$0x1C200] =	vst v63  }
0x6d: {  	s10 =	sadd.s32 s7, s16  }
0x6e: {  	[tilespmem:s22], [sflag:$0x2] =	stream.linear.gather [hbm4b:s10+s4], $0x80, $0x38;
	[tilespmem:$0x1C200] =	vst v63  }
0x6f: {  	_ =	swait.ge [sflag:s25], $0x80  }
.Ltmp1:
0x70: {  	[sflag:s25] =	ssyncset.done $0x0;
	(pc) =	sbr.rel @p0 .LBB2_2-.Ltmp1, $4  }
0x71: {  	[sflag:s25] =	ssyncadd.s32 $0xFFFFFF80  }
0x72: {  	_ =	swait.ge [sflag:s25], $0x80  }
0x73: {  	[sflag:s25] =	ssyncset.done $0x0  }
0x74: {  	s9 =	sadd.s32 $0x20, s9;
	s7 =	sadd.s32 $0x20, s7;
	[sflag:s25] =	ssyncadd.s32 $0xFFFFFF80  }
.LBB2_3:
0x75: {  	[tilespmem:s26], [sflag:$0x4] =	stream.indirect.gather [hbm4b:s1+s21], $0x80, s21, s21, $0xb8;
	[tilespmem:$0x1C200] =	vst v63  }
0x76: {  	_ =	swait.ge [sflag:s28], $0x4000  }
0x77: {  	[sflag:s28] =	ssyncset.done $0x0  }
0x78: {  	[sflag:s28] =	ssyncadd.s32 $0xFFFFC000  }
0x79: {  	[spmem:s2] =	stream.indirect.scatter.add.f32 [tilespmem:s24], [sflag:$0x5], $0x80, s20, s21, $0xb8;
	[tilespmem:$0x1C200] =	vst v63  }
0x7a: {  	_ =	swait.ge [sflag:s29], $0x4000  }
0x7b: {  	[sflag:s29] =	ssyncset.done $0x0  }
0x7c: {  	[sflag:s29] =	ssyncadd.s32 $0xFFFFC000  }
0x7d: {  	[spmem:s2] =	stream.indirect.scatter.add.f32 [tilespmem:s26], [sflag:$0x6], $0x80, s22, s21, $0xb8;
	[tilespmem:$0x1C200] =	vst v63  }
0x7e: {  	_ =	swait.ge [sflag:s30], $0x4000  }
0x7f: {  	[sflag:s30] =	ssyncset.done $0x0  }
0x80: {  	[sflag:s30] =	ssyncadd.s32 $0xFFFFC000  }
0x81: {  	_ =	swait.ge [sflag:s31], $0x4000  }
0x82: {  	s0 =	sadd.s32 $0x1, s0;
	[sflag:s31] =	ssyncset.done $0x0  }
0x83: {  	p0 =	sne.s32 s0, s15;
	[sflag:s31] =	ssyncadd.s32 $0xFFFFC000  }
.Ltmp2:
0x84: {  	[bflag:$0x0] =	sbarrier.arrive $0xFFFF;
	(pc) =	sbr.rel @p0 .LBB2_1-.Ltmp2, $4  }
0x85: {  	[hbm:s14], [sflag:s8] =	dma.local [spmem:s18], $0x2800  }
0x86: {  	_ =	swait.ge [sflag:s19], $0x2800  }
0x87: {  	[sflag:s19] =	ssyncset.done $0x0  }
0x88: {  	[sflag:s19] =	ssyncadd.s32 $0xFFFFD800  }
0x89: {  	_ =	sfence.sel $0x180000  }
0x8a: {  	[bflag:$0x0] =	sbarrier.arrive $0xFFFF  }
0x8b: {  	_ =	strace $0x90000050  }
0x8c: {  	s0 =	stileid.u32;
	[bflag:$0x2] =	sbarrier.arrive $0xFFFF  }
0x8d: {  	p0 =	sne.s32 s0, $0x0;
	s0 =	rddreg [dreg:$0x3]  }
0x8e: {  	s0 =	sadd.s32 @!p0 $0x100000, s0  }
0x8f: {  	[sflag:s0] =	ssyncadd.tile.s32 @!p0 $0x1;
	_ =	shalt  }
.Lfunc_end2:
_tile_overlayer_lowered:
.L_overlay_start_2:
0x90: {  	(tag) =	ssettag $0x2  }
0x91: {  	s0 =	rddreg [dreg:$0x0];
	s2 =	stileid.u32  }
0x92: {  	s1 =	rddreg [dreg:$0x1];
	p0 =	sne.s32 s2, $0x0  }
0x93: {  	s3 =	rddreg [dreg:$0x2];
	[bflag:$0x3] =	sbarrier.arrive $0xFFFF;
	s2 =	simm.s32 @!p0 $0x1C07  }
0x94: {  	[timem:s3], [sflag:s2] =	dma.local @!p0 [hbm:s0], s1  }
0x95: {  	s0 =	simm.s32 @!p0 $0x7  }
0x96: {  	_ =	swait.ge @!p0 [sflag:s0], s1  }
0x97: {  	s1 =	ssub.s32 @!p0 $0x0, s1;
	[sflag:s0] =	ssyncset.done @!p0 $0x0  }
0x98: {  	[sflag:s0] =	ssyncadd.s32 @!p0 s1  }
0x99: {  	[bflag:$0x3] =	sbarrier.arrive $0xFFFF  }
0x9a: {  	_ =	shalt  }

</sc_bundles>
